<compile_context>
chip_gen: v7x
topology: tpu7x:2x2x1
jax: 0.10.2.dev20260603
libtpu: 0.0.44.dev20260713+nightly
codegen_flags: <defaults>
</compile_context>

<pallas_src>
import jax
import jax.numpy as jnp
from jax import lax
from jax.experimental import pallas as pl
from jax.experimental.pallas import tpu as pltpu
from jax.experimental.pallas import tpu_sc as plsc

N_NODES = 10000
N_EDGES = 320000
D = 128

NC = 2
NS = 16
NW = NC * NS
C = 128
K = 80
EPW = K * C
E_PAD = NW * EPW
NPAD = 10240
DUMMY = 10200
RPT = NPAD // NS


def _make_sc_agg(with_cnt):
    mesh = plsc.VectorSubcoreMesh(core_axis_name="c", subcore_axis_name="s")

    out_type = [jax.ShapeDtypeStruct((NC, NPAD, D), jnp.float32)]
    scratch = [
        pltpu.VMEM((1, C), jnp.int32),
        pltpu.VMEM((1, C), jnp.int32),
        pltpu.VMEM((1, C), jnp.int32),
        pltpu.VMEM((1, C), jnp.int32),
        pltpu.VMEM((C, D), jnp.float32),
        pltpu.VMEM((C, D), jnp.float32),
        pltpu.VMEM_SHARED((NPAD, D), jnp.float32),
        pltpu.SemaphoreType.DMA,
        pltpu.SemaphoreType.DMA,
    ]
    if with_cnt:
        out_type.append(jax.ShapeDtypeStruct((NC * NPAD,), jnp.float32))
        scratch += [
            pltpu.VMEM((RPT,), jnp.float32),
            pltpu.VMEM((C,), jnp.float32),
            pltpu.VMEM_SHARED((NPAD,), jnp.float32)
        ]

    def body(*refs):
        if with_cnt:
            (table_hbm, src_hbm, dst_hbm, agg_out, cnt_out,
             sidx0, didx0, sidx1, didx1, rows0, rows1, aggS, sem0, sem1,
             cntV, onesC, cntS) = refs
        else:
            (table_hbm, src_hbm, dst_hbm, agg_out,
             sidx0, didx0, sidx1, didx1, rows0, rows1, aggS,
             sem0, sem1) = refs
        sidx = (sidx0, sidx1)
        didx = (didx0, didx1)
        rows_b = (rows0, rows1)
        sem = (sem0, sem1)
        rows = rows0

        cid = lax.axis_index("c")
        sid = lax.axis_index("s")
        wid = sid * NC + cid

        def zrow(i, _):
            r = i // (D // 16)
            c = lax.rem(i, D // 16)
            rows[r, pl.ds(c * 16, 16)] = jnp.zeros((16,), jnp.float32)
            return 0
        lax.fori_loop(0, C * (D // 16), zrow, 0)

        base = sid * RPT
        nfull = RPT // C
        for j in range(nfull):
            pltpu.sync_copy(rows, aggS.at[pl.ds(base + j * C, C)])

        if with_cnt:
            def zcnt(i, _):
                cntV[pl.ds(i * 16, 16)] = jnp.zeros((16,), jnp.float32)
                return 0
            lax.fori_loop(0, RPT // 16, zcnt, 0)
            pltpu.sync_copy(cntV, cntS.at[pl.ds(base, RPT)])

            def ofill(i, _):
                onesC[pl.ds(i * 16, 16)] = jnp.ones((16,), jnp.float32)
                return 0
            lax.fori_loop(0, C // 16, ofill, 0)

        pltpu.sync_copy(src_hbm.at[wid, 0], sidx[0])
        pltpu.sync_copy(dst_hbm.at[wid, 0], didx[0])
        pltpu.async_copy(table_hbm.at[sidx[0].at[0]], rows_b[0], sem[0])

        plsc.subcore_barrier()

        def step2(g, _):
            for p in (0, 1):
                i = 2 * g + p
                nb = 1 - p

                @pl.when(i + 1 < K)
                def _():
                    pltpu.sync_copy(src_hbm.at[wid, i + 1], sidx[nb])
                    pltpu.sync_copy(dst_hbm.at[wid, i + 1], didx[nb])
                    pltpu.async_copy(table_hbm.at[sidx[nb].at[0]],
                                     rows_b[nb], sem[nb])

                pltpu.make_async_copy(table_hbm.at[sidx[p].at[0]],
                                      rows_b[p], sem[p]).wait()
                pltpu.sync_copy(rows_b[p], aggS.at[didx[p].at[0]], add=True)
                if with_cnt:
                    pltpu.sync_copy(onesC, cntS.at[didx[p].at[0]], add=True)
            return 0
        lax.fori_loop(0, K // 2, step2, 0)

        plsc.subcore_barrier()

        if with_cnt:
            pltpu.sync_copy(cntS.at[pl.ds(base, RPT)], cntV)
            pltpu.sync_copy(cntV,
                            cnt_out.at[pl.ds(cid * NPAD + base, RPT)])

        for j in range(nfull):
            pltpu.sync_copy(aggS.at[pl.ds(base + j * C, C)], rows)
            pltpu.sync_copy(rows, agg_out.at[cid, pl.ds(base + j * C, C)])

    out = tuple(out_type) if with_cnt else out_type[0]
    return pl.kernel(body, out_type=out, mesh=mesh,
                     scratch_types=tuple(scratch))


_sc_agg_l1 = _make_sc_agg(with_cnt=True)
_sc_agg_l2 = _make_sc_agg(with_cnt=False)

BR = 512
NBLK = NPAD // BR


def _tc1_body(agg_ref, cnt_ref, x_ref, wl_ref, b_ref, wr_ref,
              h_ref, inv_ref):
    onesw = jnp.ones((NC, 1), jnp.float32)
    cnt = lax.dot_general(cnt_ref[...], onesw, (((0,), (0,)), ((), ())),
                          preferred_element_type=jnp.float32)
    inv = 1.0 / jnp.maximum(cnt, 1.0)
    a = (agg_ref[0] + agg_ref[1]) * inv
    hl = lax.dot_general(a, wl_ref[...], (((1,), (1,)), ((), ())),
                         preferred_element_type=jnp.float32)
    hr = lax.dot_general(x_ref[...], wr_ref[...], (((1,), (1,)), ((), ())),
                         preferred_element_type=jnp.float32)
    h_ref[...] = jnp.maximum(hl + hr + b_ref[...], 0.0)
    inv_ref[...] = jnp.broadcast_to(inv, (BR, 16))


def _tc2_body(agg_ref, inv_ref, h_ref, wl_ref, b_ref, wr_ref, out_ref):
    inv = inv_ref[:, 0:1]
    a = (agg_ref[0] + agg_ref[1]) * inv
    ol = lax.dot_general(a, wl_ref[...], (((1,), (1,)), ((), ())),
                         preferred_element_type=jnp.float32)
    orr = lax.dot_general(h_ref[...], wr_ref[...], (((1,), (1,)), ((), ())),
                          preferred_element_type=jnp.float32)
    out_ref[...] = ol + orr + b_ref[...]


_tc1 = pl.pallas_call(
    _tc1_body,
    grid=(NBLK,),
    in_specs=[
        pl.BlockSpec((NC, BR, D), lambda i: (0, i, 0)),
        pl.BlockSpec((NC, BR), lambda i: (0, i)),
        pl.BlockSpec((BR, D), lambda i: (i, 0)),
        pl.BlockSpec((D, D), lambda i: (0, 0)),
        pl.BlockSpec((1, D), lambda i: (0, 0)),
        pl.BlockSpec((D, D), lambda i: (0, 0)),
    ],
    out_specs=[
        pl.BlockSpec((BR, D), lambda i: (i, 0)),
        pl.BlockSpec((BR, 16), lambda i: (i, 0)),
    ],
    out_shape=[
        jax.ShapeDtypeStruct((NPAD, D), jnp.float32),
        jax.ShapeDtypeStruct((NPAD, 16), jnp.float32),
    ],
)

_tc2 = pl.pallas_call(
    _tc2_body,
    grid=(NBLK,),
    in_specs=[
        pl.BlockSpec((NC, BR, D), lambda i: (0, i, 0)),
        pl.BlockSpec((BR, 16), lambda i: (i, 0)),
        pl.BlockSpec((BR, D), lambda i: (i, 0)),
        pl.BlockSpec((D, D), lambda i: (0, 0)),
        pl.BlockSpec((1, D), lambda i: (0, 0)),
        pl.BlockSpec((D, D), lambda i: (0, 0)),
    ],
    out_specs=pl.BlockSpec((BR, D), lambda i: (i, 0)),
    out_shape=jax.ShapeDtypeStruct((NPAD, D), jnp.float32),
)


def kernel(x, edge_index, W1l, b1, W1r, W2l, b2, W2r):
    ei = edge_index.astype(jnp.int32)
    pad = E_PAD - N_EDGES
    src = jnp.concatenate([ei[0], jnp.zeros((pad,), jnp.int32)])
    dst = jnp.concatenate([ei[1], jnp.full((pad,), DUMMY, jnp.int32)])
    src = src.reshape(NW, K, 1, C)
    dst = dst.reshape(NW, K, 1, C)

    xp = jnp.concatenate(
        [x, jnp.zeros((NPAD - N_NODES, D), jnp.float32)], axis=0)
    agg1p, cnt1p = _sc_agg_l1(xp, src, dst)
    h, inv = _tc1(agg1p, cnt1p.reshape(NC, NPAD), xp,
                  W1l, b1.reshape(1, D), W1r)
    agg2p = _sc_agg_l2(h, src, dst)
    out = _tc2(agg2p, inv, h, W2l, b2.reshape(1, D), W2r)
    return out[:N_NODES]

# --- scband reference (transcript-rebuilt; emitter-appended) ---
"""Pipeline reference for scband-graph-sagenet-56401510531240 (READ-ONLY COPY).

The authoritative reference and input builder live on the scoring server;
editing this copy changes nothing except your own understanding.
"""

import jax, jax.numpy as jnp
import numpy as np

N_NODES = 10000
N_EDGES = 320000
D_IN = 128
D_HID = 128
D_OUT = 128


def setup_inputs(seed: int = 0) -> dict:
    key = jax.random.key(seed)
    ks = jax.random.split(key, 8)
    x = jax.random.normal(ks[0], (N_NODES, D_IN), dtype=jnp.float32)
    edge_index = jax.random.randint(ks[1], (2, N_EDGES), 0, N_NODES, dtype=jnp.int64)
    s = 1.0 / np.sqrt(D_IN)
    W1l = jax.random.uniform(ks[2], (D_HID, D_IN), minval=-s, maxval=s, dtype=jnp.float32)
    b1 = jax.random.uniform(ks[3], (D_HID,), minval=-s, maxval=s, dtype=jnp.float32)
    W1r = jax.random.uniform(ks[4], (D_HID, D_IN), minval=-s, maxval=s, dtype=jnp.float32)
    s2 = 1.0 / np.sqrt(D_HID)
    W2l = jax.random.uniform(ks[5], (D_OUT, D_HID), minval=-s2, maxval=s2, dtype=jnp.float32)
    b2 = jax.random.uniform(ks[6], (D_OUT,), minval=-s2, maxval=s2, dtype=jnp.float32)
    W2r = jax.random.uniform(ks[7], (D_OUT, D_HID), minval=-s2, maxval=s2, dtype=jnp.float32)
    return {"x": x, "edge_index": edge_index, "W1l": W1l, "b1": b1, "W1r": W1r, "W2l": W2l, "b2": b2, "W2r": W2r}


def _sage_conv(x, edge_index, Wl, bl, Wr):
    # PyG SAGEConv with mean aggregation: out = lin_l(mean_j x_j) + lin_r(x)
    src = edge_index[0]
    dst = edge_index[1]
    msgs = jnp.take(x, src, axis=0)  # gather source node features per edge
    agg = jax.ops.segment_sum(msgs, dst, num_segments=N_NODES)
    cnt = jax.ops.segment_sum(jnp.ones((msgs.shape[0],), dtype=x.dtype), dst, num_segments=N_NODES)
    agg = agg / jnp.maximum(cnt, 1.0)[:, None]
    return agg @ Wl.T + bl + x @ Wr.T


def reference(x, edge_index, W1l, b1, W1r, W2l, b2, W2r):
    # eval mode: dropout is identity
    h = _sage_conv(x, edge_index, W1l, b1, W1r)
    h = jax.nn.relu(h)
    out = _sage_conv(h, edge_index, W2l, b2, W2r)
    return out

if __name__ == "__main__":
    import jax
    _d = setup_inputs()
    print(jax.jit(kernel)(*tuple(_d.values())))

</pallas_src>

<mosaic_0001>
#map = affine_map<(d0, d1) -> (0, 0)>
#map1 = affine_map<(d0, d1) -> (0, 0, 0, 0)>
#map2 = affine_map<(d0, d1) -> (0, 0, 0)>
#map3 = affine_map<(d0, d1) -> (0)>
module attributes {stable_mosaic.version = 14 : i64} {
  func.func @body(%arg0: i32, %arg1: i32, %arg2: memref<10240x128xf32, #tpu.memory_space<hbm>>, %arg3: memref<32x80x1x128xi32, #tpu.memory_space<hbm>>, %arg4: memref<32x80x1x128xi32, #tpu.memory_space<hbm>>, %arg5: memref<2x10240x128xf32, #tpu.memory_space<hbm>>, %arg6: memref<20480xf32, #tpu.memory_space<hbm>>, %arg7: memref<1x128xi32, #tpu.memory_space<vmem>>, %arg8: memref<1x128xi32, #tpu.memory_space<vmem>>, %arg9: memref<1x128xi32, #tpu.memory_space<vmem>>, %arg10: memref<1x128xi32, #tpu.memory_space<vmem>>, %arg11: memref<128x128xf32, #tpu.memory_space<vmem>>, %arg12: memref<128x128xf32, #tpu.memory_space<vmem>>, %arg13: memref<10240x128xf32, #tpu.memory_space<vmem_shared>>, %arg14: memref<!tpu.dma_semaphore, #tpu.memory_space<semaphore_mem>>, %arg15: memref<!tpu.dma_semaphore, #tpu.memory_space<semaphore_mem>>, %arg16: memref<640xf32, #tpu.memory_space<vmem>>, %arg17: memref<128xf32, #tpu.memory_space<vmem>>, %arg18: memref<10240xf32, #tpu.memory_space<vmem_shared>>) attributes {dimension_semantics = [#tpu.dimension_semantics<core_parallel>, #tpu.dimension_semantics<subcore_parallel>], iteration_bounds = array<i64: 2, 16>, scalar_prefetch = 0 : i64, scratch_operands = 12 : i64, tpu.core_type = #tpu.core_type<sc_vector_subcore>, window_params = [{transform_indices = #map}, {transform_indices = #map1}, {transform_indices = #map1}, {transform_indices = #map2}, {transform_indices = #map3}]} {
    %mul3A = arith.constant 2 : i32
    %mul3A_0 = arith.muli %arg1, %mul3A : i32
    %add3A = arith.addi %mul3A_0, %arg0 : i32
    %scan3A = arith.constant 0 : i32
    %scan3A_1 = arith.constant 0 : i32
    %scan3A_2 = arith.constant 1024 : i32
    %scan3A_3 = arith.addi %scan3A_1, %scan3A_2 : i32
    %scan3A_4 = arith.constant 1 : i32
    %scan3A_5 = scf.for %scan3A_71 = %scan3A_1 to %scan3A_3 step %scan3A_4 iter_args(%scan3A_72 = %scan3A) -> (i32)  : i32 {
      %jit3A = arith.constant 8 : i32
      %div3A = arith.divsi %scan3A_71, %jit3A : i32
      %sign3A = arith.constant 0 : i32
      %sign3A_73 = arith.cmpi sgt, %scan3A_71, %sign3A : i32
      %sign3A_74 = arith.extui %sign3A_73 : i1 to i32
      %sign3A_75 = arith.constant 0 : i32
      %sign3A_76 = arith.cmpi slt, %scan3A_71, %sign3A_75 : i32
      %sign3A_77 = arith.extui %sign3A_76 : i1 to i32
      %sign3A_78 = arith.subi %sign3A_74, %sign3A_77 : i32
      %sign3A_79 = arith.constant 0 : i32
      %sign3A_80 = arith.cmpi sgt, %jit3A, %sign3A_79 : i32
      %sign3A_81 = arith.extui %sign3A_80 : i1 to i32
      %sign3A_82 = arith.constant 0 : i32
      %sign3A_83 = arith.cmpi slt, %jit3A, %sign3A_82 : i32
      %sign3A_84 = arith.extui %sign3A_83 : i1 to i32
      %sign3A_85 = arith.subi %sign3A_81, %sign3A_84 : i32
      %ne3A = arith.cmpi ne, %sign3A_78, %sign3A_85 : i32
      %rem3A = arith.remsi %scan3A_71, %jit3A : i32
      %ne3A_86 = arith.constant 0 : i32
      %ne3A_87 = arith.cmpi ne, %rem3A, %ne3A_86 : i32
      %and3A = arith.andi %ne3A, %ne3A_87 : i1
      %sub3A = arith.constant 1 : i32
      %sub3A_88 = arith.subi %div3A, %sub3A : i32
      %select_n3A = arith.select %and3A, %sub3A_88, %div3A : i32
      %rem3A_89 = arith.constant 8 : i32
      %rem3A_90 = arith.remsi %scan3A_71, %rem3A_89 : i32
      %broadcast_in_dim3A = arith.constant 0.000000e+00 : f32
      %broadcast_in_dim3A_91 = vector.broadcast %broadcast_in_dim3A : f32 to vector<16xf32>
      %mul3A_92 = arith.constant 16 : i32
      %mul3A_93 = arith.muli %rem3A_90, %mul3A_92 : i32
      %swap3A = arith.index_cast %select_n3A : i32 to index
      %swap3A_94 = arith.index_cast %mul3A_93 : i32 to index
      %swap3A_95 = tpu.vector_load %arg11[%swap3A, %swap3A_94] {strides = array<i32>} : memref<128x128xf32, #tpu.memory_space<vmem>>, vector<1x16xf32>,
      %swap3A_96 = vector.shape_cast %swap3A_95 : vector<1x16xf32> to vector<16xf32>
      %swap3A_97 = vector.shape_cast %broadcast_in_dim3A_91 : vector<16xf32> to vector<1x16xf32>
      tpu.vector_store %arg11[%swap3A, %swap3A_94], %swap3A_97 {strides = array<i32>} : memref<128x128xf32, #tpu.memory_space<vmem>>, vector<1x16xf32>,
      %scan3A_98 = arith.constant 0 : i32
      scf.yield %scan3A_98 : i32
    }
    %scan3A_6 = arith.constant 1024 : i32
    %mul3A_7 = arith.constant 640 : i32
    %mul3A_8 = arith.muli %arg1, %mul3A_7 : i32
    %add3A_9 = arith.constant 0 : i32
    %add3A_10 = arith.addi %mul3A_8, %add3A_9 : i32
    "tpu.region"() ({
      %run_scoped3A_71 = tpu.sem_alloc : memref<!tpu.dma_semaphore, #tpu.memory_space<semaphore_mem>>
      %dma_start3A_72 = arith.constant 0 : i32
      %dma_start3A_73 = tpu.memref_slice %arg13[%add3A_10, %dma_start3A_72] : memref<10240x128xf32, #tpu.memory_space<vmem_shared>> -> memref<128x128xf32, #tpu.memory_space<vmem_shared>>
      %dma_start3A_74 = arith.constant 0 : i32
      %dma_start3A_75 = tpu.memref_slice %arg13[%add3A_10, %dma_start3A_74] : memref<10240x128xf32, #tpu.memory_space<vmem_shared>> -> memref<128x128xf32, #tpu.memory_space<vmem_shared>>
      tpu.enqueue_dma source(%arg11 : memref<128x128xf32, #tpu.memory_space<vmem>>) target(%dma_start3A_75 : memref<128x128xf32, #tpu.memory_space<vmem_shared>>) target_semaphore(%run_scoped3A_71 : memref<!tpu.dma_semaphore, #tpu.memory_space<semaphore_mem>>)
      %dma_wait3A = arith.constant 0 : i32
      %dma_wait3A_76 = tpu.memref_slice %arg13[%add3A_10, %dma_wait3A] : memref<10240x128xf32, #tpu.memory_space<vmem_shared>> -> memref<128x128xf32, #tpu.memory_space<vmem_shared>>
      %dma_wait3A_77 = arith.constant 0 : i32
      %dma_wait3A_78 = tpu.memref_slice %arg13[%add3A_10, %dma_wait3A_77] : memref<10240x128xf32, #tpu.memory_space<vmem_shared>> -> memref<128x128xf32, #tpu.memory_space<vmem_shared>>
      tpu.wait_dma2 semaphore(%run_scoped3A_71 : memref<!tpu.dma_semaphore, #tpu.memory_space<semaphore_mem>>) src(%arg11 : memref<128x128xf32, #tpu.memory_space<vmem>>) dst(%dma_wait3A_78 : memref<128x128xf32, #tpu.memory_space<vmem_shared>>)
      tpu.yield
    }) : () -> ()
    %add3A_11 = arith.constant 128 : i32
    %add3A_12 = arith.addi %mul3A_8, %add3A_11 : i32
    "tpu.region"() ({
      %run_scoped3A_71 = tpu.sem_alloc : memref<!tpu.dma_semaphore, #tpu.memory_space<semaphore_mem>>
      %dma_start3A_72 = arith.constant 0 : i32
      %dma_start3A_73 = tpu.memref_slice %arg13[%add3A_12, %dma_start3A_72] : memref<10240x128xf32, #tpu.memory_space<vmem_shared>> -> memref<128x128xf32, #tpu.memory_space<vmem_shared>>
      %dma_start3A_74 = arith.constant 0 : i32
      %dma_start3A_75 = tpu.memref_slice %arg13[%add3A_12, %dma_start3A_74] : memref<10240x128xf32, #tpu.memory_space<vmem_shared>> -> memref<128x128xf32, #tpu.memory_space<vmem_shared>>
      tpu.enqueue_dma source(%arg11 : memref<128x128xf32, #tpu.memory_space<vmem>>) target(%dma_start3A_75 : memref<128x128xf32, #tpu.memory_space<vmem_shared>>) target_semaphore(%run_scoped3A_71 : memref<!tpu.dma_semaphore, #tpu.memory_space<semaphore_mem>>)
      %dma_wait3A = arith.constant 0 : i32
      %dma_wait3A_76 = tpu.memref_slice %arg13[%add3A_12, %dma_wait3A] : memref<10240x128xf32, #tpu.memory_space<vmem_shared>> -> memref<128x128xf32, #tpu.memory_space<vmem_shared>>
      %dma_wait3A_77 = arith.constant 0 : i32
      %dma_wait3A_78 = tpu.memref_slice %arg13[%add3A_12, %dma_wait3A_77] : memref<10240x128xf32, #tpu.memory_space<vmem_shared>> -> memref<128x128xf32, #tpu.memory_space<vmem_shared>>
      tpu.wait_dma2 semaphore(%run_scoped3A_71 : memref<!tpu.dma_semaphore, #tpu.memory_space<semaphore_mem>>) src(%arg11 : memref<128x128xf32, #tpu.memory_space<vmem>>) dst(%dma_wait3A_78 : memref<128x128xf32, #tpu.memory_space<vmem_shared>>)
      tpu.yield
    }) : () -> ()
    %add3A_13 = arith.constant 256 : i32
    %add3A_14 = arith.addi %mul3A_8, %add3A_13 : i32
    "tpu.region"() ({
      %run_scoped3A_71 = tpu.sem_alloc : memref<!tpu.dma_semaphore, #tpu.memory_space<semaphore_mem>>
      %dma_start3A_72 = arith.constant 0 : i32
      %dma_start3A_73 = tpu.memref_slice %arg13[%add3A_14, %dma_start3A_72] : memref<10240x128xf32, #tpu.memory_space<vmem_shared>> -> memref<128x128xf32, #tpu.memory_space<vmem_shared>>
      %dma_start3A_74 = arith.constant 0 : i32
      %dma_start3A_75 = tpu.memref_slice %arg13[%add3A_14, %dma_start3A_74] : memref<10240x128xf32, #tpu.memory_space<vmem_shared>> -> memref<128x128xf32, #tpu.memory_space<vmem_shared>>
      tpu.enqueue_dma source(%arg11 : memref<128x128xf32, #tpu.memory_space<vmem>>) target(%dma_start3A_75 : memref<128x128xf32, #tpu.memory_space<vmem_shared>>) target_semaphore(%run_scoped3A_71 : memref<!tpu.dma_semaphore, #tpu.memory_space<semaphore_mem>>)
      %dma_wait3A = arith.constant 0 : i32
      %dma_wait3A_76 = tpu.memref_slice %arg13[%add3A_14, %dma_wait3A] : memref<10240x128xf32, #tpu.memory_space<vmem_shared>> -> memref<128x128xf32, #tpu.memory_space<vmem_shared>>
      %dma_wait3A_77 = arith.constant 0 : i32
      %dma_wait3A_78 = tpu.memref_slice %arg13[%add3A_14, %dma_wait3A_77] : memref<10240x128xf32, #tpu.memory_space<vmem_shared>> -> memref<128x128xf32, #tpu.memory_space<vmem_shared>>
      tpu.wait_dma2 semaphore(%run_scoped3A_71 : memref<!tpu.dma_semaphore, #tpu.memory_space<semaphore_mem>>) src(%arg11 : memref<128x128xf32, #tpu.memory_space<vmem>>) dst(%dma_wait3A_78 : memref<128x128xf32, #tpu.memory_space<vmem_shared>>)
      tpu.yield
    }) : () -> ()
    %add3A_15 = arith.constant 384 : i32
    %add3A_16 = arith.addi %mul3A_8, %add3A_15 : i32
    "tpu.region"() ({
      %run_scoped3A_71 = tpu.sem_alloc : memref<!tpu.dma_semaphore, #tpu.memory_space<semaphore_mem>>
      %dma_start3A_72 = arith.constant 0 : i32
      %dma_start3A_73 = tpu.memref_slice %arg13[%add3A_16, %dma_start3A_72] : memref<10240x128xf32, #tpu.memory_space<vmem_shared>> -> memref<128x128xf32, #tpu.memory_space<vmem_shared>>
      %dma_start3A_74 = arith.constant 0 : i32
      %dma_start3A_75 = tpu.memref_slice %arg13[%add3A_16, %dma_start3A_74] : memref<10240x128xf32, #tpu.memory_space<vmem_shared>> -> memref<128x128xf32, #tpu.memory_space<vmem_shared>>
      tpu.enqueue_dma source(%arg11 : memref<128x128xf32, #tpu.memory_space<vmem>>) target(%dma_start3A_75 : memref<128x128xf32, #tpu.memory_space<vmem_shared>>) target_semaphore(%run_scoped3A_71 : memref<!tpu.dma_semaphore, #tpu.memory_space<semaphore_mem>>)
      %dma_wait3A = arith.constant 0 : i32
      %dma_wait3A_76 = tpu.memref_slice %arg13[%add3A_16, %dma_wait3A] : memref<10240x128xf32, #tpu.memory_space<vmem_shared>> -> memref<128x128xf32, #tpu.memory_space<vmem_shared>>
      %dma_wait3A_77 = arith.constant 0 : i32
      %dma_wait3A_78 = tpu.memref_slice %arg13[%add3A_16, %dma_wait3A_77] : memref<10240x128xf32, #tpu.memory_space<vmem_shared>> -> memref<128x128xf32, #tpu.memory_space<vmem_shared>>
      tpu.wait_dma2 semaphore(%run_scoped3A_71 : memref<!tpu.dma_semaphore, #tpu.memory_space<semaphore_mem>>) src(%arg11 : memref<128x128xf32, #tpu.memory_space<vmem>>) dst(%dma_wait3A_78 : memref<128x128xf32, #tpu.memory_space<vmem_shared>>)
      tpu.yield
    }) : () -> ()
    %add3A_17 = arith.constant 512 : i32
    %add3A_18 = arith.addi %mul3A_8, %add3A_17 : i32
    "tpu.region"() ({
      %run_scoped3A_71 = tpu.sem_alloc : memref<!tpu.dma_semaphore, #tpu.memory_space<semaphore_mem>>
      %dma_start3A_72 = arith.constant 0 : i32
      %dma_start3A_73 = tpu.memref_slice %arg13[%add3A_18, %dma_start3A_72] : memref<10240x128xf32, #tpu.memory_space<vmem_shared>> -> memref<128x128xf32, #tpu.memory_space<vmem_shared>>
      %dma_start3A_74 = arith.constant 0 : i32
      %dma_start3A_75 = tpu.memref_slice %arg13[%add3A_18, %dma_start3A_74] : memref<10240x128xf32, #tpu.memory_space<vmem_shared>> -> memref<128x128xf32, #tpu.memory_space<vmem_shared>>
      tpu.enqueue_dma source(%arg11 : memref<128x128xf32, #tpu.memory_space<vmem>>) target(%dma_start3A_75 : memref<128x128xf32, #tpu.memory_space<vmem_shared>>) target_semaphore(%run_scoped3A_71 : memref<!tpu.dma_semaphore, #tpu.memory_space<semaphore_mem>>)
      %dma_wait3A = arith.constant 0 : i32
      %dma_wait3A_76 = tpu.memref_slice %arg13[%add3A_18, %dma_wait3A] : memref<10240x128xf32, #tpu.memory_space<vmem_shared>> -> memref<128x128xf32, #tpu.memory_space<vmem_shared>>
      %dma_wait3A_77 = arith.constant 0 : i32
      %dma_wait3A_78 = tpu.memref_slice %arg13[%add3A_18, %dma_wait3A_77] : memref<10240x128xf32, #tpu.memory_space<vmem_shared>> -> memref<128x128xf32, #tpu.memory_space<vmem_shared>>
      tpu.wait_dma2 semaphore(%run_scoped3A_71 : memref<!tpu.dma_semaphore, #tpu.memory_space<semaphore_mem>>) src(%arg11 : memref<128x128xf32, #tpu.memory_space<vmem>>) dst(%dma_wait3A_78 : memref<128x128xf32, #tpu.memory_space<vmem_shared>>)
      tpu.yield
    }) : () -> ()
    %scan3A_19 = arith.constant 0 : i32
    %scan3A_20 = arith.constant 0 : i32
    %scan3A_21 = arith.constant 40 : i32
    %scan3A_22 = arith.addi %scan3A_20, %scan3A_21 : i32
    %scan3A_23 = arith.constant 1 : i32
    %scan3A_24 = scf.for %scan3A_71 = %scan3A_20 to %scan3A_22 step %scan3A_23 iter_args(%scan3A_72 = %scan3A_19) -> (i32)  : i32 {
      %broadcast_in_dim3A = arith.constant 0.000000e+00 : f32
      %broadcast_in_dim3A_73 = vector.broadcast %broadcast_in_dim3A : f32 to vector<16xf32>
      %mul3A_74 = arith.constant 16 : i32
      %mul3A_75 = arith.muli %scan3A_71, %mul3A_74 : i32
      %swap3A = arith.index_cast %mul3A_75 : i32 to index
      %swap3A_76 = tpu.vector_load %arg16[%swap3A] {strides = array<i32>} : memref<640xf32, #tpu.memory_space<vmem>>, vector<16xf32>,
      %swap3A_77 = vector.shape_cast %swap3A_76 : vector<16xf32> to vector<16xf32>
      %swap3A_78 = vector.shape_cast %broadcast_in_dim3A_73 : vector<16xf32> to vector<16xf32>
      tpu.vector_store %arg16[%swap3A], %swap3A_78 {strides = array<i32>} : memref<640xf32, #tpu.memory_space<vmem>>, vector<16xf32>,
      %scan3A_79 = arith.constant 0 : i32
      scf.yield %scan3A_79 : i32
    }
    %scan3A_25 = arith.constant 40 : i32
    "tpu.region"() ({
      %run_scoped3A_71 = tpu.sem_alloc : memref<!tpu.dma_semaphore, #tpu.memory_space<semaphore_mem>>
      %dma_start3A_72 = tpu.memref_slice %arg18[%mul3A_8] : memref<10240xf32, #tpu.memory_space<vmem_shared>> -> memref<640xf32, #tpu.memory_space<vmem_shared>>
      %dma_start3A_73 = tpu.memref_slice %arg18[%mul3A_8] : memref<10240xf32, #tpu.memory_space<vmem_shared>> -> memref<640xf32, #tpu.memory_space<vmem_shared>>
      tpu.enqueue_dma source(%arg16 : memref<640xf32, #tpu.memory_space<vmem>>) target(%dma_start3A_73 : memref<640xf32, #tpu.memory_space<vmem_shared>>) target_semaphore(%run_scoped3A_71 : memref<!tpu.dma_semaphore, #tpu.memory_space<semaphore_mem>>)
      %dma_wait3A = tpu.memref_slice %arg18[%mul3A_8] : memref<10240xf32, #tpu.memory_space<vmem_shared>> -> memref<640xf32, #tpu.memory_space<vmem_shared>>
      %dma_wait3A_74 = tpu.memref_slice %arg18[%mul3A_8] : memref<10240xf32, #tpu.memory_space<vmem_shared>> -> memref<640xf32, #tpu.memory_space<vmem_shared>>
      tpu.wait_dma2 semaphore(%run_scoped3A_71 : memref<!tpu.dma_semaphore, #tpu.memory_space<semaphore_mem>>) src(%arg16 : memref<640xf32, #tpu.memory_space<vmem>>) dst(%dma_wait3A_74 : memref<640xf32, #tpu.memory_space<vmem_shared>>)
      tpu.yield
    }) : () -> ()
    %scan3A_26 = arith.constant 0 : i32
    %scan3A_27 = arith.constant 0 : i32
    %scan3A_28 = arith.constant 8 : i32
    %scan3A_29 = arith.addi %scan3A_27, %scan3A_28 : i32
    %scan3A_30 = arith.constant 1 : i32
    %scan3A_31 = scf.for %scan3A_71 = %scan3A_27 to %scan3A_29 step %scan3A_30 iter_args(%scan3A_72 = %scan3A_26) -> (i32)  : i32 {
      %broadcast_in_dim3A = arith.constant 1.000000e+00 : f32
      %broadcast_in_dim3A_73 = vector.broadcast %broadcast_in_dim3A : f32 to vector<16xf32>
      %mul3A_74 = arith.constant 16 : i32
      %mul3A_75 = arith.muli %scan3A_71, %mul3A_74 : i32
      %swap3A = arith.index_cast %mul3A_75 : i32 to index
      %swap3A_76 = tpu.vector_load %arg17[%swap3A] {strides = array<i32>} : memref<128xf32, #tpu.memory_space<vmem>>, vector<16xf32>,
      %swap3A_77 = vector.shape_cast %swap3A_76 : vector<16xf32> to vector<16xf32>
      %swap3A_78 = vector.shape_cast %broadcast_in_dim3A_73 : vector<16xf32> to vector<16xf32>
      tpu.vector_store %arg17[%swap3A], %swap3A_78 {strides = array<i32>} : memref<128xf32, #tpu.memory_space<vmem>>, vector<16xf32>,
      %scan3A_79 = arith.constant 0 : i32
      scf.yield %scan3A_79 : i32
    }
    %scan3A_32 = arith.constant 8 : i32
    %run_scoped3A = arith.constant 0 : i32
    "tpu.region"() ({
      %run_scoped3A_71 = tpu.sem_alloc : memref<!tpu.dma_semaphore, #tpu.memory_space<semaphore_mem>>
      %dma_start3A_72 = arith.constant 0 : i32
      %dma_start3A_73 = arith.constant 0 : i32
      %dma_start3A_74 = tpu.memref_slice %arg3[%add3A, %run_scoped3A, %dma_start3A_72, %dma_start3A_73] : memref<32x80x1x128xi32, #tpu.memory_space<hbm>> -> memref<1x1x1x128xi32, #tpu.memory_space<hbm>>
      %dma_start3A_75 = tpu.memref_squeeze %dma_start3A_74 : memref<1x1x1x128xi32, #tpu.memory_space<hbm>> -> memref<1x128xi32, #tpu.memory_space<hbm>>
      %dma_start3A_76 = arith.constant 0 : i32
      %dma_start3A_77 = arith.constant 0 : i32
      %dma_start3A_78 = tpu.memref_slice %arg3[%add3A, %run_scoped3A, %dma_start3A_76, %dma_start3A_77] : memref<32x80x1x128xi32, #tpu.memory_space<hbm>> -> memref<1x1x1x128xi32, #tpu.memory_space<hbm>>
      %dma_start3A_79 = tpu.memref_squeeze %dma_start3A_78 : memref<1x1x1x128xi32, #tpu.memory_space<hbm>> -> memref<1x128xi32, #tpu.memory_space<hbm>>
      tpu.enqueue_dma source(%dma_start3A_79 : memref<1x128xi32, #tpu.memory_space<hbm>>) target(%arg7 : memref<1x128xi32, #tpu.memory_space<vmem>>) target_semaphore(%run_scoped3A_71 : memref<!tpu.dma_semaphore, #tpu.memory_space<semaphore_mem>>)
      %dma_wait3A = arith.constant 0 : i32
      %dma_wait3A_80 = arith.constant 0 : i32
      %dma_wait3A_81 = tpu.memref_slice %arg3[%add3A, %run_scoped3A, %dma_wait3A, %dma_wait3A_80] : memref<32x80x1x128xi32, #tpu.memory_space<hbm>> -> memref<1x1x1x128xi32, #tpu.memory_space<hbm>>
      %dma_wait3A_82 = tpu.memref_squeeze %dma_wait3A_81 : memref<1x1x1x128xi32, #tpu.memory_space<hbm>> -> memref<1x128xi32, #tpu.memory_space<hbm>>
      %dma_wait3A_83 = arith.constant 0 : i32
      %dma_wait3A_84 = arith.constant 0 : i32
      %dma_wait3A_85 = tpu.memref_slice %arg3[%add3A, %run_scoped3A, %dma_wait3A_83, %dma_wait3A_84] : memref<32x80x1x128xi32, #tpu.memory_space<hbm>> -> memref<1x1x1x128xi32, #tpu.memory_space<hbm>>
      %dma_wait3A_86 = tpu.memref_squeeze %dma_wait3A_85 : memref<1x1x1x128xi32, #tpu.memory_space<hbm>> -> memref<1x128xi32, #tpu.memory_space<hbm>>
      tpu.wait_dma2 semaphore(%run_scoped3A_71 : memref<!tpu.dma_semaphore, #tpu.memory_space<semaphore_mem>>) src(%dma_wait3A_86 : memref<1x128xi32, #tpu.memory_space<hbm>>) dst(%arg7 : memref<1x128xi32, #tpu.memory_space<vmem>>)
      tpu.yield
    }) : () -> ()
    %run_scoped3A_33 = arith.constant 0 : i32
    "tpu.region"() ({
      %run_scoped3A_71 = tpu.sem_alloc : memref<!tpu.dma_semaphore, #tpu.memory_space<semaphore_mem>>
      %dma_start3A_72 = arith.constant 0 : i32
      %dma_start3A_73 = arith.constant 0 : i32
      %dma_start3A_74 = tpu.memref_slice %arg4[%add3A, %run_scoped3A_33, %dma_start3A_72, %dma_start3A_73] : memref<32x80x1x128xi32, #tpu.memory_space<hbm>> -> memref<1x1x1x128xi32, #tpu.memory_space<hbm>>
      %dma_start3A_75 = tpu.memref_squeeze %dma_start3A_74 : memref<1x1x1x128xi32, #tpu.memory_space<hbm>> -> memref<1x128xi32, #tpu.memory_space<hbm>>
      %dma_start3A_76 = arith.constant 0 : i32
      %dma_start3A_77 = arith.constant 0 : i32
      %dma_start3A_78 = tpu.memref_slice %arg4[%add3A, %run_scoped3A_33, %dma_start3A_76, %dma_start3A_77] : memref<32x80x1x128xi32, #tpu.memory_space<hbm>> -> memref<1x1x1x128xi32, #tpu.memory_space<hbm>>
      %dma_start3A_79 = tpu.memref_squeeze %dma_start3A_78 : memref<1x1x1x128xi32, #tpu.memory_space<hbm>> -> memref<1x128xi32, #tpu.memory_space<hbm>>
      tpu.enqueue_dma source(%dma_start3A_79 : memref<1x128xi32, #tpu.memory_space<hbm>>) target(%arg8 : memref<1x128xi32, #tpu.memory_space<vmem>>) target_semaphore(%run_scoped3A_71 : memref<!tpu.dma_semaphore, #tpu.memory_space<semaphore_mem>>)
      %dma_wait3A = arith.constant 0 : i32
      %dma_wait3A_80 = arith.constant 0 : i32
      %dma_wait3A_81 = tpu.memref_slice %arg4[%add3A, %run_scoped3A_33, %dma_wait3A, %dma_wait3A_80] : memref<32x80x1x128xi32, #tpu.memory_space<hbm>> -> memref<1x1x1x128xi32, #tpu.memory_space<hbm>>
      %dma_wait3A_82 = tpu.memref_squeeze %dma_wait3A_81 : memref<1x1x1x128xi32, #tpu.memory_space<hbm>> -> memref<1x128xi32, #tpu.memory_space<hbm>>
      %dma_wait3A_83 = arith.constant 0 : i32
      %dma_wait3A_84 = arith.constant 0 : i32
      %dma_wait3A_85 = tpu.memref_slice %arg4[%add3A, %run_scoped3A_33, %dma_wait3A_83, %dma_wait3A_84] : memref<32x80x1x128xi32, #tpu.memory_space<hbm>> -> memref<1x1x1x128xi32, #tpu.memory_space<hbm>>
      %dma_wait3A_86 = tpu.memref_squeeze %dma_wait3A_85 : memref<1x1x1x128xi32, #tpu.memory_space<hbm>> -> memref<1x128xi32, #tpu.memory_space<hbm>>
      tpu.wait_dma2 semaphore(%run_scoped3A_71 : memref<!tpu.dma_semaphore, #tpu.memory_space<semaphore_mem>>) src(%dma_wait3A_86 : memref<1x128xi32, #tpu.memory_space<hbm>>) dst(%arg8 : memref<1x128xi32, #tpu.memory_space<vmem>>)
      tpu.yield
    }) : () -> ()
    %dma_start3A = arith.constant 0 : i32
    %dma_start3A_34 = arith.constant 0 : i32
    %dma_start3A_35 = tpu.memref_slice %arg7[%dma_start3A, %dma_start3A_34] : memref<1x128xi32, #tpu.memory_space<vmem>> -> memref<1x128xi32, #tpu.memory_space<vmem>>
    %dma_start3A_36 = tpu.memref_squeeze %dma_start3A_35 : memref<1x128xi32, #tpu.memory_space<vmem>> -> memref<128xi32, #tpu.memory_space<vmem>>
    %dma_start3A_37 = arith.constant 0 : i32
    %dma_start3A_38 = arith.constant 0 : i32
    %dma_start3A_39 = tpu.memref_slice %arg2[%dma_start3A_37, %dma_start3A_38] : memref<10240x128xf32, #tpu.memory_space<hbm>> -> memref<10240x128xf32, #tpu.memory_space<hbm>>
    tpu.enqueue_indirect_dma source(%dma_start3A_39 : memref<10240x128xf32, #tpu.memory_space<hbm>>) target(%arg11 : memref<128x128xf32, #tpu.memory_space<vmem>>) offsets(%dma_start3A_36 : memref<128xi32, #tpu.memory_space<vmem>>) semaphore(%arg14 : memref<!tpu.dma_semaphore, #tpu.memory_space<semaphore_mem>>)
    %barrier3A = arith.constant 0 : index
    tpu.barrier barrier_id(%barrier3A)
    %scan3A_40 = arith.constant 0 : i32
    %scan3A_41 = arith.constant 0 : i32
    %scan3A_42 = arith.constant 40 : i32
    %scan3A_43 = arith.addi %scan3A_41, %scan3A_42 : i32
    %scan3A_44 = arith.constant 1 : i32
    %scan3A_45 = scf.for %scan3A_71 = %scan3A_41 to %scan3A_43 step %scan3A_44 iter_args(%scan3A_72 = %scan3A_40) -> (i32)  : i32 {
      %mul3A_73 = arith.constant 2 : i32
      %mul3A_74 = arith.muli %mul3A_73, %scan3A_71 : i32
      %add3A_75 = arith.constant 0 : i32
      %add3A_76 = arith.addi %mul3A_74, %add3A_75 : i32
      %add3A_77 = arith.constant 1 : i32
      %add3A_78 = arith.addi %add3A_76, %add3A_77 : i32
      %lt3A = arith.constant 80 : i32
      %lt3A_79 = arith.cmpi slt, %add3A_78, %lt3A : i32
      %convert_element_type3A = arith.extui %lt3A_79 : i1 to i32
      %cond3A = arith.constant 0 : i32
      %cond3A_80 = arith.cmpi ne, %convert_element_type3A, %cond3A : i32
      scf.if %cond3A_80 {
        %add3A_110 = arith.constant 1 : i32
        %add3A_111 = arith.addi %add3A_76, %add3A_110 : i32
        "tpu.region"() ({
          %run_scoped3A_121 = tpu.sem_alloc : memref<!tpu.dma_semaphore, #tpu.memory_space<semaphore_mem>>
          %dma_start3A_122 = arith.constant 0 : i32
          %dma_start3A_123 = arith.constant 0 : i32
          %dma_start3A_124 = tpu.memref_slice %arg3[%add3A, %add3A_111, %dma_start3A_122, %dma_start3A_123] : memref<32x80x1x128xi32, #tpu.memory_space<hbm>> -> memref<1x1x1x128xi32, #tpu.memory_space<hbm>>
          %dma_start3A_125 = tpu.memref_squeeze %dma_start3A_124 : memref<1x1x1x128xi32, #tpu.memory_space<hbm>> -> memref<1x128xi32, #tpu.memory_space<hbm>>
          %dma_start3A_126 = arith.constant 0 : i32
          %dma_start3A_127 = arith.constant 0 : i32
          %dma_start3A_128 = tpu.memref_slice %arg3[%add3A, %add3A_111, %dma_start3A_126, %dma_start3A_127] : memref<32x80x1x128xi32, #tpu.memory_space<hbm>> -> memref<1x1x1x128xi32, #tpu.memory_space<hbm>>
          %dma_start3A_129 = tpu.memref_squeeze %dma_start3A_128 : memref<1x1x1x128xi32, #tpu.memory_space<hbm>> -> memref<1x128xi32, #tpu.memory_space<hbm>>
          tpu.enqueue_dma source(%dma_start3A_129 : memref<1x128xi32, #tpu.memory_space<hbm>>) target(%arg9 : memref<1x128xi32, #tpu.memory_space<vmem>>) target_semaphore(%run_scoped3A_121 : memref<!tpu.dma_semaphore, #tpu.memory_space<semaphore_mem>>)
          %dma_wait3A_130 = arith.constant 0 : i32
          %dma_wait3A_131 = arith.constant 0 : i32
          %dma_wait3A_132 = tpu.memref_slice %arg3[%add3A, %add3A_111, %dma_wait3A_130, %dma_wait3A_131] : memref<32x80x1x128xi32, #tpu.memory_space<hbm>> -> memref<1x1x1x128xi32, #tpu.memory_space<hbm>>
          %dma_wait3A_133 = tpu.memref_squeeze %dma_wait3A_132 : memref<1x1x1x128xi32, #tpu.memory_space<hbm>> -> memref<1x128xi32, #tpu.memory_space<hbm>>
          %dma_wait3A_134 = arith.constant 0 : i32
          %dma_wait3A_135 = arith.constant 0 : i32
          %dma_wait3A_136 = tpu.memref_slice %arg3[%add3A, %add3A_111, %dma_wait3A_134, %dma_wait3A_135] : memref<32x80x1x128xi32, #tpu.memory_space<hbm>> -> memref<1x1x1x128xi32, #tpu.memory_space<hbm>>
          %dma_wait3A_137 = tpu.memref_squeeze %dma_wait3A_136 : memref<1x1x1x128xi32, #tpu.memory_space<hbm>> -> memref<1x128xi32, #tpu.memory_space<hbm>>
          tpu.wait_dma2 semaphore(%run_scoped3A_121 : memref<!tpu.dma_semaphore, #tpu.memory_space<semaphore_mem>>) src(%dma_wait3A_137 : memref<1x128xi32, #tpu.memory_space<hbm>>) dst(%arg9 : memref<1x128xi32, #tpu.memory_space<vmem>>)
          tpu.yield
        }) : () -> ()
        %add3A_112 = arith.constant 1 : i32
        %add3A_113 = arith.addi %add3A_76, %add3A_112 : i32
        "tpu.region"() ({
          %run_scoped3A_121 = tpu.sem_alloc : memref<!tpu.dma_semaphore, #tpu.memory_space<semaphore_mem>>
          %dma_start3A_122 = arith.constant 0 : i32
          %dma_start3A_123 = arith.constant 0 : i32
          %dma_start3A_124 = tpu.memref_slice %arg4[%add3A, %add3A_113, %dma_start3A_122, %dma_start3A_123] : memref<32x80x1x128xi32, #tpu.memory_space<hbm>> -> memref<1x1x1x128xi32, #tpu.memory_space<hbm>>
          %dma_start3A_125 = tpu.memref_squeeze %dma_start3A_124 : memref<1x1x1x128xi32, #tpu.memory_space<hbm>> -> memref<1x128xi32, #tpu.memory_space<hbm>>
          %dma_start3A_126 = arith.constant 0 : i32
          %dma_start3A_127 = arith.constant 0 : i32
          %dma_start3A_128 = tpu.memref_slice %arg4[%add3A, %add3A_113, %dma_start3A_126, %dma_start3A_127] : memref<32x80x1x128xi32, #tpu.memory_space<hbm>> -> memref<1x1x1x128xi32, #tpu.memory_space<hbm>>
          %dma_start3A_129 = tpu.memref_squeeze %dma_start3A_128 : memref<1x1x1x128xi32, #tpu.memory_space<hbm>> -> memref<1x128xi32, #tpu.memory_space<hbm>>
          tpu.enqueue_dma source(%dma_start3A_129 : memref<1x128xi32, #tpu.memory_space<hbm>>) target(%arg10 : memref<1x128xi32, #tpu.memory_space<vmem>>) target_semaphore(%run_scoped3A_121 : memref<!tpu.dma_semaphore, #tpu.memory_space<semaphore_mem>>)
          %dma_wait3A_130 = arith.constant 0 : i32
          %dma_wait3A_131 = arith.constant 0 : i32
          %dma_wait3A_132 = tpu.memref_slice %arg4[%add3A, %add3A_113, %dma_wait3A_130, %dma_wait3A_131] : memref<32x80x1x128xi32, #tpu.memory_space<hbm>> -> memref<1x1x1x128xi32, #tpu.memory_space<hbm>>
          %dma_wait3A_133 = tpu.memref_squeeze %dma_wait3A_132 : memref<1x1x1x128xi32, #tpu.memory_space<hbm>> -> memref<1x128xi32, #tpu.memory_space<hbm>>
          %dma_wait3A_134 = arith.constant 0 : i32
          %dma_wait3A_135 = arith.constant 0 : i32
          %dma_wait3A_136 = tpu.memref_slice %arg4[%add3A, %add3A_113, %dma_wait3A_134, %dma_wait3A_135] : memref<32x80x1x128xi32, #tpu.memory_space<hbm>> -> memref<1x1x1x128xi32, #tpu.memory_space<hbm>>
          %dma_wait3A_137 = tpu.memref_squeeze %dma_wait3A_136 : memref<1x1x1x128xi32, #tpu.memory_space<hbm>> -> memref<1x128xi32, #tpu.memory_space<hbm>>
          tpu.wait_dma2 semaphore(%run_scoped3A_121 : memref<!tpu.dma_semaphore, #tpu.memory_space<semaphore_mem>>) src(%dma_wait3A_137 : memref<1x128xi32, #tpu.memory_space<hbm>>) dst(%arg10 : memref<1x128xi32, #tpu.memory_space<vmem>>)
          tpu.yield
        }) : () -> ()
        %dma_start3A_114 = arith.constant 0 : i32
        %dma_start3A_115 = arith.constant 0 : i32
        %dma_start3A_116 = tpu.memref_slice %arg9[%dma_start3A_114, %dma_start3A_115] : memref<1x128xi32, #tpu.memory_space<vmem>> -> memref<1x128xi32, #tpu.memory_space<vmem>>
        %dma_start3A_117 = tpu.memref_squeeze %dma_start3A_116 : memref<1x128xi32, #tpu.memory_space<vmem>> -> memref<128xi32, #tpu.memory_space<vmem>>
        %dma_start3A_118 = arith.constant 0 : i32
        %dma_start3A_119 = arith.constant 0 : i32
        %dma_start3A_120 = tpu.memref_slice %arg2[%dma_start3A_118, %dma_start3A_119] : memref<10240x128xf32, #tpu.memory_space<hbm>> -> memref<10240x128xf32, #tpu.memory_space<hbm>>
        tpu.enqueue_indirect_dma source(%dma_start3A_120 : memref<10240x128xf32, #tpu.memory_space<hbm>>) target(%arg12 : memref<128x128xf32, #tpu.memory_space<vmem>>) offsets(%dma_start3A_117 : memref<128xi32, #tpu.memory_space<vmem>>) semaphore(%arg15 : memref<!tpu.dma_semaphore, #tpu.memory_space<semaphore_mem>>)
      } else {
      }
      %dma_wait3A = arith.constant 0 : i32
      %dma_wait3A_81 = arith.constant 0 : i32
      %dma_wait3A_82 = tpu.memref_slice %arg7[%dma_wait3A, %dma_wait3A_81] : memref<1x128xi32, #tpu.memory_space<vmem>> -> memref<1x128xi32, #tpu.memory_space<vmem>>
      %dma_wait3A_83 = tpu.memref_squeeze %dma_wait3A_82 : memref<1x128xi32, #tpu.memory_space<vmem>> -> memref<128xi32, #tpu.memory_space<vmem>>
      %dma_wait3A_84 = arith.constant 0 : i32
      %dma_wait3A_85 = arith.constant 0 : i32
      %dma_wait3A_86 = tpu.memref_slice %arg2[%dma_wait3A_84, %dma_wait3A_85] : memref<10240x128xf32, #tpu.memory_space<hbm>> -> memref<10240x128xf32, #tpu.memory_space<hbm>>
      tpu.wait_indirect_dma semaphore(%arg14 : memref<!tpu.dma_semaphore, #tpu.memory_space<semaphore_mem>>) src(%dma_wait3A_86 : memref<10240x128xf32, #tpu.memory_space<hbm>>) dst(%arg11 : memref<128x128xf32, #tpu.memory_space<vmem>>)
      %run_scoped3A_87 = arith.constant 0 : i32
      "tpu.region"() ({
        %run_scoped3A_110 = tpu.sem_alloc : memref<!tpu.dma_semaphore, #tpu.memory_space<semaphore_mem>>
        %dma_start3A_111 = arith.constant 0 : i32
        %dma_start3A_112 = tpu.memref_slice %arg8[%run_scoped3A_87, %dma_start3A_111] : memref<1x128xi32, #tpu.memory_space<vmem>> -> memref<1x128xi32, #tpu.memory_space<vmem>>
        %dma_start3A_113 = tpu.memref_squeeze %dma_start3A_112 : memref<1x128xi32, #tpu.memory_space<vmem>> -> memref<128xi32, #tpu.memory_space<vmem>>
        %dma_start3A_114 = arith.constant 0 : i32
        %dma_start3A_115 = arith.constant 0 : i32
        %dma_start3A_116 = tpu.memref_slice %arg13[%dma_start3A_114, %dma_start3A_115] : memref<10240x128xf32, #tpu.memory_space<vmem_shared>> -> memref<10240x128xf32, #tpu.memory_space<vmem_shared>>
        tpu.enqueue_indirect_dma source(%arg11 : memref<128x128xf32, #tpu.memory_space<vmem>>) target(%dma_start3A_116 : memref<10240x128xf32, #tpu.memory_space<vmem_shared>>) offsets(%dma_start3A_113 : memref<128xi32, #tpu.memory_space<vmem>>) semaphore(%run_scoped3A_110 : memref<!tpu.dma_semaphore, #tpu.memory_space<semaphore_mem>>) {add = true}
        %dma_wait3A_117 = arith.constant 0 : i32
        %dma_wait3A_118 = tpu.memref_slice %arg8[%run_scoped3A_87, %dma_wait3A_117] : memref<1x128xi32, #tpu.memory_space<vmem>> -> memref<1x128xi32, #tpu.memory_space<vmem>>
        %dma_wait3A_119 = tpu.memref_squeeze %dma_wait3A_118 : memref<1x128xi32, #tpu.memory_space<vmem>> -> memref<128xi32, #tpu.memory_space<vmem>>
        %dma_wait3A_120 = arith.constant 0 : i32
        %dma_wait3A_121 = arith.constant 0 : i32
        %dma_wait3A_122 = tpu.memref_slice %arg13[%dma_wait3A_120, %dma_wait3A_121] : memref<10240x128xf32, #tpu.memory_space<vmem_shared>> -> memref<10240x128xf32, #tpu.memory_space<vmem_shared>>
        tpu.wait_indirect_dma semaphore(%run_scoped3A_110 : memref<!tpu.dma_semaphore, #tpu.memory_space<semaphore_mem>>) src(%arg11 : memref<128x128xf32, #tpu.memory_space<vmem>>) dst(%dma_wait3A_122 : memref<10240x128xf32, #tpu.memory_space<vmem_shared>>)
        tpu.yield
      }) : () -> ()
      %run_scoped3A_88 = arith.constant 0 : i32
      "tpu.region"() ({
        %run_scoped3A_110 = tpu.sem_alloc : memref<!tpu.dma_semaphore, #tpu.memory_space<semaphore_mem>>
        %dma_start3A_111 = arith.constant 0 : i32
        %dma_start3A_112 = tpu.memref_slice %arg8[%run_scoped3A_88, %dma_start3A_111] : memref<1x128xi32, #tpu.memory_space<vmem>> -> memref<1x128xi32, #tpu.memory_space<vmem>>
        %dma_start3A_113 = tpu.memref_squeeze %dma_start3A_112 : memref<1x128xi32, #tpu.memory_space<vmem>> -> memref<128xi32, #tpu.memory_space<vmem>>
        %dma_start3A_114 = arith.constant 0 : i32
        %dma_start3A_115 = tpu.memref_slice %arg18[%dma_start3A_114] : memref<10240xf32, #tpu.memory_space<vmem_shared>> -> memref<10240xf32, #tpu.memory_space<vmem_shared>>
        tpu.enqueue_indirect_dma source(%arg17 : memref<128xf32, #tpu.memory_space<vmem>>) target(%dma_start3A_115 : memref<10240xf32, #tpu.memory_space<vmem_shared>>) offsets(%dma_start3A_113 : memref<128xi32, #tpu.memory_space<vmem>>) semaphore(%run_scoped3A_110 : memref<!tpu.dma_semaphore, #tpu.memory_space<semaphore_mem>>) {add = true}
        %dma_wait3A_116 = arith.constant 0 : i32
        %dma_wait3A_117 = tpu.memref_slice %arg8[%run_scoped3A_88, %dma_wait3A_116] : memref<1x128xi32, #tpu.memory_space<vmem>> -> memref<1x128xi32, #tpu.memory_space<vmem>>
        %dma_wait3A_118 = tpu.memref_squeeze %dma_wait3A_117 : memref<1x128xi32, #tpu.memory_space<vmem>> -> memref<128xi32, #tpu.memory_space<vmem>>
        %dma_wait3A_119 = arith.constant 0 : i32
        %dma_wait3A_120 = tpu.memref_slice %arg18[%dma_wait3A_119] : memref<10240xf32, #tpu.memory_space<vmem_shared>> -> memref<10240xf32, #tpu.memory_space<vmem_shared>>
        tpu.wait_indirect_dma semaphore(%run_scoped3A_110 : memref<!tpu.dma_semaphore, #tpu.memory_space<semaphore_mem>>) src(%arg17 : memref<128xf32, #tpu.memory_space<vmem>>) dst(%dma_wait3A_120 : memref<10240xf32, #tpu.memory_space<vmem_shared>>)
        tpu.yield
      }) : () -> ()
      %mul3A_89 = arith.constant 2 : i32
      %mul3A_90 = arith.muli %mul3A_89, %scan3A_71 : i32
      %add3A_91 = arith.constant 1 : i32
      %add3A_92 = arith.addi %mul3A_90, %add3A_91 : i32
      %add3A_93 = arith.constant 1 : i32
      %add3A_94 = arith.addi %add3A_92, %add3A_93 : i32
      %lt3A_95 = arith.constant 80 : i32
      %lt3A_96 = arith.cmpi slt, %add3A_94, %lt3A_95 : i32
      %convert_element_type3A_97 = arith.extui %lt3A_96 : i1 to i32
      %cond3A_98 = arith.constant 0 : i32
      %cond3A_99 = arith.cmpi ne, %convert_element_type3A_97, %cond3A_98 : i32
      scf.if %cond3A_99 {
        %add3A_110 = arith.constant 1 : i32
        %add3A_111 = arith.addi %add3A_92, %add3A_110 : i32
        "tpu.region"() ({
          %run_scoped3A_121 = tpu.sem_alloc : memref<!tpu.dma_semaphore, #tpu.memory_space<semaphore_mem>>
          %dma_start3A_122 = arith.constant 0 : i32
          %dma_start3A_123 = arith.constant 0 : i32
          %dma_start3A_124 = tpu.memref_slice %arg3[%add3A, %add3A_111, %dma_start3A_122, %dma_start3A_123] : memref<32x80x1x128xi32, #tpu.memory_space<hbm>> -> memref<1x1x1x128xi32, #tpu.memory_space<hbm>>
          %dma_start3A_125 = tpu.memref_squeeze %dma_start3A_124 : memref<1x1x1x128xi32, #tpu.memory_space<hbm>> -> memref<1x128xi32, #tpu.memory_space<hbm>>
          %dma_start3A_126 = arith.constant 0 : i32
          %dma_start3A_127 = arith.constant 0 : i32
          %dma_start3A_128 = tpu.memref_slice %arg3[%add3A, %add3A_111, %dma_start3A_126, %dma_start3A_127] : memref<32x80x1x128xi32, #tpu.memory_space<hbm>> -> memref<1x1x1x128xi32, #tpu.memory_space<hbm>>
          %dma_start3A_129 = tpu.memref_squeeze %dma_start3A_128 : memref<1x1x1x128xi32, #tpu.memory_space<hbm>> -> memref<1x128xi32, #tpu.memory_space<hbm>>
          tpu.enqueue_dma source(%dma_start3A_129 : memref<1x128xi32, #tpu.memory_space<hbm>>) target(%arg7 : memref<1x128xi32, #tpu.memory_space<vmem>>) target_semaphore(%run_scoped3A_121 : memref<!tpu.dma_semaphore, #tpu.memory_space<semaphore_mem>>)
          %dma_wait3A_130 = arith.constant 0 : i32
          %dma_wait3A_131 = arith.constant 0 : i32
          %dma_wait3A_132 = tpu.memref_slice %arg3[%add3A, %add3A_111, %dma_wait3A_130, %dma_wait3A_131] : memref<32x80x1x128xi32, #tpu.memory_space<hbm>> -> memref<1x1x1x128xi32, #tpu.memory_space<hbm>>
          %dma_wait3A_133 = tpu.memref_squeeze %dma_wait3A_132 : memref<1x1x1x128xi32, #tpu.memory_space<hbm>> -> memref<1x128xi32, #tpu.memory_space<hbm>>
          %dma_wait3A_134 = arith.constant 0 : i32
          %dma_wait3A_135 = arith.constant 0 : i32
          %dma_wait3A_136 = tpu.memref_slice %arg3[%add3A, %add3A_111, %dma_wait3A_134, %dma_wait3A_135] : memref<32x80x1x128xi32, #tpu.memory_space<hbm>> -> memref<1x1x1x128xi32, #tpu.memory_space<hbm>>
          %dma_wait3A_137 = tpu.memref_squeeze %dma_wait3A_136 : memref<1x1x1x128xi32, #tpu.memory_space<hbm>> -> memref<1x128xi32, #tpu.memory_space<hbm>>
          tpu.wait_dma2 semaphore(%run_scoped3A_121 : memref<!tpu.dma_semaphore, #tpu.memory_space<semaphore_mem>>) src(%dma_wait3A_137 : memref<1x128xi32, #tpu.memory_space<hbm>>) dst(%arg7 : memref<1x128xi32, #tpu.memory_space<vmem>>)
          tpu.yield
        }) : () -> ()
        %add3A_112 = arith.constant 1 : i32
        %add3A_113 = arith.addi %add3A_92, %add3A_112 : i32
        "tpu.region"() ({
          %run_scoped3A_121 = tpu.sem_alloc : memref<!tpu.dma_semaphore, #tpu.memory_space<semaphore_mem>>
          %dma_start3A_122 = arith.constant 0 : i32
          %dma_start3A_123 = arith.constant 0 : i32
          %dma_start3A_124 = tpu.memref_slice %arg4[%add3A, %add3A_113, %dma_start3A_122, %dma_start3A_123] : memref<32x80x1x128xi32, #tpu.memory_space<hbm>> -> memref<1x1x1x128xi32, #tpu.memory_space<hbm>>
          %dma_start3A_125 = tpu.memref_squeeze %dma_start3A_124 : memref<1x1x1x128xi32, #tpu.memory_space<hbm>> -> memref<1x128xi32, #tpu.memory_space<hbm>>
          %dma_start3A_126 = arith.constant 0 : i32
          %dma_start3A_127 = arith.constant 0 : i32
          %dma_start3A_128 = tpu.memref_slice %arg4[%add3A, %add3A_113, %dma_start3A_126, %dma_start3A_127] : memref<32x80x1x128xi32, #tpu.memory_space<hbm>> -> memref<1x1x1x128xi32, #tpu.memory_space<hbm>>
          %dma_start3A_129 = tpu.memref_squeeze %dma_start3A_128 : memref<1x1x1x128xi32, #tpu.memory_space<hbm>> -> memref<1x128xi32, #tpu.memory_space<hbm>>
          tpu.enqueue_dma source(%dma_start3A_129 : memref<1x128xi32, #tpu.memory_space<hbm>>) target(%arg8 : memref<1x128xi32, #tpu.memory_space<vmem>>) target_semaphore(%run_scoped3A_121 : memref<!tpu.dma_semaphore, #tpu.memory_space<semaphore_mem>>)
          %dma_wait3A_130 = arith.constant 0 : i32
          %dma_wait3A_131 = arith.constant 0 : i32
          %dma_wait3A_132 = tpu.memref_slice %arg4[%add3A, %add3A_113, %dma_wait3A_130, %dma_wait3A_131] : memref<32x80x1x128xi32, #tpu.memory_space<hbm>> -> memref<1x1x1x128xi32, #tpu.memory_space<hbm>>
          %dma_wait3A_133 = tpu.memref_squeeze %dma_wait3A_132 : memref<1x1x1x128xi32, #tpu.memory_space<hbm>> -> memref<1x128xi32, #tpu.memory_space<hbm>>
          %dma_wait3A_134 = arith.constant 0 : i32
          %dma_wait3A_135 = arith.constant 0 : i32
          %dma_wait3A_136 = tpu.memref_slice %arg4[%add3A, %add3A_113, %dma_wait3A_134, %dma_wait3A_135] : memref<32x80x1x128xi32, #tpu.memory_space<hbm>> -> memref<1x1x1x128xi32, #tpu.memory_space<hbm>>
          %dma_wait3A_137 = tpu.memref_squeeze %dma_wait3A_136 : memref<1x1x1x128xi32, #tpu.memory_space<hbm>> -> memref<1x128xi32, #tpu.memory_space<hbm>>
          tpu.wait_dma2 semaphore(%run_scoped3A_121 : memref<!tpu.dma_semaphore, #tpu.memory_space<semaphore_mem>>) src(%dma_wait3A_137 : memref<1x128xi32, #tpu.memory_space<hbm>>) dst(%arg8 : memref<1x128xi32, #tpu.memory_space<vmem>>)
          tpu.yield
        }) : () -> ()
        %dma_start3A_114 = arith.constant 0 : i32
        %dma_start3A_115 = arith.constant 0 : i32
        %dma_start3A_116 = tpu.memref_slice %arg7[%dma_start3A_114, %dma_start3A_115] : memref<1x128xi32, #tpu.memory_space<vmem>> -> memref<1x128xi32, #tpu.memory_space<vmem>>
        %dma_start3A_117 = tpu.memref_squeeze %dma_start3A_116 : memref<1x128xi32, #tpu.memory_space<vmem>> -> memref<128xi32, #tpu.memory_space<vmem>>
        %dma_start3A_118 = arith.constant 0 : i32
        %dma_start3A_119 = arith.constant 0 : i32
        %dma_start3A_120 = tpu.memref_slice %arg2[%dma_start3A_118, %dma_start3A_119] : memref<10240x128xf32, #tpu.memory_space<hbm>> -> memref<10240x128xf32, #tpu.memory_space<hbm>>
        tpu.enqueue_indirect_dma source(%dma_start3A_120 : memref<10240x128xf32, #tpu.memory_space<hbm>>) target(%arg11 : memref<128x128xf32, #tpu.memory_space<vmem>>) offsets(%dma_start3A_117 : memref<128xi32, #tpu.memory_space<vmem>>) semaphore(%arg14 : memref<!tpu.dma_semaphore, #tpu.memory_space<semaphore_mem>>)
      } else {
      }
      %dma_wait3A_100 = arith.constant 0 : i32
      %dma_wait3A_101 = arith.constant 0 : i32
      %dma_wait3A_102 = tpu.memref_slice %arg9[%dma_wait3A_100, %dma_wait3A_101] : memref<1x128xi32, #tpu.memory_space<vmem>> -> memref<1x128xi32, #tpu.memory_space<vmem>>
      %dma_wait3A_103 = tpu.memref_squeeze %dma_wait3A_102 : memref<1x128xi32, #tpu.memory_space<vmem>> -> memref<128xi32, #tpu.memory_space<vmem>>
      %dma_wait3A_104 = arith.constant 0 : i32
      %dma_wait3A_105 = arith.constant 0 : i32
      %dma_wait3A_106 = tpu.memref_slice %arg2[%dma_wait3A_104, %dma_wait3A_105] : memref<10240x128xf32, #tpu.memory_space<hbm>> -> memref<10240x128xf32, #tpu.memory_space<hbm>>
      tpu.wait_indirect_dma semaphore(%arg15 : memref<!tpu.dma_semaphore, #tpu.memory_space<semaphore_mem>>) src(%dma_wait3A_106 : memref<10240x128xf32, #tpu.memory_space<hbm>>) dst(%arg12 : memref<128x128xf32, #tpu.memory_space<vmem>>)
      %run_scoped3A_107 = arith.constant 0 : i32
      "tpu.region"() ({
        %run_scoped3A_110 = tpu.sem_alloc : memref<!tpu.dma_semaphore, #tpu.memory_space<semaphore_mem>>
        %dma_start3A_111 = arith.constant 0 : i32
        %dma_start3A_112 = tpu.memref_slice %arg10[%run_scoped3A_107, %dma_start3A_111] : memref<1x128xi32, #tpu.memory_space<vmem>> -> memref<1x128xi32, #tpu.memory_space<vmem>>
        %dma_start3A_113 = tpu.memref_squeeze %dma_start3A_112 : memref<1x128xi32, #tpu.memory_space<vmem>> -> memref<128xi32, #tpu.memory_space<vmem>>
        %dma_start3A_114 = arith.constant 0 : i32
        %dma_start3A_115 = arith.constant 0 : i32
        %dma_start3A_116 = tpu.memref_slice %arg13[%dma_start3A_114, %dma_start3A_115] : memref<10240x128xf32, #tpu.memory_space<vmem_shared>> -> memref<10240x128xf32, #tpu.memory_space<vmem_shared>>
        tpu.enqueue_indirect_dma source(%arg12 : memref<128x128xf32, #tpu.memory_space<vmem>>) target(%dma_start3A_116 : memref<10240x128xf32, #tpu.memory_space<vmem_shared>>) offsets(%dma_start3A_113 : memref<128xi32, #tpu.memory_space<vmem>>) semaphore(%run_scoped3A_110 : memref<!tpu.dma_semaphore, #tpu.memory_space<semaphore_mem>>) {add = true}
        %dma_wait3A_117 = arith.constant 0 : i32
        %dma_wait3A_118 = tpu.memref_slice %arg10[%run_scoped3A_107, %dma_wait3A_117] : memref<1x128xi32, #tpu.memory_space<vmem>> -> memref<1x128xi32, #tpu.memory_space<vmem>>
        %dma_wait3A_119 = tpu.memref_squeeze %dma_wait3A_118 : memref<1x128xi32, #tpu.memory_space<vmem>> -> memref<128xi32, #tpu.memory_space<vmem>>
        %dma_wait3A_120 = arith.constant 0 : i32
        %dma_wait3A_121 = arith.constant 0 : i32
        %dma_wait3A_122 = tpu.memref_slice %arg13[%dma_wait3A_120, %dma_wait3A_121] : memref<10240x128xf32, #tpu.memory_space<vmem_shared>> -> memref<10240x128xf32, #tpu.memory_space<vmem_shared>>
        tpu.wait_indirect_dma semaphore(%run_scoped3A_110 : memref<!tpu.dma_semaphore, #tpu.memory_space<semaphore_mem>>) src(%arg12 : memref<128x128xf32, #tpu.memory_space<vmem>>) dst(%dma_wait3A_122 : memref<10240x128xf32, #tpu.memory_space<vmem_shared>>)
        tpu.yield
      }) : () -> ()
      %run_scoped3A_108 = arith.constant 0 : i32
      "tpu.region"() ({
        %run_scoped3A_110 = tpu.sem_alloc : memref<!tpu.dma_semaphore, #tpu.memory_space<semaphore_mem>>
        %dma_start3A_111 = arith.constant 0 : i32
        %dma_start3A_112 = tpu.memref_slice %arg10[%run_scoped3A_108, %dma_start3A_111] : memref<1x128xi32, #tpu.memory_space<vmem>> -> memref<1x128xi32, #tpu.memory_space<vmem>>
        %dma_start3A_113 = tpu.memref_squeeze %dma_start3A_112 : memref<1x128xi32, #tpu.memory_space<vmem>> -> memref<128xi32, #tpu.memory_space<vmem>>
        %dma_start3A_114 = arith.constant 0 : i32
        %dma_start3A_115 = tpu.memref_slice %arg18[%dma_start3A_114] : memref<10240xf32, #tpu.memory_space<vmem_shared>> -> memref<10240xf32, #tpu.memory_space<vmem_shared>>
        tpu.enqueue_indirect_dma source(%arg17 : memref<128xf32, #tpu.memory_space<vmem>>) target(%dma_start3A_115 : memref<10240xf32, #tpu.memory_space<vmem_shared>>) offsets(%dma_start3A_113 : memref<128xi32, #tpu.memory_space<vmem>>) semaphore(%run_scoped3A_110 : memref<!tpu.dma_semaphore, #tpu.memory_space<semaphore_mem>>) {add = true}
        %dma_wait3A_116 = arith.constant 0 : i32
        %dma_wait3A_117 = tpu.memref_slice %arg10[%run_scoped3A_108, %dma_wait3A_116] : memref<1x128xi32, #tpu.memory_space<vmem>> -> memref<1x128xi32, #tpu.memory_space<vmem>>
        %dma_wait3A_118 = tpu.memref_squeeze %dma_wait3A_117 : memref<1x128xi32, #tpu.memory_space<vmem>> -> memref<128xi32, #tpu.memory_space<vmem>>
        %dma_wait3A_119 = arith.constant 0 : i32
        %dma_wait3A_120 = tpu.memref_slice %arg18[%dma_wait3A_119] : memref<10240xf32, #tpu.memory_space<vmem_shared>> -> memref<10240xf32, #tpu.memory_space<vmem_shared>>
        tpu.wait_indirect_dma semaphore(%run_scoped3A_110 : memref<!tpu.dma_semaphore, #tpu.memory_space<semaphore_mem>>) src(%arg17 : memref<128xf32, #tpu.memory_space<vmem>>) dst(%dma_wait3A_120 : memref<10240xf32, #tpu.memory_space<vmem_shared>>)
        tpu.yield
      }) : () -> ()
      %scan3A_109 = arith.constant 0 : i32
      scf.yield %scan3A_109 : i32
    }
    %scan3A_46 = arith.constant 40 : i32
    %barrier3A_47 = arith.constant 0 : index
    tpu.barrier barrier_id(%barrier3A_47)
    "tpu.region"() ({
      %run_scoped3A_71 = tpu.sem_alloc : memref<!tpu.dma_semaphore, #tpu.memory_space<semaphore_mem>>
      %dma_start3A_72 = tpu.memref_slice %arg18[%mul3A_8] : memref<10240xf32, #tpu.memory_space<vmem_shared>> -> memref<640xf32, #tpu.memory_space<vmem_shared>>
      %dma_start3A_73 = tpu.memref_slice %arg18[%mul3A_8] : memref<10240xf32, #tpu.memory_space<vmem_shared>> -> memref<640xf32, #tpu.memory_space<vmem_shared>>
      tpu.enqueue_dma source(%dma_start3A_73 : memref<640xf32, #tpu.memory_space<vmem_shared>>) target(%arg16 : memref<640xf32, #tpu.memory_space<vmem>>) target_semaphore(%run_scoped3A_71 : memref<!tpu.dma_semaphore, #tpu.memory_space<semaphore_mem>>)
      %dma_wait3A = tpu.memref_slice %arg18[%mul3A_8] : memref<10240xf32, #tpu.memory_space<vmem_shared>> -> memref<640xf32, #tpu.memory_space<vmem_shared>>
      %dma_wait3A_74 = tpu.memref_slice %arg18[%mul3A_8] : memref<10240xf32, #tpu.memory_space<vmem_shared>> -> memref<640xf32, #tpu.memory_space<vmem_shared>>
      tpu.wait_dma2 semaphore(%run_scoped3A_71 : memref<!tpu.dma_semaphore, #tpu.memory_space<semaphore_mem>>) src(%dma_wait3A_74 : memref<640xf32, #tpu.memory_space<vmem_shared>>) dst(%arg16 : memref<640xf32, #tpu.memory_space<vmem>>)
      tpu.yield
    }) : () -> ()
    %mul3A_48 = arith.constant 10240 : i32
    %mul3A_49 = arith.muli %arg0, %mul3A_48 : i32
    %add3A_50 = arith.addi %mul3A_49, %mul3A_8 : i32
    "tpu.region"() ({
      %run_scoped3A_71 = tpu.sem_alloc : memref<!tpu.dma_semaphore, #tpu.memory_space<semaphore_mem>>
      %dma_start3A_72 = tpu.memref_slice %arg6[%add3A_50] : memref<20480xf32, #tpu.memory_space<hbm>> -> memref<640xf32, #tpu.memory_space<hbm>>
      %dma_start3A_73 = tpu.memref_slice %arg6[%add3A_50] : memref<20480xf32, #tpu.memory_space<hbm>> -> memref<640xf32, #tpu.memory_space<hbm>>
      tpu.enqueue_dma source(%arg16 : memref<640xf32, #tpu.memory_space<vmem>>) target(%dma_start3A_73 : memref<640xf32, #tpu.memory_space<hbm>>) target_semaphore(%run_scoped3A_71 : memref<!tpu.dma_semaphore, #tpu.memory_space<semaphore_mem>>)
      %dma_wait3A = tpu.memref_slice %arg6[%add3A_50] : memref<20480xf32, #tpu.memory_space<hbm>> -> memref<640xf32, #tpu.memory_space<hbm>>
      %dma_wait3A_74 = tpu.memref_slice %arg6[%add3A_50] : memref<20480xf32, #tpu.memory_space<hbm>> -> memref<640xf32, #tpu.memory_space<hbm>>
      tpu.wait_dma2 semaphore(%run_scoped3A_71 : memref<!tpu.dma_semaphore, #tpu.memory_space<semaphore_mem>>) src(%arg16 : memref<640xf32, #tpu.memory_space<vmem>>) dst(%dma_wait3A_74 : memref<640xf32, #tpu.memory_space<hbm>>)
      tpu.yield
    }) : () -> ()
    %add3A_51 = arith.constant 0 : i32
    %add3A_52 = arith.addi %mul3A_8, %add3A_51 : i32
    "tpu.region"() ({
      %run_scoped3A_71 = tpu.sem_alloc : memref<!tpu.dma_semaphore, #tpu.memory_space<semaphore_mem>>
      %dma_start3A_72 = arith.constant 0 : i32
      %dma_start3A_73 = tpu.memref_slice %arg13[%add3A_52, %dma_start3A_72] : memref<10240x128xf32, #tpu.memory_space<vmem_shared>> -> memref<128x128xf32, #tpu.memory_space<vmem_shared>>
      %dma_start3A_74 = arith.constant 0 : i32
      %dma_start3A_75 = tpu.memref_slice %arg13[%add3A_52, %dma_start3A_74] : memref<10240x128xf32, #tpu.memory_space<vmem_shared>> -> memref<128x128xf32, #tpu.memory_space<vmem_shared>>
      tpu.enqueue_dma source(%dma_start3A_75 : memref<128x128xf32, #tpu.memory_space<vmem_shared>>) target(%arg11 : memref<128x128xf32, #tpu.memory_space<vmem>>) target_semaphore(%run_scoped3A_71 : memref<!tpu.dma_semaphore, #tpu.memory_space<semaphore_mem>>)
      %dma_wait3A = arith.constant 0 : i32
      %dma_wait3A_76 = tpu.memref_slice %arg13[%add3A_52, %dma_wait3A] : memref<10240x128xf32, #tpu.memory_space<vmem_shared>> -> memref<128x128xf32, #tpu.memory_space<vmem_shared>>
      %dma_wait3A_77 = arith.constant 0 : i32
      %dma_wait3A_78 = tpu.memref_slice %arg13[%add3A_52, %dma_wait3A_77] : memref<10240x128xf32, #tpu.memory_space<vmem_shared>> -> memref<128x128xf32, #tpu.memory_space<vmem_shared>>
      tpu.wait_dma2 semaphore(%run_scoped3A_71 : memref<!tpu.dma_semaphore, #tpu.memory_space<semaphore_mem>>) src(%dma_wait3A_78 : memref<128x128xf32, #tpu.memory_space<vmem_shared>>) dst(%arg11 : memref<128x128xf32, #tpu.memory_space<vmem>>)
      tpu.yield
    }) : () -> ()
    %add3A_53 = arith.constant 0 : i32
    %add3A_54 = arith.addi %mul3A_8, %add3A_53 : i32
    "tpu.region"() ({
      %run_scoped3A_71 = tpu.sem_alloc : memref<!tpu.dma_semaphore, #tpu.memory_space<semaphore_mem>>
      %dma_start3A_72 = arith.constant 0 : i32
      %dma_start3A_73 = tpu.memref_slice %arg5[%arg0, %add3A_54, %dma_start3A_72] : memref<2x10240x128xf32, #tpu.memory_space<hbm>> -> memref<1x128x128xf32, #tpu.memory_space<hbm>>
      %dma_start3A_74 = tpu.memref_squeeze %dma_start3A_73 : memref<1x128x128xf32, #tpu.memory_space<hbm>> -> memref<128x128xf32, #tpu.memory_space<hbm>>
      %dma_start3A_75 = arith.constant 0 : i32
      %dma_start3A_76 = tpu.memref_slice %arg5[%arg0, %add3A_54, %dma_start3A_75] : memref<2x10240x128xf32, #tpu.memory_space<hbm>> -> memref<1x128x128xf32, #tpu.memory_space<hbm>>
      %dma_start3A_77 = tpu.memref_squeeze %dma_start3A_76 : memref<1x128x128xf32, #tpu.memory_space<hbm>> -> memref<128x128xf32, #tpu.memory_space<hbm>>
      tpu.enqueue_dma source(%arg11 : memref<128x128xf32, #tpu.memory_space<vmem>>) target(%dma_start3A_77 : memref<128x128xf32, #tpu.memory_space<hbm>>) target_semaphore(%run_scoped3A_71 : memref<!tpu.dma_semaphore, #tpu.memory_space<semaphore_mem>>)
      %dma_wait3A = arith.constant 0 : i32
      %dma_wait3A_78 = tpu.memref_slice %arg5[%arg0, %add3A_54, %dma_wait3A] : memref<2x10240x128xf32, #tpu.memory_space<hbm>> -> memref<1x128x128xf32, #tpu.memory_space<hbm>>
      %dma_wait3A_79 = tpu.memref_squeeze %dma_wait3A_78 : memref<1x128x128xf32, #tpu.memory_space<hbm>> -> memref<128x128xf32, #tpu.memory_space<hbm>>
      %dma_wait3A_80 = arith.constant 0 : i32
      %dma_wait3A_81 = tpu.memref_slice %arg5[%arg0, %add3A_54, %dma_wait3A_80] : memref<2x10240x128xf32, #tpu.memory_space<hbm>> -> memref<1x128x128xf32, #tpu.memory_space<hbm>>
      %dma_wait3A_82 = tpu.memref_squeeze %dma_wait3A_81 : memref<1x128x128xf32, #tpu.memory_space<hbm>> -> memref<128x128xf32, #tpu.memory_space<hbm>>
      tpu.wait_dma2 semaphore(%run_scoped3A_71 : memref<!tpu.dma_semaphore, #tpu.memory_space<semaphore_mem>>) src(%arg11 : memref<128x128xf32, #tpu.memory_space<vmem>>) dst(%dma_wait3A_82 : memref<128x128xf32, #tpu.memory_space<hbm>>)
      tpu.yield
    }) : () -> ()
    %add3A_55 = arith.constant 128 : i32
    %add3A_56 = arith.addi %mul3A_8, %add3A_55 : i32
    "tpu.region"() ({
      %run_scoped3A_71 = tpu.sem_alloc : memref<!tpu.dma_semaphore, #tpu.memory_space<semaphore_mem>>
      %dma_start3A_72 = arith.constant 0 : i32
      %dma_start3A_73 = tpu.memref_slice %arg13[%add3A_56, %dma_start3A_72] : memref<10240x128xf32, #tpu.memory_space<vmem_shared>> -> memref<128x128xf32, #tpu.memory_space<vmem_shared>>
      %dma_start3A_74 = arith.constant 0 : i32
      %dma_start3A_75 = tpu.memref_slice %arg13[%add3A_56, %dma_start3A_74] : memref<10240x128xf32, #tpu.memory_space<vmem_shared>> -> memref<128x128xf32, #tpu.memory_space<vmem_shared>>
      tpu.enqueue_dma source(%dma_start3A_75 : memref<128x128xf32, #tpu.memory_space<vmem_shared>>) target(%arg11 : memref<128x128xf32, #tpu.memory_space<vmem>>) target_semaphore(%run_scoped3A_71 : memref<!tpu.dma_semaphore, #tpu.memory_space<semaphore_mem>>)
      %dma_wait3A = arith.constant 0 : i32
      %dma_wait3A_76 = tpu.memref_slice %arg13[%add3A_56, %dma_wait3A] : memref<10240x128xf32, #tpu.memory_space<vmem_shared>> -> memref<128x128xf32, #tpu.memory_space<vmem_shared>>
      %dma_wait3A_77 = arith.constant 0 : i32
      %dma_wait3A_78 = tpu.memref_slice %arg13[%add3A_56, %dma_wait3A_77] : memref<10240x128xf32, #tpu.memory_space<vmem_shared>> -> memref<128x128xf32, #tpu.memory_space<vmem_shared>>
      tpu.wait_dma2 semaphore(%run_scoped3A_71 : memref<!tpu.dma_semaphore, #tpu.memory_space<semaphore_mem>>) src(%dma_wait3A_78 : memref<128x128xf32, #tpu.memory_space<vmem_shared>>) dst(%arg11 : memref<128x128xf32, #tpu.memory_space<vmem>>)
      tpu.yield
    }) : () -> ()
    %add3A_57 = arith.constant 128 : i32
    %add3A_58 = arith.addi %mul3A_8, %add3A_57 : i32
    "tpu.region"() ({
      %run_scoped3A_71 = tpu.sem_alloc : memref<!tpu.dma_semaphore, #tpu.memory_space<semaphore_mem>>
      %dma_start3A_72 = arith.constant 0 : i32
      %dma_start3A_73 = tpu.memref_slice %arg5[%arg0, %add3A_58, %dma_start3A_72] : memref<2x10240x128xf32, #tpu.memory_space<hbm>> -> memref<1x128x128xf32, #tpu.memory_space<hbm>>
      %dma_start3A_74 = tpu.memref_squeeze %dma_start3A_73 : memref<1x128x128xf32, #tpu.memory_space<hbm>> -> memref<128x128xf32, #tpu.memory_space<hbm>>
      %dma_start3A_75 = arith.constant 0 : i32
      %dma_start3A_76 = tpu.memref_slice %arg5[%arg0, %add3A_58, %dma_start3A_75] : memref<2x10240x128xf32, #tpu.memory_space<hbm>> -> memref<1x128x128xf32, #tpu.memory_space<hbm>>
      %dma_start3A_77 = tpu.memref_squeeze %dma_start3A_76 : memref<1x128x128xf32, #tpu.memory_space<hbm>> -> memref<128x128xf32, #tpu.memory_space<hbm>>
      tpu.enqueue_dma source(%arg11 : memref<128x128xf32, #tpu.memory_space<vmem>>) target(%dma_start3A_77 : memref<128x128xf32, #tpu.memory_space<hbm>>) target_semaphore(%run_scoped3A_71 : memref<!tpu.dma_semaphore, #tpu.memory_space<semaphore_mem>>)
      %dma_wait3A = arith.constant 0 : i32
      %dma_wait3A_78 = tpu.memref_slice %arg5[%arg0, %add3A_58, %dma_wait3A] : memref<2x10240x128xf32, #tpu.memory_space<hbm>> -> memref<1x128x128xf32, #tpu.memory_space<hbm>>
      %dma_wait3A_79 = tpu.memref_squeeze %dma_wait3A_78 : memref<1x128x128xf32, #tpu.memory_space<hbm>> -> memref<128x128xf32, #tpu.memory_space<hbm>>
      %dma_wait3A_80 = arith.constant 0 : i32
      %dma_wait3A_81 = tpu.memref_slice %arg5[%arg0, %add3A_58, %dma_wait3A_80] : memref<2x10240x128xf32, #tpu.memory_space<hbm>> -> memref<1x128x128xf32, #tpu.memory_space<hbm>>
      %dma_wait3A_82 = tpu.memref_squeeze %dma_wait3A_81 : memref<1x128x128xf32, #tpu.memory_space<hbm>> -> memref<128x128xf32, #tpu.memory_space<hbm>>
      tpu.wait_dma2 semaphore(%run_scoped3A_71 : memref<!tpu.dma_semaphore, #tpu.memory_space<semaphore_mem>>) src(%arg11 : memref<128x128xf32, #tpu.memory_space<vmem>>) dst(%dma_wait3A_82 : memref<128x128xf32, #tpu.memory_space<hbm>>)
      tpu.yield
    }) : () -> ()
    %add3A_59 = arith.constant 256 : i32
    %add3A_60 = arith.addi %mul3A_8, %add3A_59 : i32
    "tpu.region"() ({
      %run_scoped3A_71 = tpu.sem_alloc : memref<!tpu.dma_semaphore, #tpu.memory_space<semaphore_mem>>
      %dma_start3A_72 = arith.constant 0 : i32
      %dma_start3A_73 = tpu.memref_slice %arg13[%add3A_60, %dma_start3A_72] : memref<10240x128xf32, #tpu.memory_space<vmem_shared>> -> memref<128x128xf32, #tpu.memory_space<vmem_shared>>
      %dma_start3A_74 = arith.constant 0 : i32
      %dma_start3A_75 = tpu.memref_slice %arg13[%add3A_60, %dma_start3A_74] : memref<10240x128xf32, #tpu.memory_space<vmem_shared>> -> memref<128x128xf32, #tpu.memory_space<vmem_shared>>
      tpu.enqueue_dma source(%dma_start3A_75 : memref<128x128xf32, #tpu.memory_space<vmem_shared>>) target(%arg11 : memref<128x128xf32, #tpu.memory_space<vmem>>) target_semaphore(%run_scoped3A_71 : memref<!tpu.dma_semaphore, #tpu.memory_space<semaphore_mem>>)
      %dma_wait3A = arith.constant 0 : i32
      %dma_wait3A_76 = tpu.memref_slice %arg13[%add3A_60, %dma_wait3A] : memref<10240x128xf32, #tpu.memory_space<vmem_shared>> -> memref<128x128xf32, #tpu.memory_space<vmem_shared>>
      %dma_wait3A_77 = arith.constant 0 : i32
      %dma_wait3A_78 = tpu.memref_slice %arg13[%add3A_60, %dma_wait3A_77] : memref<10240x128xf32, #tpu.memory_space<vmem_shared>> -> memref<128x128xf32, #tpu.memory_space<vmem_shared>>
      tpu.wait_dma2 semaphore(%run_scoped3A_71 : memref<!tpu.dma_semaphore, #tpu.memory_space<semaphore_mem>>) src(%dma_wait3A_78 : memref<128x128xf32, #tpu.memory_space<vmem_shared>>) dst(%arg11 : memref<128x128xf32, #tpu.memory_space<vmem>>)
      tpu.yield
    }) : () -> ()
    %add3A_61 = arith.constant 256 : i32
    %add3A_62 = arith.addi %mul3A_8, %add3A_61 : i32
    "tpu.region"() ({
      %run_scoped3A_71 = tpu.sem_alloc : memref<!tpu.dma_semaphore, #tpu.memory_space<semaphore_mem>>
      %dma_start3A_72 = arith.constant 0 : i32
      %dma_start3A_73 = tpu.memref_slice %arg5[%arg0, %add3A_62, %dma_start3A_72] : memref<2x10240x128xf32, #tpu.memory_space<hbm>> -> memref<1x128x128xf32, #tpu.memory_space<hbm>>
      %dma_start3A_74 = tpu.memref_squeeze %dma_start3A_73 : memref<1x128x128xf32, #tpu.memory_space<hbm>> -> memref<128x128xf32, #tpu.memory_space<hbm>>
      %dma_start3A_75 = arith.constant 0 : i32
      %dma_start3A_76 = tpu.memref_slice %arg5[%arg0, %add3A_62, %dma_start3A_75] : memref<2x10240x128xf32, #tpu.memory_space<hbm>> -> memref<1x128x128xf32, #tpu.memory_space<hbm>>
      %dma_start3A_77 = tpu.memref_squeeze %dma_start3A_76 : memref<1x128x128xf32, #tpu.memory_space<hbm>> -> memref<128x128xf32, #tpu.memory_space<hbm>>
      tpu.enqueue_dma source(%arg11 : memref<128x128xf32, #tpu.memory_space<vmem>>) target(%dma_start3A_77 : memref<128x128xf32, #tpu.memory_space<hbm>>) target_semaphore(%run_scoped3A_71 : memref<!tpu.dma_semaphore, #tpu.memory_space<semaphore_mem>>)
      %dma_wait3A = arith.constant 0 : i32
      %dma_wait3A_78 = tpu.memref_slice %arg5[%arg0, %add3A_62, %dma_wait3A] : memref<2x10240x128xf32, #tpu.memory_space<hbm>> -> memref<1x128x128xf32, #tpu.memory_space<hbm>>
      %dma_wait3A_79 = tpu.memref_squeeze %dma_wait3A_78 : memref<1x128x128xf32, #tpu.memory_space<hbm>> -> memref<128x128xf32, #tpu.memory_space<hbm>>
      %dma_wait3A_80 = arith.constant 0 : i32
      %dma_wait3A_81 = tpu.memref_slice %arg5[%arg0, %add3A_62, %dma_wait3A_80] : memref<2x10240x128xf32, #tpu.memory_space<hbm>> -> memref<1x128x128xf32, #tpu.memory_space<hbm>>
      %dma_wait3A_82 = tpu.memref_squeeze %dma_wait3A_81 : memref<1x128x128xf32, #tpu.memory_space<hbm>> -> memref<128x128xf32, #tpu.memory_space<hbm>>
      tpu.wait_dma2 semaphore(%run_scoped3A_71 : memref<!tpu.dma_semaphore, #tpu.memory_space<semaphore_mem>>) src(%arg11 : memref<128x128xf32, #tpu.memory_space<vmem>>) dst(%dma_wait3A_82 : memref<128x128xf32, #tpu.memory_space<hbm>>)
      tpu.yield
    }) : () -> ()
    %add3A_63 = arith.constant 384 : i32
    %add3A_64 = arith.addi %mul3A_8, %add3A_63 : i32
    "tpu.region"() ({
      %run_scoped3A_71 = tpu.sem_alloc : memref<!tpu.dma_semaphore, #tpu.memory_space<semaphore_mem>>
      %dma_start3A_72 = arith.constant 0 : i32
      %dma_start3A_73 = tpu.memref_slice %arg13[%add3A_64, %dma_start3A_72] : memref<10240x128xf32, #tpu.memory_space<vmem_shared>> -> memref<128x128xf32, #tpu.memory_space<vmem_shared>>
      %dma_start3A_74 = arith.constant 0 : i32
      %dma_start3A_75 = tpu.memref_slice %arg13[%add3A_64, %dma_start3A_74] : memref<10240x128xf32, #tpu.memory_space<vmem_shared>> -> memref<128x128xf32, #tpu.memory_space<vmem_shared>>
      tpu.enqueue_dma source(%dma_start3A_75 : memref<128x128xf32, #tpu.memory_space<vmem_shared>>) target(%arg11 : memref<128x128xf32, #tpu.memory_space<vmem>>) target_semaphore(%run_scoped3A_71 : memref<!tpu.dma_semaphore, #tpu.memory_space<semaphore_mem>>)
      %dma_wait3A = arith.constant 0 : i32
      %dma_wait3A_76 = tpu.memref_slice %arg13[%add3A_64, %dma_wait3A] : memref<10240x128xf32, #tpu.memory_space<vmem_shared>> -> memref<128x128xf32, #tpu.memory_space<vmem_shared>>
      %dma_wait3A_77 = arith.constant 0 : i32
      %dma_wait3A_78 = tpu.memref_slice %arg13[%add3A_64, %dma_wait3A_77] : memref<10240x128xf32, #tpu.memory_space<vmem_shared>> -> memref<128x128xf32, #tpu.memory_space<vmem_shared>>
      tpu.wait_dma2 semaphore(%run_scoped3A_71 : memref<!tpu.dma_semaphore, #tpu.memory_space<semaphore_mem>>) src(%dma_wait3A_78 : memref<128x128xf32, #tpu.memory_space<vmem_shared>>) dst(%arg11 : memref<128x128xf32, #tpu.memory_space<vmem>>)
      tpu.yield
    }) : () -> ()
    %add3A_65 = arith.constant 384 : i32
    %add3A_66 = arith.addi %mul3A_8, %add3A_65 : i32
    "tpu.region"() ({
      %run_scoped3A_71 = tpu.sem_alloc : memref<!tpu.dma_semaphore, #tpu.memory_space<semaphore_mem>>
      %dma_start3A_72 = arith.constant 0 : i32
      %dma_start3A_73 = tpu.memref_slice %arg5[%arg0, %add3A_66, %dma_start3A_72] : memref<2x10240x128xf32, #tpu.memory_space<hbm>> -> memref<1x128x128xf32, #tpu.memory_space<hbm>>
      %dma_start3A_74 = tpu.memref_squeeze %dma_start3A_73 : memref<1x128x128xf32, #tpu.memory_space<hbm>> -> memref<128x128xf32, #tpu.memory_space<hbm>>
      %dma_start3A_75 = arith.constant 0 : i32
      %dma_start3A_76 = tpu.memref_slice %arg5[%arg0, %add3A_66, %dma_start3A_75] : memref<2x10240x128xf32, #tpu.memory_space<hbm>> -> memref<1x128x128xf32, #tpu.memory_space<hbm>>
      %dma_start3A_77 = tpu.memref_squeeze %dma_start3A_76 : memref<1x128x128xf32, #tpu.memory_space<hbm>> -> memref<128x128xf32, #tpu.memory_space<hbm>>
      tpu.enqueue_dma source(%arg11 : memref<128x128xf32, #tpu.memory_space<vmem>>) target(%dma_start3A_77 : memref<128x128xf32, #tpu.memory_space<hbm>>) target_semaphore(%run_scoped3A_71 : memref<!tpu.dma_semaphore, #tpu.memory_space<semaphore_mem>>)
      %dma_wait3A = arith.constant 0 : i32
      %dma_wait3A_78 = tpu.memref_slice %arg5[%arg0, %add3A_66, %dma_wait3A] : memref<2x10240x128xf32, #tpu.memory_space<hbm>> -> memref<1x128x128xf32, #tpu.memory_space<hbm>>
      %dma_wait3A_79 = tpu.memref_squeeze %dma_wait3A_78 : memref<1x128x128xf32, #tpu.memory_space<hbm>> -> memref<128x128xf32, #tpu.memory_space<hbm>>
      %dma_wait3A_80 = arith.constant 0 : i32
      %dma_wait3A_81 = tpu.memref_slice %arg5[%arg0, %add3A_66, %dma_wait3A_80] : memref<2x10240x128xf32, #tpu.memory_space<hbm>> -> memref<1x128x128xf32, #tpu.memory_space<hbm>>
      %dma_wait3A_82 = tpu.memref_squeeze %dma_wait3A_81 : memref<1x128x128xf32, #tpu.memory_space<hbm>> -> memref<128x128xf32, #tpu.memory_space<hbm>>
      tpu.wait_dma2 semaphore(%run_scoped3A_71 : memref<!tpu.dma_semaphore, #tpu.memory_space<semaphore_mem>>) src(%arg11 : memref<128x128xf32, #tpu.memory_space<vmem>>) dst(%dma_wait3A_82 : memref<128x128xf32, #tpu.memory_space<hbm>>)
      tpu.yield
    }) : () -> ()
    %add3A_67 = arith.constant 512 : i32
    %add3A_68 = arith.addi %mul3A_8, %add3A_67 : i32
    "tpu.region"() ({
      %run_scoped3A_71 = tpu.sem_alloc : memref<!tpu.dma_semaphore, #tpu.memory_space<semaphore_mem>>
      %dma_start3A_72 = arith.constant 0 : i32
      %dma_start3A_73 = tpu.memref_slice %arg13[%add3A_68, %dma_start3A_72] : memref<10240x128xf32, #tpu.memory_space<vmem_shared>> -> memref<128x128xf32, #tpu.memory_space<vmem_shared>>
      %dma_start3A_74 = arith.constant 0 : i32
      %dma_start3A_75 = tpu.memref_slice %arg13[%add3A_68, %dma_start3A_74] : memref<10240x128xf32, #tpu.memory_space<vmem_shared>> -> memref<128x128xf32, #tpu.memory_space<vmem_shared>>
      tpu.enqueue_dma source(%dma_start3A_75 : memref<128x128xf32, #tpu.memory_space<vmem_shared>>) target(%arg11 : memref<128x128xf32, #tpu.memory_space<vmem>>) target_semaphore(%run_scoped3A_71 : memref<!tpu.dma_semaphore, #tpu.memory_space<semaphore_mem>>)
      %dma_wait3A = arith.constant 0 : i32
      %dma_wait3A_76 = tpu.memref_slice %arg13[%add3A_68, %dma_wait3A] : memref<10240x128xf32, #tpu.memory_space<vmem_shared>> -> memref<128x128xf32, #tpu.memory_space<vmem_shared>>
      %dma_wait3A_77 = arith.constant 0 : i32
      %dma_wait3A_78 = tpu.memref_slice %arg13[%add3A_68, %dma_wait3A_77] : memref<10240x128xf32, #tpu.memory_space<vmem_shared>> -> memref<128x128xf32, #tpu.memory_space<vmem_shared>>
      tpu.wait_dma2 semaphore(%run_scoped3A_71 : memref<!tpu.dma_semaphore, #tpu.memory_space<semaphore_mem>>) src(%dma_wait3A_78 : memref<128x128xf32, #tpu.memory_space<vmem_shared>>) dst(%arg11 : memref<128x128xf32, #tpu.memory_space<vmem>>)
      tpu.yield
    }) : () -> ()
    %add3A_69 = arith.constant 512 : i32
    %add3A_70 = arith.addi %mul3A_8, %add3A_69 : i32
    "tpu.region"() ({
      %run_scoped3A_71 = tpu.sem_alloc : memref<!tpu.dma_semaphore, #tpu.memory_space<semaphore_mem>>
      %dma_start3A_72 = arith.constant 0 : i32
      %dma_start3A_73 = tpu.memref_slice %arg5[%arg0, %add3A_70, %dma_start3A_72] : memref<2x10240x128xf32, #tpu.memory_space<hbm>> -> memref<1x128x128xf32, #tpu.memory_space<hbm>>
      %dma_start3A_74 = tpu.memref_squeeze %dma_start3A_73 : memref<1x128x128xf32, #tpu.memory_space<hbm>> -> memref<128x128xf32, #tpu.memory_space<hbm>>
      %dma_start3A_75 = arith.constant 0 : i32
      %dma_start3A_76 = tpu.memref_slice %arg5[%arg0, %add3A_70, %dma_start3A_75] : memref<2x10240x128xf32, #tpu.memory_space<hbm>> -> memref<1x128x128xf32, #tpu.memory_space<hbm>>
      %dma_start3A_77 = tpu.memref_squeeze %dma_start3A_76 : memref<1x128x128xf32, #tpu.memory_space<hbm>> -> memref<128x128xf32, #tpu.memory_space<hbm>>
      tpu.enqueue_dma source(%arg11 : memref<128x128xf32, #tpu.memory_space<vmem>>) target(%dma_start3A_77 : memref<128x128xf32, #tpu.memory_space<hbm>>) target_semaphore(%run_scoped3A_71 : memref<!tpu.dma_semaphore, #tpu.memory_space<semaphore_mem>>)
      %dma_wait3A = arith.constant 0 : i32
      %dma_wait3A_78 = tpu.memref_slice %arg5[%arg0, %add3A_70, %dma_wait3A] : memref<2x10240x128xf32, #tpu.memory_space<hbm>> -> memref<1x128x128xf32, #tpu.memory_space<hbm>>
      %dma_wait3A_79 = tpu.memref_squeeze %dma_wait3A_78 : memref<1x128x128xf32, #tpu.memory_space<hbm>> -> memref<128x128xf32, #tpu.memory_space<hbm>>
      %dma_wait3A_80 = arith.constant 0 : i32
      %dma_wait3A_81 = tpu.memref_slice %arg5[%arg0, %add3A_70, %dma_wait3A_80] : memref<2x10240x128xf32, #tpu.memory_space<hbm>> -> memref<1x128x128xf32, #tpu.memory_space<hbm>>
      %dma_wait3A_82 = tpu.memref_squeeze %dma_wait3A_81 : memref<1x128x128xf32, #tpu.memory_space<hbm>> -> memref<128x128xf32, #tpu.memory_space<hbm>>
      tpu.wait_dma2 semaphore(%run_scoped3A_71 : memref<!tpu.dma_semaphore, #tpu.memory_space<semaphore_mem>>) src(%arg11 : memref<128x128xf32, #tpu.memory_space<vmem>>) dst(%dma_wait3A_82 : memref<128x128xf32, #tpu.memory_space<hbm>>)
      tpu.yield
    }) : () -> ()
    return
  }
}

#map = affine_map<(d0, d1) -> (0, 0)>
#map1 = affine_map<(d0, d1) -> (0, 0, 0, 0)>
#map2 = affine_map<(d0, d1) -> (0, 0, 0)>
module attributes {stable_mosaic.version = 14 : i64} {
  func.func @body(%arg0: i32, %arg1: i32, %arg2: memref<10240x128xf32, #tpu.memory_space<hbm>>, %arg3: memref<32x80x1x128xi32, #tpu.memory_space<hbm>>, %arg4: memref<32x80x1x128xi32, #tpu.memory_space<hbm>>, %arg5: memref<2x10240x128xf32, #tpu.memory_space<hbm>>, %arg6: memref<1x128xi32, #tpu.memory_space<vmem>>, %arg7: memref<1x128xi32, #tpu.memory_space<vmem>>, %arg8: memref<1x128xi32, #tpu.memory_space<vmem>>, %arg9: memref<1x128xi32, #tpu.memory_space<vmem>>, %arg10: memref<128x128xf32, #tpu.memory_space<vmem>>, %arg11: memref<128x128xf32, #tpu.memory_space<vmem>>, %arg12: memref<10240x128xf32, #tpu.memory_space<vmem_shared>>, %arg13: memref<!tpu.dma_semaphore, #tpu.memory_space<semaphore_mem>>, %arg14: memref<!tpu.dma_semaphore, #tpu.memory_space<semaphore_mem>>) attributes {dimension_semantics = [#tpu.dimension_semantics<core_parallel>, #tpu.dimension_semantics<subcore_parallel>], iteration_bounds = array<i64: 2, 16>, scalar_prefetch = 0 : i64, scratch_operands = 9 : i64, tpu.core_type = #tpu.core_type<sc_vector_subcore>, window_params = [{transform_indices = #map}, {transform_indices = #map1}, {transform_indices = #map1}, {transform_indices = #map2}]} {
    %mul3A = arith.constant 2 : i32
    %mul3A_0 = arith.muli %arg1, %mul3A : i32
    %add3A = arith.addi %mul3A_0, %arg0 : i32
    %scan3A = arith.constant 0 : i32
    %scan3A_1 = arith.constant 0 : i32
    %scan3A_2 = arith.constant 1024 : i32
    %scan3A_3 = arith.addi %scan3A_1, %scan3A_2 : i32
    %scan3A_4 = arith.constant 1 : i32
    %scan3A_5 = scf.for %scan3A_54 = %scan3A_1 to %scan3A_3 step %scan3A_4 iter_args(%scan3A_55 = %scan3A) -> (i32)  : i32 {
      %jit3A = arith.constant 8 : i32
      %div3A = arith.divsi %scan3A_54, %jit3A : i32
      %sign3A = arith.constant 0 : i32
      %sign3A_56 = arith.cmpi sgt, %scan3A_54, %sign3A : i32
      %sign3A_57 = arith.extui %sign3A_56 : i1 to i32
      %sign3A_58 = arith.constant 0 : i32
      %sign3A_59 = arith.cmpi slt, %scan3A_54, %sign3A_58 : i32
      %sign3A_60 = arith.extui %sign3A_59 : i1 to i32
      %sign3A_61 = arith.subi %sign3A_57, %sign3A_60 : i32
      %sign3A_62 = arith.constant 0 : i32
      %sign3A_63 = arith.cmpi sgt, %jit3A, %sign3A_62 : i32
      %sign3A_64 = arith.extui %sign3A_63 : i1 to i32
      %sign3A_65 = arith.constant 0 : i32
      %sign3A_66 = arith.cmpi slt, %jit3A, %sign3A_65 : i32
      %sign3A_67 = arith.extui %sign3A_66 : i1 to i32
      %sign3A_68 = arith.subi %sign3A_64, %sign3A_67 : i32
      %ne3A = arith.cmpi ne, %sign3A_61, %sign3A_68 : i32
      %rem3A = arith.remsi %scan3A_54, %jit3A : i32
      %ne3A_69 = arith.constant 0 : i32
      %ne3A_70 = arith.cmpi ne, %rem3A, %ne3A_69 : i32
      %and3A = arith.andi %ne3A, %ne3A_70 : i1
      %sub3A = arith.constant 1 : i32
      %sub3A_71 = arith.subi %div3A, %sub3A : i32
      %select_n3A = arith.select %and3A, %sub3A_71, %div3A : i32
      %rem3A_72 = arith.constant 8 : i32
      %rem3A_73 = arith.remsi %scan3A_54, %rem3A_72 : i32
      %broadcast_in_dim3A = arith.constant 0.000000e+00 : f32
      %broadcast_in_dim3A_74 = vector.broadcast %broadcast_in_dim3A : f32 to vector<16xf32>
      %mul3A_75 = arith.constant 16 : i32
      %mul3A_76 = arith.muli %rem3A_73, %mul3A_75 : i32
      %swap3A = arith.index_cast %select_n3A : i32 to index
      %swap3A_77 = arith.index_cast %mul3A_76 : i32 to index
      %swap3A_78 = tpu.vector_load %arg10[%swap3A, %swap3A_77] {strides = array<i32>} : memref<128x128xf32, #tpu.memory_space<vmem>>, vector<1x16xf32>,
      %swap3A_79 = vector.shape_cast %swap3A_78 : vector<1x16xf32> to vector<16xf32>
      %swap3A_80 = vector.shape_cast %broadcast_in_dim3A_74 : vector<16xf32> to vector<1x16xf32>
      tpu.vector_store %arg10[%swap3A, %swap3A_77], %swap3A_80 {strides = array<i32>} : memref<128x128xf32, #tpu.memory_space<vmem>>, vector<1x16xf32>,
      %scan3A_81 = arith.constant 0 : i32
      scf.yield %scan3A_81 : i32
    }
    %scan3A_6 = arith.constant 1024 : i32
    %mul3A_7 = arith.constant 640 : i32
    %mul3A_8 = arith.muli %arg1, %mul3A_7 : i32
    %add3A_9 = arith.constant 0 : i32
    %add3A_10 = arith.addi %mul3A_8, %add3A_9 : i32
    "tpu.region"() ({
      %run_scoped3A_54 = tpu.sem_alloc : memref<!tpu.dma_semaphore, #tpu.memory_space<semaphore_mem>>
      %dma_start3A_55 = arith.constant 0 : i32
      %dma_start3A_56 = tpu.memref_slice %arg12[%add3A_10, %dma_start3A_55] : memref<10240x128xf32, #tpu.memory_space<vmem_shared>> -> memref<128x128xf32, #tpu.memory_space<vmem_shared>>
      %dma_start3A_57 = arith.constant 0 : i32
      %dma_start3A_58 = tpu.memref_slice %arg12[%add3A_10, %dma_start3A_57] : memref<10240x128xf32, #tpu.memory_space<vmem_shared>> -> memref<128x128xf32, #tpu.memory_space<vmem_shared>>
      tpu.enqueue_dma source(%arg10 : memref<128x128xf32, #tpu.memory_space<vmem>>) target(%dma_start3A_58 : memref<128x128xf32, #tpu.memory_space<vmem_shared>>) target_semaphore(%run_scoped3A_54 : memref<!tpu.dma_semaphore, #tpu.memory_space<semaphore_mem>>)
      %dma_wait3A = arith.constant 0 : i32
      %dma_wait3A_59 = tpu.memref_slice %arg12[%add3A_10, %dma_wait3A] : memref<10240x128xf32, #tpu.memory_space<vmem_shared>> -> memref<128x128xf32, #tpu.memory_space<vmem_shared>>
      %dma_wait3A_60 = arith.constant 0 : i32
      %dma_wait3A_61 = tpu.memref_slice %arg12[%add3A_10, %dma_wait3A_60] : memref<10240x128xf32, #tpu.memory_space<vmem_shared>> -> memref<128x128xf32, #tpu.memory_space<vmem_shared>>
      tpu.wait_dma2 semaphore(%run_scoped3A_54 : memref<!tpu.dma_semaphore, #tpu.memory_space<semaphore_mem>>) src(%arg10 : memref<128x128xf32, #tpu.memory_space<vmem>>) dst(%dma_wait3A_61 : memref<128x128xf32, #tpu.memory_space<vmem_shared>>)
      tpu.yield
    }) : () -> ()
    %add3A_11 = arith.constant 128 : i32
    %add3A_12 = arith.addi %mul3A_8, %add3A_11 : i32
    "tpu.region"() ({
      %run_scoped3A_54 = tpu.sem_alloc : memref<!tpu.dma_semaphore, #tpu.memory_space<semaphore_mem>>
      %dma_start3A_55 = arith.constant 0 : i32
      %dma_start3A_56 = tpu.memref_slice %arg12[%add3A_12, %dma_start3A_55] : memref<10240x128xf32, #tpu.memory_space<vmem_shared>> -> memref<128x128xf32, #tpu.memory_space<vmem_shared>>
      %dma_start3A_57 = arith.constant 0 : i32
      %dma_start3A_58 = tpu.memref_slice %arg12[%add3A_12, %dma_start3A_57] : memref<10240x128xf32, #tpu.memory_space<vmem_shared>> -> memref<128x128xf32, #tpu.memory_space<vmem_shared>>
      tpu.enqueue_dma source(%arg10 : memref<128x128xf32, #tpu.memory_space<vmem>>) target(%dma_start3A_58 : memref<128x128xf32, #tpu.memory_space<vmem_shared>>) target_semaphore(%run_scoped3A_54 : memref<!tpu.dma_semaphore, #tpu.memory_space<semaphore_mem>>)
      %dma_wait3A = arith.constant 0 : i32
      %dma_wait3A_59 = tpu.memref_slice %arg12[%add3A_12, %dma_wait3A] : memref<10240x128xf32, #tpu.memory_space<vmem_shared>> -> memref<128x128xf32, #tpu.memory_space<vmem_shared>>
      %dma_wait3A_60 = arith.constant 0 : i32
      %dma_wait3A_61 = tpu.memref_slice %arg12[%add3A_12, %dma_wait3A_60] : memref<10240x128xf32, #tpu.memory_space<vmem_shared>> -> memref<128x128xf32, #tpu.memory_space<vmem_shared>>
      tpu.wait_dma2 semaphore(%run_scoped3A_54 : memref<!tpu.dma_semaphore, #tpu.memory_space<semaphore_mem>>) src(%arg10 : memref<128x128xf32, #tpu.memory_space<vmem>>) dst(%dma_wait3A_61 : memref<128x128xf32, #tpu.memory_space<vmem_shared>>)
      tpu.yield
    }) : () -> ()
    %add3A_13 = arith.constant 256 : i32
    %add3A_14 = arith.addi %mul3A_8, %add3A_13 : i32
    "tpu.region"() ({
      %run_scoped3A_54 = tpu.sem_alloc : memref<!tpu.dma_semaphore, #tpu.memory_space<semaphore_mem>>
      %dma_start3A_55 = arith.constant 0 : i32
      %dma_start3A_56 = tpu.memref_slice %arg12[%add3A_14, %dma_start3A_55] : memref<10240x128xf32, #tpu.memory_space<vmem_shared>> -> memref<128x128xf32, #tpu.memory_space<vmem_shared>>
      %dma_start3A_57 = arith.constant 0 : i32
      %dma_start3A_58 = tpu.memref_slice %arg12[%add3A_14, %dma_start3A_57] : memref<10240x128xf32, #tpu.memory_space<vmem_shared>> -> memref<128x128xf32, #tpu.memory_space<vmem_shared>>
      tpu.enqueue_dma source(%arg10 : memref<128x128xf32, #tpu.memory_space<vmem>>) target(%dma_start3A_58 : memref<128x128xf32, #tpu.memory_space<vmem_shared>>) target_semaphore(%run_scoped3A_54 : memref<!tpu.dma_semaphore, #tpu.memory_space<semaphore_mem>>)
      %dma_wait3A = arith.constant 0 : i32
      %dma_wait3A_59 = tpu.memref_slice %arg12[%add3A_14, %dma_wait3A] : memref<10240x128xf32, #tpu.memory_space<vmem_shared>> -> memref<128x128xf32, #tpu.memory_space<vmem_shared>>
      %dma_wait3A_60 = arith.constant 0 : i32
      %dma_wait3A_61 = tpu.memref_slice %arg12[%add3A_14, %dma_wait3A_60] : memref<10240x128xf32, #tpu.memory_space<vmem_shared>> -> memref<128x128xf32, #tpu.memory_space<vmem_shared>>
      tpu.wait_dma2 semaphore(%run_scoped3A_54 : memref<!tpu.dma_semaphore, #tpu.memory_space<semaphore_mem>>) src(%arg10 : memref<128x128xf32, #tpu.memory_space<vmem>>) dst(%dma_wait3A_61 : memref<128x128xf32, #tpu.memory_space<vmem_shared>>)
      tpu.yield
    }) : () -> ()
    %add3A_15 = arith.constant 384 : i32
    %add3A_16 = arith.addi %mul3A_8, %add3A_15 : i32
    "tpu.region"() ({
      %run_scoped3A_54 = tpu.sem_alloc : memref<!tpu.dma_semaphore, #tpu.memory_space<semaphore_mem>>
      %dma_start3A_55 = arith.constant 0 : i32
      %dma_start3A_56 = tpu.memref_slice %arg12[%add3A_16, %dma_start3A_55] : memref<10240x128xf32, #tpu.memory_space<vmem_shared>> -> memref<128x128xf32, #tpu.memory_space<vmem_shared>>
      %dma_start3A_57 = arith.constant 0 : i32
      %dma_start3A_58 = tpu.memref_slice %arg12[%add3A_16, %dma_start3A_57] : memref<10240x128xf32, #tpu.memory_space<vmem_shared>> -> memref<128x128xf32, #tpu.memory_space<vmem_shared>>
      tpu.enqueue_dma source(%arg10 : memref<128x128xf32, #tpu.memory_space<vmem>>) target(%dma_start3A_58 : memref<128x128xf32, #tpu.memory_space<vmem_shared>>) target_semaphore(%run_scoped3A_54 : memref<!tpu.dma_semaphore, #tpu.memory_space<semaphore_mem>>)
      %dma_wait3A = arith.constant 0 : i32
      %dma_wait3A_59 = tpu.memref_slice %arg12[%add3A_16, %dma_wait3A] : memref<10240x128xf32, #tpu.memory_space<vmem_shared>> -> memref<128x128xf32, #tpu.memory_space<vmem_shared>>
      %dma_wait3A_60 = arith.constant 0 : i32
      %dma_wait3A_61 = tpu.memref_slice %arg12[%add3A_16, %dma_wait3A_60] : memref<10240x128xf32, #tpu.memory_space<vmem_shared>> -> memref<128x128xf32, #tpu.memory_space<vmem_shared>>
      tpu.wait_dma2 semaphore(%run_scoped3A_54 : memref<!tpu.dma_semaphore, #tpu.memory_space<semaphore_mem>>) src(%arg10 : memref<128x128xf32, #tpu.memory_space<vmem>>) dst(%dma_wait3A_61 : memref<128x128xf32, #tpu.memory_space<vmem_shared>>)
      tpu.yield
    }) : () -> ()
    %add3A_17 = arith.constant 512 : i32
    %add3A_18 = arith.addi %mul3A_8, %add3A_17 : i32
    "tpu.region"() ({
      %run_scoped3A_54 = tpu.sem_alloc : memref<!tpu.dma_semaphore, #tpu.memory_space<semaphore_mem>>
      %dma_start3A_55 = arith.constant 0 : i32
      %dma_start3A_56 = tpu.memref_slice %arg12[%add3A_18, %dma_start3A_55] : memref<10240x128xf32, #tpu.memory_space<vmem_shared>> -> memref<128x128xf32, #tpu.memory_space<vmem_shared>>
      %dma_start3A_57 = arith.constant 0 : i32
      %dma_start3A_58 = tpu.memref_slice %arg12[%add3A_18, %dma_start3A_57] : memref<10240x128xf32, #tpu.memory_space<vmem_shared>> -> memref<128x128xf32, #tpu.memory_space<vmem_shared>>
      tpu.enqueue_dma source(%arg10 : memref<128x128xf32, #tpu.memory_space<vmem>>) target(%dma_start3A_58 : memref<128x128xf32, #tpu.memory_space<vmem_shared>>) target_semaphore(%run_scoped3A_54 : memref<!tpu.dma_semaphore, #tpu.memory_space<semaphore_mem>>)
      %dma_wait3A = arith.constant 0 : i32
      %dma_wait3A_59 = tpu.memref_slice %arg12[%add3A_18, %dma_wait3A] : memref<10240x128xf32, #tpu.memory_space<vmem_shared>> -> memref<128x128xf32, #tpu.memory_space<vmem_shared>>
      %dma_wait3A_60 = arith.constant 0 : i32
      %dma_wait3A_61 = tpu.memref_slice %arg12[%add3A_18, %dma_wait3A_60] : memref<10240x128xf32, #tpu.memory_space<vmem_shared>> -> memref<128x128xf32, #tpu.memory_space<vmem_shared>>
      tpu.wait_dma2 semaphore(%run_scoped3A_54 : memref<!tpu.dma_semaphore, #tpu.memory_space<semaphore_mem>>) src(%arg10 : memref<128x128xf32, #tpu.memory_space<vmem>>) dst(%dma_wait3A_61 : memref<128x128xf32, #tpu.memory_space<vmem_shared>>)
      tpu.yield
    }) : () -> ()
    %run_scoped3A = arith.constant 0 : i32
    "tpu.region"() ({
      %run_scoped3A_54 = tpu.sem_alloc : memref<!tpu.dma_semaphore, #tpu.memory_space<semaphore_mem>>
      %dma_start3A_55 = arith.constant 0 : i32
      %dma_start3A_56 = arith.constant 0 : i32
      %dma_start3A_57 = tpu.memref_slice %arg3[%add3A, %run_scoped3A, %dma_start3A_55, %dma_start3A_56] : memref<32x80x1x128xi32, #tpu.memory_space<hbm>> -> memref<1x1x1x128xi32, #tpu.memory_space<hbm>>
      %dma_start3A_58 = tpu.memref_squeeze %dma_start3A_57 : memref<1x1x1x128xi32, #tpu.memory_space<hbm>> -> memref<1x128xi32, #tpu.memory_space<hbm>>
      %dma_start3A_59 = arith.constant 0 : i32
      %dma_start3A_60 = arith.constant 0 : i32
      %dma_start3A_61 = tpu.memref_slice %arg3[%add3A, %run_scoped3A, %dma_start3A_59, %dma_start3A_60] : memref<32x80x1x128xi32, #tpu.memory_space<hbm>> -> memref<1x1x1x128xi32, #tpu.memory_space<hbm>>
      %dma_start3A_62 = tpu.memref_squeeze %dma_start3A_61 : memref<1x1x1x128xi32, #tpu.memory_space<hbm>> -> memref<1x128xi32, #tpu.memory_space<hbm>>
      tpu.enqueue_dma source(%dma_start3A_62 : memref<1x128xi32, #tpu.memory_space<hbm>>) target(%arg6 : memref<1x128xi32, #tpu.memory_space<vmem>>) target_semaphore(%run_scoped3A_54 : memref<!tpu.dma_semaphore, #tpu.memory_space<semaphore_mem>>)
      %dma_wait3A = arith.constant 0 : i32
      %dma_wait3A_63 = arith.constant 0 : i32
      %dma_wait3A_64 = tpu.memref_slice %arg3[%add3A, %run_scoped3A, %dma_wait3A, %dma_wait3A_63] : memref<32x80x1x128xi32, #tpu.memory_space<hbm>> -> memref<1x1x1x128xi32, #tpu.memory_space<hbm>>
      %dma_wait3A_65 = tpu.memref_squeeze %dma_wait3A_64 : memref<1x1x1x128xi32, #tpu.memory_space<hbm>> -> memref<1x128xi32, #tpu.memory_space<hbm>>
      %dma_wait3A_66 = arith.constant 0 : i32
      %dma_wait3A_67 = arith.constant 0 : i32
      %dma_wait3A_68 = tpu.memref_slice %arg3[%add3A, %run_scoped3A, %dma_wait3A_66, %dma_wait3A_67] : memref<32x80x1x128xi32, #tpu.memory_space<hbm>> -> memref<1x1x1x128xi32, #tpu.memory_space<hbm>>
      %dma_wait3A_69 = tpu.memref_squeeze %dma_wait3A_68 : memref<1x1x1x128xi32, #tpu.memory_space<hbm>> -> memref<1x128xi32, #tpu.memory_space<hbm>>
      tpu.wait_dma2 semaphore(%run_scoped3A_54 : memref<!tpu.dma_semaphore, #tpu.memory_space<semaphore_mem>>) src(%dma_wait3A_69 : memref<1x128xi32, #tpu.memory_space<hbm>>) dst(%arg6 : memref<1x128xi32, #tpu.memory_space<vmem>>)
      tpu.yield
    }) : () -> ()
    %run_scoped3A_19 = arith.constant 0 : i32
    "tpu.region"() ({
      %run_scoped3A_54 = tpu.sem_alloc : memref<!tpu.dma_semaphore, #tpu.memory_space<semaphore_mem>>
      %dma_start3A_55 = arith.constant 0 : i32
      %dma_start3A_56 = arith.constant 0 : i32
      %dma_start3A_57 = tpu.memref_slice %arg4[%add3A, %run_scoped3A_19, %dma_start3A_55, %dma_start3A_56] : memref<32x80x1x128xi32, #tpu.memory_space<hbm>> -> memref<1x1x1x128xi32, #tpu.memory_space<hbm>>
      %dma_start3A_58 = tpu.memref_squeeze %dma_start3A_57 : memref<1x1x1x128xi32, #tpu.memory_space<hbm>> -> memref<1x128xi32, #tpu.memory_space<hbm>>
      %dma_start3A_59 = arith.constant 0 : i32
      %dma_start3A_60 = arith.constant 0 : i32
      %dma_start3A_61 = tpu.memref_slice %arg4[%add3A, %run_scoped3A_19, %dma_start3A_59, %dma_start3A_60] : memref<32x80x1x128xi32, #tpu.memory_space<hbm>> -> memref<1x1x1x128xi32, #tpu.memory_space<hbm>>
      %dma_start3A_62 = tpu.memref_squeeze %dma_start3A_61 : memref<1x1x1x128xi32, #tpu.memory_space<hbm>> -> memref<1x128xi32, #tpu.memory_space<hbm>>
      tpu.enqueue_dma source(%dma_start3A_62 : memref<1x128xi32, #tpu.memory_space<hbm>>) target(%arg7 : memref<1x128xi32, #tpu.memory_space<vmem>>) target_semaphore(%run_scoped3A_54 : memref<!tpu.dma_semaphore, #tpu.memory_space<semaphore_mem>>)
      %dma_wait3A = arith.constant 0 : i32
      %dma_wait3A_63 = arith.constant 0 : i32
      %dma_wait3A_64 = tpu.memref_slice %arg4[%add3A, %run_scoped3A_19, %dma_wait3A, %dma_wait3A_63] : memref<32x80x1x128xi32, #tpu.memory_space<hbm>> -> memref<1x1x1x128xi32, #tpu.memory_space<hbm>>
      %dma_wait3A_65 = tpu.memref_squeeze %dma_wait3A_64 : memref<1x1x1x128xi32, #tpu.memory_space<hbm>> -> memref<1x128xi32, #tpu.memory_space<hbm>>
      %dma_wait3A_66 = arith.constant 0 : i32
      %dma_wait3A_67 = arith.constant 0 : i32
      %dma_wait3A_68 = tpu.memref_slice %arg4[%add3A, %run_scoped3A_19, %dma_wait3A_66, %dma_wait3A_67] : memref<32x80x1x128xi32, #tpu.memory_space<hbm>> -> memref<1x1x1x128xi32, #tpu.memory_space<hbm>>
      %dma_wait3A_69 = tpu.memref_squeeze %dma_wait3A_68 : memref<1x1x1x128xi32, #tpu.memory_space<hbm>> -> memref<1x128xi32, #tpu.memory_space<hbm>>
      tpu.wait_dma2 semaphore(%run_scoped3A_54 : memref<!tpu.dma_semaphore, #tpu.memory_space<semaphore_mem>>) src(%dma_wait3A_69 : memref<1x128xi32, #tpu.memory_space<hbm>>) dst(%arg7 : memref<1x128xi32, #tpu.memory_space<vmem>>)
      tpu.yield
    }) : () -> ()
    %dma_start3A = arith.constant 0 : i32
    %dma_start3A_20 = arith.constant 0 : i32
    %dma_start3A_21 = tpu.memref_slice %arg6[%dma_start3A, %dma_start3A_20] : memref<1x128xi32, #tpu.memory_space<vmem>> -> memref<1x128xi32, #tpu.memory_space<vmem>>
    %dma_start3A_22 = tpu.memref_squeeze %dma_start3A_21 : memref<1x128xi32, #tpu.memory_space<vmem>> -> memref<128xi32, #tpu.memory_space<vmem>>
    %dma_start3A_23 = arith.constant 0 : i32
    %dma_start3A_24 = arith.constant 0 : i32
    %dma_start3A_25 = tpu.memref_slice %arg2[%dma_start3A_23, %dma_start3A_24] : memref<10240x128xf32, #tpu.memory_space<hbm>> -> memref<10240x128xf32, #tpu.memory_space<hbm>>
    tpu.enqueue_indirect_dma source(%dma_start3A_25 : memref<10240x128xf32, #tpu.memory_space<hbm>>) target(%arg10 : memref<128x128xf32, #tpu.memory_space<vmem>>) offsets(%dma_start3A_22 : memref<128xi32, #tpu.memory_space<vmem>>) semaphore(%arg13 : memref<!tpu.dma_semaphore, #tpu.memory_space<semaphore_mem>>)
    %barrier3A = arith.constant 0 : index
    tpu.barrier barrier_id(%barrier3A)
    %scan3A_26 = arith.constant 0 : i32
    %scan3A_27 = arith.constant 0 : i32
    %scan3A_28 = arith.constant 40 : i32
    %scan3A_29 = arith.addi %scan3A_27, %scan3A_28 : i32
    %scan3A_30 = arith.constant 1 : i32
    %scan3A_31 = scf.for %scan3A_54 = %scan3A_27 to %scan3A_29 step %scan3A_30 iter_args(%scan3A_55 = %scan3A_26) -> (i32)  : i32 {
      %mul3A_56 = arith.constant 2 : i32
      %mul3A_57 = arith.muli %mul3A_56, %scan3A_54 : i32
      %add3A_58 = arith.constant 0 : i32
      %add3A_59 = arith.addi %mul3A_57, %add3A_58 : i32
      %add3A_60 = arith.constant 1 : i32
      %add3A_61 = arith.addi %add3A_59, %add3A_60 : i32
      %lt3A = arith.constant 80 : i32
      %lt3A_62 = arith.cmpi slt, %add3A_61, %lt3A : i32
      %convert_element_type3A = arith.extui %lt3A_62 : i1 to i32
      %cond3A = arith.constant 0 : i32
      %cond3A_63 = arith.cmpi ne, %convert_element_type3A, %cond3A : i32
      scf.if %cond3A_63 {
        %add3A_91 = arith.constant 1 : i32
        %add3A_92 = arith.addi %add3A_59, %add3A_91 : i32
        "tpu.region"() ({
          %run_scoped3A_102 = tpu.sem_alloc : memref<!tpu.dma_semaphore, #tpu.memory_space<semaphore_mem>>
          %dma_start3A_103 = arith.constant 0 : i32
          %dma_start3A_104 = arith.constant 0 : i32
          %dma_start3A_105 = tpu.memref_slice %arg3[%add3A, %add3A_92, %dma_start3A_103, %dma_start3A_104] : memref<32x80x1x128xi32, #tpu.memory_space<hbm>> -> memref<1x1x1x128xi32, #tpu.memory_space<hbm>>
          %dma_start3A_106 = tpu.memref_squeeze %dma_start3A_105 : memref<1x1x1x128xi32, #tpu.memory_space<hbm>> -> memref<1x128xi32, #tpu.memory_space<hbm>>
          %dma_start3A_107 = arith.constant 0 : i32
          %dma_start3A_108 = arith.constant 0 : i32
          %dma_start3A_109 = tpu.memref_slice %arg3[%add3A, %add3A_92, %dma_start3A_107, %dma_start3A_108] : memref<32x80x1x128xi32, #tpu.memory_space<hbm>> -> memref<1x1x1x128xi32, #tpu.memory_space<hbm>>
          %dma_start3A_110 = tpu.memref_squeeze %dma_start3A_109 : memref<1x1x1x128xi32, #tpu.memory_space<hbm>> -> memref<1x128xi32, #tpu.memory_space<hbm>>
          tpu.enqueue_dma source(%dma_start3A_110 : memref<1x128xi32, #tpu.memory_space<hbm>>) target(%arg8 : memref<1x128xi32, #tpu.memory_space<vmem>>) target_semaphore(%run_scoped3A_102 : memref<!tpu.dma_semaphore, #tpu.memory_space<semaphore_mem>>)
          %dma_wait3A_111 = arith.constant 0 : i32
          %dma_wait3A_112 = arith.constant 0 : i32
          %dma_wait3A_113 = tpu.memref_slice %arg3[%add3A, %add3A_92, %dma_wait3A_111, %dma_wait3A_112] : memref<32x80x1x128xi32, #tpu.memory_space<hbm>> -> memref<1x1x1x128xi32, #tpu.memory_space<hbm>>
          %dma_wait3A_114 = tpu.memref_squeeze %dma_wait3A_113 : memref<1x1x1x128xi32, #tpu.memory_space<hbm>> -> memref<1x128xi32, #tpu.memory_space<hbm>>
          %dma_wait3A_115 = arith.constant 0 : i32
          %dma_wait3A_116 = arith.constant 0 : i32
          %dma_wait3A_117 = tpu.memref_slice %arg3[%add3A, %add3A_92, %dma_wait3A_115, %dma_wait3A_116] : memref<32x80x1x128xi32, #tpu.memory_space<hbm>> -> memref<1x1x1x128xi32, #tpu.memory_space<hbm>>
          %dma_wait3A_118 = tpu.memref_squeeze %dma_wait3A_117 : memref<1x1x1x128xi32, #tpu.memory_space<hbm>> -> memref<1x128xi32, #tpu.memory_space<hbm>>
          tpu.wait_dma2 semaphore(%run_scoped3A_102 : memref<!tpu.dma_semaphore, #tpu.memory_space<semaphore_mem>>) src(%dma_wait3A_118 : memref<1x128xi32, #tpu.memory_space<hbm>>) dst(%arg8 : memref<1x128xi32, #tpu.memory_space<vmem>>)
          tpu.yield
        }) : () -> ()
        %add3A_93 = arith.constant 1 : i32
        %add3A_94 = arith.addi %add3A_59, %add3A_93 : i32
        "tpu.region"() ({
          %run_scoped3A_102 = tpu.sem_alloc : memref<!tpu.dma_semaphore, #tpu.memory_space<semaphore_mem>>
          %dma_start3A_103 = arith.constant 0 : i32
          %dma_start3A_104 = arith.constant 0 : i32
          %dma_start3A_105 = tpu.memref_slice %arg4[%add3A, %add3A_94, %dma_start3A_103, %dma_start3A_104] : memref<32x80x1x128xi32, #tpu.memory_space<hbm>> -> memref<1x1x1x128xi32, #tpu.memory_space<hbm>>
          %dma_start3A_106 = tpu.memref_squeeze %dma_start3A_105 : memref<1x1x1x128xi32, #tpu.memory_space<hbm>> -> memref<1x128xi32, #tpu.memory_space<hbm>>
          %dma_start3A_107 = arith.constant 0 : i32
          %dma_start3A_108 = arith.constant 0 : i32
          %dma_start3A_109 = tpu.memref_slice %arg4[%add3A, %add3A_94, %dma_start3A_107, %dma_start3A_108] : memref<32x80x1x128xi32, #tpu.memory_space<hbm>> -> memref<1x1x1x128xi32, #tpu.memory_space<hbm>>
          %dma_start3A_110 = tpu.memref_squeeze %dma_start3A_109 : memref<1x1x1x128xi32, #tpu.memory_space<hbm>> -> memref<1x128xi32, #tpu.memory_space<hbm>>
          tpu.enqueue_dma source(%dma_start3A_110 : memref<1x128xi32, #tpu.memory_space<hbm>>) target(%arg9 : memref<1x128xi32, #tpu.memory_space<vmem>>) target_semaphore(%run_scoped3A_102 : memref<!tpu.dma_semaphore, #tpu.memory_space<semaphore_mem>>)
          %dma_wait3A_111 = arith.constant 0 : i32
          %dma_wait3A_112 = arith.constant 0 : i32
          %dma_wait3A_113 = tpu.memref_slice %arg4[%add3A, %add3A_94, %dma_wait3A_111, %dma_wait3A_112] : memref<32x80x1x128xi32, #tpu.memory_space<hbm>> -> memref<1x1x1x128xi32, #tpu.memory_space<hbm>>
          %dma_wait3A_114 = tpu.memref_squeeze %dma_wait3A_113 : memref<1x1x1x128xi32, #tpu.memory_space<hbm>> -> memref<1x128xi32, #tpu.memory_space<hbm>>
          %dma_wait3A_115 = arith.constant 0 : i32
          %dma_wait3A_116 = arith.constant 0 : i32
          %dma_wait3A_117 = tpu.memref_slice %arg4[%add3A, %add3A_94, %dma_wait3A_115, %dma_wait3A_116] : memref<32x80x1x128xi32, #tpu.memory_space<hbm>> -> memref<1x1x1x128xi32, #tpu.memory_space<hbm>>
          %dma_wait3A_118 = tpu.memref_squeeze %dma_wait3A_117 : memref<1x1x1x128xi32, #tpu.memory_space<hbm>> -> memref<1x128xi32, #tpu.memory_space<hbm>>
          tpu.wait_dma2 semaphore(%run_scoped3A_102 : memref<!tpu.dma_semaphore, #tpu.memory_space<semaphore_mem>>) src(%dma_wait3A_118 : memref<1x128xi32, #tpu.memory_space<hbm>>) dst(%arg9 : memref<1x128xi32, #tpu.memory_space<vmem>>)
          tpu.yield
        }) : () -> ()
        %dma_start3A_95 = arith.constant 0 : i32
        %dma_start3A_96 = arith.constant 0 : i32
        %dma_start3A_97 = tpu.memref_slice %arg8[%dma_start3A_95, %dma_start3A_96] : memref<1x128xi32, #tpu.memory_space<vmem>> -> memref<1x128xi32, #tpu.memory_space<vmem>>
        %dma_start3A_98 = tpu.memref_squeeze %dma_start3A_97 : memref<1x128xi32, #tpu.memory_space<vmem>> -> memref<128xi32, #tpu.memory_space<vmem>>
        %dma_start3A_99 = arith.constant 0 : i32
        %dma_start3A_100 = arith.constant 0 : i32
        %dma_start3A_101 = tpu.memref_slice %arg2[%dma_start3A_99, %dma_start3A_100] : memref<10240x128xf32, #tpu.memory_space<hbm>> -> memref<10240x128xf32, #tpu.memory_space<hbm>>
        tpu.enqueue_indirect_dma source(%dma_start3A_101 : memref<10240x128xf32, #tpu.memory_space<hbm>>) target(%arg11 : memref<128x128xf32, #tpu.memory_space<vmem>>) offsets(%dma_start3A_98 : memref<128xi32, #tpu.memory_space<vmem>>) semaphore(%arg14 : memref<!tpu.dma_semaphore, #tpu.memory_space<semaphore_mem>>)
      } else {
      }
      %dma_wait3A = arith.constant 0 : i32
      %dma_wait3A_64 = arith.constant 0 : i32
      %dma_wait3A_65 = tpu.memref_slice %arg6[%dma_wait3A, %dma_wait3A_64] : memref<1x128xi32, #tpu.memory_space<vmem>> -> memref<1x128xi32, #tpu.memory_space<vmem>>
      %dma_wait3A_66 = tpu.memref_squeeze %dma_wait3A_65 : memref<1x128xi32, #tpu.memory_space<vmem>> -> memref<128xi32, #tpu.memory_space<vmem>>
      %dma_wait3A_67 = arith.constant 0 : i32
      %dma_wait3A_68 = arith.constant 0 : i32
      %dma_wait3A_69 = tpu.memref_slice %arg2[%dma_wait3A_67, %dma_wait3A_68] : memref<10240x128xf32, #tpu.memory_space<hbm>> -> memref<10240x128xf32, #tpu.memory_space<hbm>>
      tpu.wait_indirect_dma semaphore(%arg13 : memref<!tpu.dma_semaphore, #tpu.memory_space<semaphore_mem>>) src(%dma_wait3A_69 : memref<10240x128xf32, #tpu.memory_space<hbm>>) dst(%arg10 : memref<128x128xf32, #tpu.memory_space<vmem>>)
      %run_scoped3A_70 = arith.constant 0 : i32
      "tpu.region"() ({
        %run_scoped3A_91 = tpu.sem_alloc : memref<!tpu.dma_semaphore, #tpu.memory_space<semaphore_mem>>
        %dma_start3A_92 = arith.constant 0 : i32
        %dma_start3A_93 = tpu.memref_slice %arg7[%run_scoped3A_70, %dma_start3A_92] : memref<1x128xi32, #tpu.memory_space<vmem>> -> memref<1x128xi32, #tpu.memory_space<vmem>>
        %dma_start3A_94 = tpu.memref_squeeze %dma_start3A_93 : memref<1x128xi32, #tpu.memory_space<vmem>> -> memref<128xi32, #tpu.memory_space<vmem>>
        %dma_start3A_95 = arith.constant 0 : i32
        %dma_start3A_96 = arith.constant 0 : i32
        %dma_start3A_97 = tpu.memref_slice %arg12[%dma_start3A_95, %dma_start3A_96] : memref<10240x128xf32, #tpu.memory_space<vmem_shared>> -> memref<10240x128xf32, #tpu.memory_space<vmem_shared>>
        tpu.enqueue_indirect_dma source(%arg10 : memref<128x128xf32, #tpu.memory_space<vmem>>) target(%dma_start3A_97 : memref<10240x128xf32, #tpu.memory_space<vmem_shared>>) offsets(%dma_start3A_94 : memref<128xi32, #tpu.memory_space<vmem>>) semaphore(%run_scoped3A_91 : memref<!tpu.dma_semaphore, #tpu.memory_space<semaphore_mem>>) {add = true}
        %dma_wait3A_98 = arith.constant 0 : i32
        %dma_wait3A_99 = tpu.memref_slice %arg7[%run_scoped3A_70, %dma_wait3A_98] : memref<1x128xi32, #tpu.memory_space<vmem>> -> memref<1x128xi32, #tpu.memory_space<vmem>>
        %dma_wait3A_100 = tpu.memref_squeeze %dma_wait3A_99 : memref<1x128xi32, #tpu.memory_space<vmem>> -> memref<128xi32, #tpu.memory_space<vmem>>
        %dma_wait3A_101 = arith.constant 0 : i32
        %dma_wait3A_102 = arith.constant 0 : i32
        %dma_wait3A_103 = tpu.memref_slice %arg12[%dma_wait3A_101, %dma_wait3A_102] : memref<10240x128xf32, #tpu.memory_space<vmem_shared>> -> memref<10240x128xf32, #tpu.memory_space<vmem_shared>>
        tpu.wait_indirect_dma semaphore(%run_scoped3A_91 : memref<!tpu.dma_semaphore, #tpu.memory_space<semaphore_mem>>) src(%arg10 : memref<128x128xf32, #tpu.memory_space<vmem>>) dst(%dma_wait3A_103 : memref<10240x128xf32, #tpu.memory_space<vmem_shared>>)
        tpu.yield
      }) : () -> ()
      %mul3A_71 = arith.constant 2 : i32
      %mul3A_72 = arith.muli %mul3A_71, %scan3A_54 : i32
      %add3A_73 = arith.constant 1 : i32
      %add3A_74 = arith.addi %mul3A_72, %add3A_73 : i32
      %add3A_75 = arith.constant 1 : i32
      %add3A_76 = arith.addi %add3A_74, %add3A_75 : i32
      %lt3A_77 = arith.constant 80 : i32
      %lt3A_78 = arith.cmpi slt, %add3A_76, %lt3A_77 : i32
      %convert_element_type3A_79 = arith.extui %lt3A_78 : i1 to i32
      %cond3A_80 = arith.constant 0 : i32
      %cond3A_81 = arith.cmpi ne, %convert_element_type3A_79, %cond3A_80 : i32
      scf.if %cond3A_81 {
        %add3A_91 = arith.constant 1 : i32
        %add3A_92 = arith.addi %add3A_74, %add3A_91 : i32
        "tpu.region"() ({
          %run_scoped3A_102 = tpu.sem_alloc : memref<!tpu.dma_semaphore, #tpu.memory_space<semaphore_mem>>
          %dma_start3A_103 = arith.constant 0 : i32
          %dma_start3A_104 = arith.constant 0 : i32
          %dma_start3A_105 = tpu.memref_slice %arg3[%add3A, %add3A_92, %dma_start3A_103, %dma_start3A_104] : memref<32x80x1x128xi32, #tpu.memory_space<hbm>> -> memref<1x1x1x128xi32, #tpu.memory_space<hbm>>
          %dma_start3A_106 = tpu.memref_squeeze %dma_start3A_105 : memref<1x1x1x128xi32, #tpu.memory_space<hbm>> -> memref<1x128xi32, #tpu.memory_space<hbm>>
          %dma_start3A_107 = arith.constant 0 : i32
          %dma_start3A_108 = arith.constant 0 : i32
          %dma_start3A_109 = tpu.memref_slice %arg3[%add3A, %add3A_92, %dma_start3A_107, %dma_start3A_108] : memref<32x80x1x128xi32, #tpu.memory_space<hbm>> -> memref<1x1x1x128xi32, #tpu.memory_space<hbm>>
          %dma_start3A_110 = tpu.memref_squeeze %dma_start3A_109 : memref<1x1x1x128xi32, #tpu.memory_space<hbm>> -> memref<1x128xi32, #tpu.memory_space<hbm>>
          tpu.enqueue_dma source(%dma_start3A_110 : memref<1x128xi32, #tpu.memory_space<hbm>>) target(%arg6 : memref<1x128xi32, #tpu.memory_space<vmem>>) target_semaphore(%run_scoped3A_102 : memref<!tpu.dma_semaphore, #tpu.memory_space<semaphore_mem>>)
          %dma_wait3A_111 = arith.constant 0 : i32
          %dma_wait3A_112 = arith.constant 0 : i32
          %dma_wait3A_113 = tpu.memref_slice %arg3[%add3A, %add3A_92, %dma_wait3A_111, %dma_wait3A_112] : memref<32x80x1x128xi32, #tpu.memory_space<hbm>> -> memref<1x1x1x128xi32, #tpu.memory_space<hbm>>
          %dma_wait3A_114 = tpu.memref_squeeze %dma_wait3A_113 : memref<1x1x1x128xi32, #tpu.memory_space<hbm>> -> memref<1x128xi32, #tpu.memory_space<hbm>>
          %dma_wait3A_115 = arith.constant 0 : i32
          %dma_wait3A_116 = arith.constant 0 : i32
          %dma_wait3A_117 = tpu.memref_slice %arg3[%add3A, %add3A_92, %dma_wait3A_115, %dma_wait3A_116] : memref<32x80x1x128xi32, #tpu.memory_space<hbm>> -> memref<1x1x1x128xi32, #tpu.memory_space<hbm>>
          %dma_wait3A_118 = tpu.memref_squeeze %dma_wait3A_117 : memref<1x1x1x128xi32, #tpu.memory_space<hbm>> -> memref<1x128xi32, #tpu.memory_space<hbm>>
          tpu.wait_dma2 semaphore(%run_scoped3A_102 : memref<!tpu.dma_semaphore, #tpu.memory_space<semaphore_mem>>) src(%dma_wait3A_118 : memref<1x128xi32, #tpu.memory_space<hbm>>) dst(%arg6 : memref<1x128xi32, #tpu.memory_space<vmem>>)
          tpu.yield
        }) : () -> ()
        %add3A_93 = arith.constant 1 : i32
        %add3A_94 = arith.addi %add3A_74, %add3A_93 : i32
        "tpu.region"() ({
          %run_scoped3A_102 = tpu.sem_alloc : memref<!tpu.dma_semaphore, #tpu.memory_space<semaphore_mem>>
          %dma_start3A_103 = arith.constant 0 : i32
          %dma_start3A_104 = arith.constant 0 : i32
          %dma_start3A_105 = tpu.memref_slice %arg4[%add3A, %add3A_94, %dma_start3A_103, %dma_start3A_104] : memref<32x80x1x128xi32, #tpu.memory_space<hbm>> -> memref<1x1x1x128xi32, #tpu.memory_space<hbm>>
          %dma_start3A_106 = tpu.memref_squeeze %dma_start3A_105 : memref<1x1x1x128xi32, #tpu.memory_space<hbm>> -> memref<1x128xi32, #tpu.memory_space<hbm>>
          %dma_start3A_107 = arith.constant 0 : i32
          %dma_start3A_108 = arith.constant 0 : i32
          %dma_start3A_109 = tpu.memref_slice %arg4[%add3A, %add3A_94, %dma_start3A_107, %dma_start3A_108] : memref<32x80x1x128xi32, #tpu.memory_space<hbm>> -> memref<1x1x1x128xi32, #tpu.memory_space<hbm>>
          %dma_start3A_110 = tpu.memref_squeeze %dma_start3A_109 : memref<1x1x1x128xi32, #tpu.memory_space<hbm>> -> memref<1x128xi32, #tpu.memory_space<hbm>>
          tpu.enqueue_dma source(%dma_start3A_110 : memref<1x128xi32, #tpu.memory_space<hbm>>) target(%arg7 : memref<1x128xi32, #tpu.memory_space<vmem>>) target_semaphore(%run_scoped3A_102 : memref<!tpu.dma_semaphore, #tpu.memory_space<semaphore_mem>>)
          %dma_wait3A_111 = arith.constant 0 : i32
          %dma_wait3A_112 = arith.constant 0 : i32
          %dma_wait3A_113 = tpu.memref_slice %arg4[%add3A, %add3A_94, %dma_wait3A_111, %dma_wait3A_112] : memref<32x80x1x128xi32, #tpu.memory_space<hbm>> -> memref<1x1x1x128xi32, #tpu.memory_space<hbm>>
          %dma_wait3A_114 = tpu.memref_squeeze %dma_wait3A_113 : memref<1x1x1x128xi32, #tpu.memory_space<hbm>> -> memref<1x128xi32, #tpu.memory_space<hbm>>
          %dma_wait3A_115 = arith.constant 0 : i32
          %dma_wait3A_116 = arith.constant 0 : i32
          %dma_wait3A_117 = tpu.memref_slice %arg4[%add3A, %add3A_94, %dma_wait3A_115, %dma_wait3A_116] : memref<32x80x1x128xi32, #tpu.memory_space<hbm>> -> memref<1x1x1x128xi32, #tpu.memory_space<hbm>>
          %dma_wait3A_118 = tpu.memref_squeeze %dma_wait3A_117 : memref<1x1x1x128xi32, #tpu.memory_space<hbm>> -> memref<1x128xi32, #tpu.memory_space<hbm>>
          tpu.wait_dma2 semaphore(%run_scoped3A_102 : memref<!tpu.dma_semaphore, #tpu.memory_space<semaphore_mem>>) src(%dma_wait3A_118 : memref<1x128xi32, #tpu.memory_space<hbm>>) dst(%arg7 : memref<1x128xi32, #tpu.memory_space<vmem>>)
          tpu.yield
        }) : () -> ()
        %dma_start3A_95 = arith.constant 0 : i32
        %dma_start3A_96 = arith.constant 0 : i32
        %dma_start3A_97 = tpu.memref_slice %arg6[%dma_start3A_95, %dma_start3A_96] : memref<1x128xi32, #tpu.memory_space<vmem>> -> memref<1x128xi32, #tpu.memory_space<vmem>>
        %dma_start3A_98 = tpu.memref_squeeze %dma_start3A_97 : memref<1x128xi32, #tpu.memory_space<vmem>> -> memref<128xi32, #tpu.memory_space<vmem>>
        %dma_start3A_99 = arith.constant 0 : i32
        %dma_start3A_100 = arith.constant 0 : i32
        %dma_start3A_101 = tpu.memref_slice %arg2[%dma_start3A_99, %dma_start3A_100] : memref<10240x128xf32, #tpu.memory_space<hbm>> -> memref<10240x128xf32, #tpu.memory_space<hbm>>
        tpu.enqueue_indirect_dma source(%dma_start3A_101 : memref<10240x128xf32, #tpu.memory_space<hbm>>) target(%arg10 : memref<128x128xf32, #tpu.memory_space<vmem>>) offsets(%dma_start3A_98 : memref<128xi32, #tpu.memory_space<vmem>>) semaphore(%arg13 : memref<!tpu.dma_semaphore, #tpu.memory_space<semaphore_mem>>)
      } else {
      }
      %dma_wait3A_82 = arith.constant 0 : i32
      %dma_wait3A_83 = arith.constant 0 : i32
      %dma_wait3A_84 = tpu.memref_slice %arg8[%dma_wait3A_82, %dma_wait3A_83] : memref<1x128xi32, #tpu.memory_space<vmem>> -> memref<1x128xi32, #tpu.memory_space<vmem>>
      %dma_wait3A_85 = tpu.memref_squeeze %dma_wait3A_84 : memref<1x128xi32, #tpu.memory_space<vmem>> -> memref<128xi32, #tpu.memory_space<vmem>>
      %dma_wait3A_86 = arith.constant 0 : i32
      %dma_wait3A_87 = arith.constant 0 : i32
      %dma_wait3A_88 = tpu.memref_slice %arg2[%dma_wait3A_86, %dma_wait3A_87] : memref<10240x128xf32, #tpu.memory_space<hbm>> -> memref<10240x128xf32, #tpu.memory_space<hbm>>
      tpu.wait_indirect_dma semaphore(%arg14 : memref<!tpu.dma_semaphore, #tpu.memory_space<semaphore_mem>>) src(%dma_wait3A_88 : memref<10240x128xf32, #tpu.memory_space<hbm>>) dst(%arg11 : memref<128x128xf32, #tpu.memory_space<vmem>>)
      %run_scoped3A_89 = arith.constant 0 : i32
      "tpu.region"() ({
        %run_scoped3A_91 = tpu.sem_alloc : memref<!tpu.dma_semaphore, #tpu.memory_space<semaphore_mem>>
        %dma_start3A_92 = arith.constant 0 : i32
        %dma_start3A_93 = tpu.memref_slice %arg9[%run_scoped3A_89, %dma_start3A_92] : memref<1x128xi32, #tpu.memory_space<vmem>> -> memref<1x128xi32, #tpu.memory_space<vmem>>
        %dma_start3A_94 = tpu.memref_squeeze %dma_start3A_93 : memref<1x128xi32, #tpu.memory_space<vmem>> -> memref<128xi32, #tpu.memory_space<vmem>>
        %dma_start3A_95 = arith.constant 0 : i32
        %dma_start3A_96 = arith.constant 0 : i32
        %dma_start3A_97 = tpu.memref_slice %arg12[%dma_start3A_95, %dma_start3A_96] : memref<10240x128xf32, #tpu.memory_space<vmem_shared>> -> memref<10240x128xf32, #tpu.memory_space<vmem_shared>>
        tpu.enqueue_indirect_dma source(%arg11 : memref<128x128xf32, #tpu.memory_space<vmem>>) target(%dma_start3A_97 : memref<10240x128xf32, #tpu.memory_space<vmem_shared>>) offsets(%dma_start3A_94 : memref<128xi32, #tpu.memory_space<vmem>>) semaphore(%run_scoped3A_91 : memref<!tpu.dma_semaphore, #tpu.memory_space<semaphore_mem>>) {add = true}
        %dma_wait3A_98 = arith.constant 0 : i32
        %dma_wait3A_99 = tpu.memref_slice %arg9[%run_scoped3A_89, %dma_wait3A_98] : memref<1x128xi32, #tpu.memory_space<vmem>> -> memref<1x128xi32, #tpu.memory_space<vmem>>
        %dma_wait3A_100 = tpu.memref_squeeze %dma_wait3A_99 : memref<1x128xi32, #tpu.memory_space<vmem>> -> memref<128xi32, #tpu.memory_space<vmem>>
        %dma_wait3A_101 = arith.constant 0 : i32
        %dma_wait3A_102 = arith.constant 0 : i32
        %dma_wait3A_103 = tpu.memref_slice %arg12[%dma_wait3A_101, %dma_wait3A_102] : memref<10240x128xf32, #tpu.memory_space<vmem_shared>> -> memref<10240x128xf32, #tpu.memory_space<vmem_shared>>
        tpu.wait_indirect_dma semaphore(%run_scoped3A_91 : memref<!tpu.dma_semaphore, #tpu.memory_space<semaphore_mem>>) src(%arg11 : memref<128x128xf32, #tpu.memory_space<vmem>>) dst(%dma_wait3A_103 : memref<10240x128xf32, #tpu.memory_space<vmem_shared>>)
        tpu.yield
      }) : () -> ()
      %scan3A_90 = arith.constant 0 : i32
      scf.yield %scan3A_90 : i32
    }
    %scan3A_32 = arith.constant 40 : i32
    %barrier3A_33 = arith.constant 0 : index
    tpu.barrier barrier_id(%barrier3A_33)
    %add3A_34 = arith.constant 0 : i32
    %add3A_35 = arith.addi %mul3A_8, %add3A_34 : i32
    "tpu.region"() ({
      %run_scoped3A_54 = tpu.sem_alloc : memref<!tpu.dma_semaphore, #tpu.memory_space<semaphore_mem>>
      %dma_start3A_55 = arith.constant 0 : i32
      %dma_start3A_56 = tpu.memref_slice %arg12[%add3A_35, %dma_start3A_55] : memref<10240x128xf32, #tpu.memory_space<vmem_shared>> -> memref<128x128xf32, #tpu.memory_space<vmem_shared>>
      %dma_start3A_57 = arith.constant 0 : i32
      %dma_start3A_58 = tpu.memref_slice %arg12[%add3A_35, %dma_start3A_57] : memref<10240x128xf32, #tpu.memory_space<vmem_shared>> -> memref<128x128xf32, #tpu.memory_space<vmem_shared>>
      tpu.enqueue_dma source(%dma_start3A_58 : memref<128x128xf32, #tpu.memory_space<vmem_shared>>) target(%arg10 : memref<128x128xf32, #tpu.memory_space<vmem>>) target_semaphore(%run_scoped3A_54 : memref<!tpu.dma_semaphore, #tpu.memory_space<semaphore_mem>>)
      %dma_wait3A = arith.constant 0 : i32
      %dma_wait3A_59 = tpu.memref_slice %arg12[%add3A_35, %dma_wait3A] : memref<10240x128xf32, #tpu.memory_space<vmem_shared>> -> memref<128x128xf32, #tpu.memory_space<vmem_shared>>
      %dma_wait3A_60 = arith.constant 0 : i32
      %dma_wait3A_61 = tpu.memref_slice %arg12[%add3A_35, %dma_wait3A_60] : memref<10240x128xf32, #tpu.memory_space<vmem_shared>> -> memref<128x128xf32, #tpu.memory_space<vmem_shared>>
      tpu.wait_dma2 semaphore(%run_scoped3A_54 : memref<!tpu.dma_semaphore, #tpu.memory_space<semaphore_mem>>) src(%dma_wait3A_61 : memref<128x128xf32, #tpu.memory_space<vmem_shared>>) dst(%arg10 : memref<128x128xf32, #tpu.memory_space<vmem>>)
      tpu.yield
    }) : () -> ()
    %add3A_36 = arith.constant 0 : i32
    %add3A_37 = arith.addi %mul3A_8, %add3A_36 : i32
    "tpu.region"() ({
      %run_scoped3A_54 = tpu.sem_alloc : memref<!tpu.dma_semaphore, #tpu.memory_space<semaphore_mem>>
      %dma_start3A_55 = arith.constant 0 : i32
      %dma_start3A_56 = tpu.memref_slice %arg5[%arg0, %add3A_37, %dma_start3A_55] : memref<2x10240x128xf32, #tpu.memory_space<hbm>> -> memref<1x128x128xf32, #tpu.memory_space<hbm>>
      %dma_start3A_57 = tpu.memref_squeeze %dma_start3A_56 : memref<1x128x128xf32, #tpu.memory_space<hbm>> -> memref<128x128xf32, #tpu.memory_space<hbm>>
      %dma_start3A_58 = arith.constant 0 : i32
      %dma_start3A_59 = tpu.memref_slice %arg5[%arg0, %add3A_37, %dma_start3A_58] : memref<2x10240x128xf32, #tpu.memory_space<hbm>> -> memref<1x128x128xf32, #tpu.memory_space<hbm>>
      %dma_start3A_60 = tpu.memref_squeeze %dma_start3A_59 : memref<1x128x128xf32, #tpu.memory_space<hbm>> -> memref<128x128xf32, #tpu.memory_space<hbm>>
      tpu.enqueue_dma source(%arg10 : memref<128x128xf32, #tpu.memory_space<vmem>>) target(%dma_start3A_60 : memref<128x128xf32, #tpu.memory_space<hbm>>) target_semaphore(%run_scoped3A_54 : memref<!tpu.dma_semaphore, #tpu.memory_space<semaphore_mem>>)
      %dma_wait3A = arith.constant 0 : i32
      %dma_wait3A_61 = tpu.memref_slice %arg5[%arg0, %add3A_37, %dma_wait3A] : memref<2x10240x128xf32, #tpu.memory_space<hbm>> -> memref<1x128x128xf32, #tpu.memory_space<hbm>>
      %dma_wait3A_62 = tpu.memref_squeeze %dma_wait3A_61 : memref<1x128x128xf32, #tpu.memory_space<hbm>> -> memref<128x128xf32, #tpu.memory_space<hbm>>
      %dma_wait3A_63 = arith.constant 0 : i32
      %dma_wait3A_64 = tpu.memref_slice %arg5[%arg0, %add3A_37, %dma_wait3A_63] : memref<2x10240x128xf32, #tpu.memory_space<hbm>> -> memref<1x128x128xf32, #tpu.memory_space<hbm>>
      %dma_wait3A_65 = tpu.memref_squeeze %dma_wait3A_64 : memref<1x128x128xf32, #tpu.memory_space<hbm>> -> memref<128x128xf32, #tpu.memory_space<hbm>>
      tpu.wait_dma2 semaphore(%run_scoped3A_54 : memref<!tpu.dma_semaphore, #tpu.memory_space<semaphore_mem>>) src(%arg10 : memref<128x128xf32, #tpu.memory_space<vmem>>) dst(%dma_wait3A_65 : memref<128x128xf32, #tpu.memory_space<hbm>>)
      tpu.yield
    }) : () -> ()
    %add3A_38 = arith.constant 128 : i32
    %add3A_39 = arith.addi %mul3A_8, %add3A_38 : i32
    "tpu.region"() ({
      %run_scoped3A_54 = tpu.sem_alloc : memref<!tpu.dma_semaphore, #tpu.memory_space<semaphore_mem>>
      %dma_start3A_55 = arith.constant 0 : i32
      %dma_start3A_56 = tpu.memref_slice %arg12[%add3A_39, %dma_start3A_55] : memref<10240x128xf32, #tpu.memory_space<vmem_shared>> -> memref<128x128xf32, #tpu.memory_space<vmem_shared>>
      %dma_start3A_57 = arith.constant 0 : i32
      %dma_start3A_58 = tpu.memref_slice %arg12[%add3A_39, %dma_start3A_57] : memref<10240x128xf32, #tpu.memory_space<vmem_shared>> -> memref<128x128xf32, #tpu.memory_space<vmem_shared>>
      tpu.enqueue_dma source(%dma_start3A_58 : memref<128x128xf32, #tpu.memory_space<vmem_shared>>) target(%arg10 : memref<128x128xf32, #tpu.memory_space<vmem>>) target_semaphore(%run_scoped3A_54 : memref<!tpu.dma_semaphore, #tpu.memory_space<semaphore_mem>>)
      %dma_wait3A = arith.constant 0 : i32
      %dma_wait3A_59 = tpu.memref_slice %arg12[%add3A_39, %dma_wait3A] : memref<10240x128xf32, #tpu.memory_space<vmem_shared>> -> memref<128x128xf32, #tpu.memory_space<vmem_shared>>
      %dma_wait3A_60 = arith.constant 0 : i32
      %dma_wait3A_61 = tpu.memref_slice %arg12[%add3A_39, %dma_wait3A_60] : memref<10240x128xf32, #tpu.memory_space<vmem_shared>> -> memref<128x128xf32, #tpu.memory_space<vmem_shared>>
      tpu.wait_dma2 semaphore(%run_scoped3A_54 : memref<!tpu.dma_semaphore, #tpu.memory_space<semaphore_mem>>) src(%dma_wait3A_61 : memref<128x128xf32, #tpu.memory_space<vmem_shared>>) dst(%arg10 : memref<128x128xf32, #tpu.memory_space<vmem>>)
      tpu.yield
    }) : () -> ()
    %add3A_40 = arith.constant 128 : i32
    %add3A_41 = arith.addi %mul3A_8, %add3A_40 : i32
    "tpu.region"() ({
      %run_scoped3A_54 = tpu.sem_alloc : memref<!tpu.dma_semaphore, #tpu.memory_space<semaphore_mem>>
      %dma_start3A_55 = arith.constant 0 : i32
      %dma_start3A_56 = tpu.memref_slice %arg5[%arg0, %add3A_41, %dma_start3A_55] : memref<2x10240x128xf32, #tpu.memory_space<hbm>> -> memref<1x128x128xf32, #tpu.memory_space<hbm>>
      %dma_start3A_57 = tpu.memref_squeeze %dma_start3A_56 : memref<1x128x128xf32, #tpu.memory_space<hbm>> -> memref<128x128xf32, #tpu.memory_space<hbm>>
      %dma_start3A_58 = arith.constant 0 : i32
      %dma_start3A_59 = tpu.memref_slice %arg5[%arg0, %add3A_41, %dma_start3A_58] : memref<2x10240x128xf32, #tpu.memory_space<hbm>> -> memref<1x128x128xf32, #tpu.memory_space<hbm>>
      %dma_start3A_60 = tpu.memref_squeeze %dma_start3A_59 : memref<1x128x128xf32, #tpu.memory_space<hbm>> -> memref<128x128xf32, #tpu.memory_space<hbm>>
      tpu.enqueue_dma source(%arg10 : memref<128x128xf32, #tpu.memory_space<vmem>>) target(%dma_start3A_60 : memref<128x128xf32, #tpu.memory_space<hbm>>) target_semaphore(%run_scoped3A_54 : memref<!tpu.dma_semaphore, #tpu.memory_space<semaphore_mem>>)
      %dma_wait3A = arith.constant 0 : i32
      %dma_wait3A_61 = tpu.memref_slice %arg5[%arg0, %add3A_41, %dma_wait3A] : memref<2x10240x128xf32, #tpu.memory_space<hbm>> -> memref<1x128x128xf32, #tpu.memory_space<hbm>>
      %dma_wait3A_62 = tpu.memref_squeeze %dma_wait3A_61 : memref<1x128x128xf32, #tpu.memory_space<hbm>> -> memref<128x128xf32, #tpu.memory_space<hbm>>
      %dma_wait3A_63 = arith.constant 0 : i32
      %dma_wait3A_64 = tpu.memref_slice %arg5[%arg0, %add3A_41, %dma_wait3A_63] : memref<2x10240x128xf32, #tpu.memory_space<hbm>> -> memref<1x128x128xf32, #tpu.memory_space<hbm>>
      %dma_wait3A_65 = tpu.memref_squeeze %dma_wait3A_64 : memref<1x128x128xf32, #tpu.memory_space<hbm>> -> memref<128x128xf32, #tpu.memory_space<hbm>>
      tpu.wait_dma2 semaphore(%run_scoped3A_54 : memref<!tpu.dma_semaphore, #tpu.memory_space<semaphore_mem>>) src(%arg10 : memref<128x128xf32, #tpu.memory_space<vmem>>) dst(%dma_wait3A_65 : memref<128x128xf32, #tpu.memory_space<hbm>>)
      tpu.yield
    }) : () -> ()
    %add3A_42 = arith.constant 256 : i32
    %add3A_43 = arith.addi %mul3A_8, %add3A_42 : i32
    "tpu.region"() ({
      %run_scoped3A_54 = tpu.sem_alloc : memref<!tpu.dma_semaphore, #tpu.memory_space<semaphore_mem>>
      %dma_start3A_55 = arith.constant 0 : i32
      %dma_start3A_56 = tpu.memref_slice %arg12[%add3A_43, %dma_start3A_55] : memref<10240x128xf32, #tpu.memory_space<vmem_shared>> -> memref<128x128xf32, #tpu.memory_space<vmem_shared>>
      %dma_start3A_57 = arith.constant 0 : i32
      %dma_start3A_58 = tpu.memref_slice %arg12[%add3A_43, %dma_start3A_57] : memref<10240x128xf32, #tpu.memory_space<vmem_shared>> -> memref<128x128xf32, #tpu.memory_space<vmem_shared>>
      tpu.enqueue_dma source(%dma_start3A_58 : memref<128x128xf32, #tpu.memory_space<vmem_shared>>) target(%arg10 : memref<128x128xf32, #tpu.memory_space<vmem>>) target_semaphore(%run_scoped3A_54 : memref<!tpu.dma_semaphore, #tpu.memory_space<semaphore_mem>>)
      %dma_wait3A = arith.constant 0 : i32
      %dma_wait3A_59 = tpu.memref_slice %arg12[%add3A_43, %dma_wait3A] : memref<10240x128xf32, #tpu.memory_space<vmem_shared>> -> memref<128x128xf32, #tpu.memory_space<vmem_shared>>
      %dma_wait3A_60 = arith.constant 0 : i32
      %dma_wait3A_61 = tpu.memref_slice %arg12[%add3A_43, %dma_wait3A_60] : memref<10240x128xf32, #tpu.memory_space<vmem_shared>> -> memref<128x128xf32, #tpu.memory_space<vmem_shared>>
      tpu.wait_dma2 semaphore(%run_scoped3A_54 : memref<!tpu.dma_semaphore, #tpu.memory_space<semaphore_mem>>) src(%dma_wait3A_61 : memref<128x128xf32, #tpu.memory_space<vmem_shared>>) dst(%arg10 : memref<128x128xf32, #tpu.memory_space<vmem>>)
      tpu.yield
    }) : () -> ()
    %add3A_44 = arith.constant 256 : i32
    %add3A_45 = arith.addi %mul3A_8, %add3A_44 : i32
    "tpu.region"() ({
      %run_scoped3A_54 = tpu.sem_alloc : memref<!tpu.dma_semaphore, #tpu.memory_space<semaphore_mem>>
      %dma_start3A_55 = arith.constant 0 : i32
      %dma_start3A_56 = tpu.memref_slice %arg5[%arg0, %add3A_45, %dma_start3A_55] : memref<2x10240x128xf32, #tpu.memory_space<hbm>> -> memref<1x128x128xf32, #tpu.memory_space<hbm>>
      %dma_start3A_57 = tpu.memref_squeeze %dma_start3A_56 : memref<1x128x128xf32, #tpu.memory_space<hbm>> -> memref<128x128xf32, #tpu.memory_space<hbm>>
      %dma_start3A_58 = arith.constant 0 : i32
      %dma_start3A_59 = tpu.memref_slice %arg5[%arg0, %add3A_45, %dma_start3A_58] : memref<2x10240x128xf32, #tpu.memory_space<hbm>> -> memref<1x128x128xf32, #tpu.memory_space<hbm>>
      %dma_start3A_60 = tpu.memref_squeeze %dma_start3A_59 : memref<1x128x128xf32, #tpu.memory_space<hbm>> -> memref<128x128xf32, #tpu.memory_space<hbm>>
      tpu.enqueue_dma source(%arg10 : memref<128x128xf32, #tpu.memory_space<vmem>>) target(%dma_start3A_60 : memref<128x128xf32, #tpu.memory_space<hbm>>) target_semaphore(%run_scoped3A_54 : memref<!tpu.dma_semaphore, #tpu.memory_space<semaphore_mem>>)
      %dma_wait3A = arith.constant 0 : i32
      %dma_wait3A_61 = tpu.memref_slice %arg5[%arg0, %add3A_45, %dma_wait3A] : memref<2x10240x128xf32, #tpu.memory_space<hbm>> -> memref<1x128x128xf32, #tpu.memory_space<hbm>>
      %dma_wait3A_62 = tpu.memref_squeeze %dma_wait3A_61 : memref<1x128x128xf32, #tpu.memory_space<hbm>> -> memref<128x128xf32, #tpu.memory_space<hbm>>
      %dma_wait3A_63 = arith.constant 0 : i32
      %dma_wait3A_64 = tpu.memref_slice %arg5[%arg0, %add3A_45, %dma_wait3A_63] : memref<2x10240x128xf32, #tpu.memory_space<hbm>> -> memref<1x128x128xf32, #tpu.memory_space<hbm>>
      %dma_wait3A_65 = tpu.memref_squeeze %dma_wait3A_64 : memref<1x128x128xf32, #tpu.memory_space<hbm>> -> memref<128x128xf32, #tpu.memory_space<hbm>>
      tpu.wait_dma2 semaphore(%run_scoped3A_54 : memref<!tpu.dma_semaphore, #tpu.memory_space<semaphore_mem>>) src(%arg10 : memref<128x128xf32, #tpu.memory_space<vmem>>) dst(%dma_wait3A_65 : memref<128x128xf32, #tpu.memory_space<hbm>>)
      tpu.yield
    }) : () -> ()
    %add3A_46 = arith.constant 384 : i32
    %add3A_47 = arith.addi %mul3A_8, %add3A_46 : i32
    "tpu.region"() ({
      %run_scoped3A_54 = tpu.sem_alloc : memref<!tpu.dma_semaphore, #tpu.memory_space<semaphore_mem>>
      %dma_start3A_55 = arith.constant 0 : i32
      %dma_start3A_56 = tpu.memref_slice %arg12[%add3A_47, %dma_start3A_55] : memref<10240x128xf32, #tpu.memory_space<vmem_shared>> -> memref<128x128xf32, #tpu.memory_space<vmem_shared>>
      %dma_start3A_57 = arith.constant 0 : i32
      %dma_start3A_58 = tpu.memref_slice %arg12[%add3A_47, %dma_start3A_57] : memref<10240x128xf32, #tpu.memory_space<vmem_shared>> -> memref<128x128xf32, #tpu.memory_space<vmem_shared>>
      tpu.enqueue_dma source(%dma_start3A_58 : memref<128x128xf32, #tpu.memory_space<vmem_shared>>) target(%arg10 : memref<128x128xf32, #tpu.memory_space<vmem>>) target_semaphore(%run_scoped3A_54 : memref<!tpu.dma_semaphore, #tpu.memory_space<semaphore_mem>>)
      %dma_wait3A = arith.constant 0 : i32
      %dma_wait3A_59 = tpu.memref_slice %arg12[%add3A_47, %dma_wait3A] : memref<10240x128xf32, #tpu.memory_space<vmem_shared>> -> memref<128x128xf32, #tpu.memory_space<vmem_shared>>
      %dma_wait3A_60 = arith.constant 0 : i32
      %dma_wait3A_61 = tpu.memref_slice %arg12[%add3A_47, %dma_wait3A_60] : memref<10240x128xf32, #tpu.memory_space<vmem_shared>> -> memref<128x128xf32, #tpu.memory_space<vmem_shared>>
      tpu.wait_dma2 semaphore(%run_scoped3A_54 : memref<!tpu.dma_semaphore, #tpu.memory_space<semaphore_mem>>) src(%dma_wait3A_61 : memref<128x128xf32, #tpu.memory_space<vmem_shared>>) dst(%arg10 : memref<128x128xf32, #tpu.memory_space<vmem>>)
      tpu.yield
    }) : () -> ()
    %add3A_48 = arith.constant 384 : i32
    %add3A_49 = arith.addi %mul3A_8, %add3A_48 : i32
    "tpu.region"() ({
      %run_scoped3A_54 = tpu.sem_alloc : memref<!tpu.dma_semaphore, #tpu.memory_space<semaphore_mem>>
      %dma_start3A_55 = arith.constant 0 : i32
      %dma_start3A_56 = tpu.memref_slice %arg5[%arg0, %add3A_49, %dma_start3A_55] : memref<2x10240x128xf32, #tpu.memory_space<hbm>> -> memref<1x128x128xf32, #tpu.memory_space<hbm>>
      %dma_start3A_57 = tpu.memref_squeeze %dma_start3A_56 : memref<1x128x128xf32, #tpu.memory_space<hbm>> -> memref<128x128xf32, #tpu.memory_space<hbm>>
      %dma_start3A_58 = arith.constant 0 : i32
      %dma_start3A_59 = tpu.memref_slice %arg5[%arg0, %add3A_49, %dma_start3A_58] : memref<2x10240x128xf32, #tpu.memory_space<hbm>> -> memref<1x128x128xf32, #tpu.memory_space<hbm>>
      %dma_start3A_60 = tpu.memref_squeeze %dma_start3A_59 : memref<1x128x128xf32, #tpu.memory_space<hbm>> -> memref<128x128xf32, #tpu.memory_space<hbm>>
      tpu.enqueue_dma source(%arg10 : memref<128x128xf32, #tpu.memory_space<vmem>>) target(%dma_start3A_60 : memref<128x128xf32, #tpu.memory_space<hbm>>) target_semaphore(%run_scoped3A_54 : memref<!tpu.dma_semaphore, #tpu.memory_space<semaphore_mem>>)
      %dma_wait3A = arith.constant 0 : i32
      %dma_wait3A_61 = tpu.memref_slice %arg5[%arg0, %add3A_49, %dma_wait3A] : memref<2x10240x128xf32, #tpu.memory_space<hbm>> -> memref<1x128x128xf32, #tpu.memory_space<hbm>>
      %dma_wait3A_62 = tpu.memref_squeeze %dma_wait3A_61 : memref<1x128x128xf32, #tpu.memory_space<hbm>> -> memref<128x128xf32, #tpu.memory_space<hbm>>
      %dma_wait3A_63 = arith.constant 0 : i32
      %dma_wait3A_64 = tpu.memref_slice %arg5[%arg0, %add3A_49, %dma_wait3A_63] : memref<2x10240x128xf32, #tpu.memory_space<hbm>> -> memref<1x128x128xf32, #tpu.memory_space<hbm>>
      %dma_wait3A_65 = tpu.memref_squeeze %dma_wait3A_64 : memref<1x128x128xf32, #tpu.memory_space<hbm>> -> memref<128x128xf32, #tpu.memory_space<hbm>>
      tpu.wait_dma2 semaphore(%run_scoped3A_54 : memref<!tpu.dma_semaphore, #tpu.memory_space<semaphore_mem>>) src(%arg10 : memref<128x128xf32, #tpu.memory_space<vmem>>) dst(%dma_wait3A_65 : memref<128x128xf32, #tpu.memory_space<hbm>>)
      tpu.yield
    }) : () -> ()
    %add3A_50 = arith.constant 512 : i32
    %add3A_51 = arith.addi %mul3A_8, %add3A_50 : i32
    "tpu.region"() ({
      %run_scoped3A_54 = tpu.sem_alloc : memref<!tpu.dma_semaphore, #tpu.memory_space<semaphore_mem>>
      %dma_start3A_55 = arith.constant 0 : i32
      %dma_start3A_56 = tpu.memref_slice %arg12[%add3A_51, %dma_start3A_55] : memref<10240x128xf32, #tpu.memory_space<vmem_shared>> -> memref<128x128xf32, #tpu.memory_space<vmem_shared>>
      %dma_start3A_57 = arith.constant 0 : i32
      %dma_start3A_58 = tpu.memref_slice %arg12[%add3A_51, %dma_start3A_57] : memref<10240x128xf32, #tpu.memory_space<vmem_shared>> -> memref<128x128xf32, #tpu.memory_space<vmem_shared>>
      tpu.enqueue_dma source(%dma_start3A_58 : memref<128x128xf32, #tpu.memory_space<vmem_shared>>) target(%arg10 : memref<128x128xf32, #tpu.memory_space<vmem>>) target_semaphore(%run_scoped3A_54 : memref<!tpu.dma_semaphore, #tpu.memory_space<semaphore_mem>>)
      %dma_wait3A = arith.constant 0 : i32
      %dma_wait3A_59 = tpu.memref_slice %arg12[%add3A_51, %dma_wait3A] : memref<10240x128xf32, #tpu.memory_space<vmem_shared>> -> memref<128x128xf32, #tpu.memory_space<vmem_shared>>
      %dma_wait3A_60 = arith.constant 0 : i32
      %dma_wait3A_61 = tpu.memref_slice %arg12[%add3A_51, %dma_wait3A_60] : memref<10240x128xf32, #tpu.memory_space<vmem_shared>> -> memref<128x128xf32, #tpu.memory_space<vmem_shared>>
      tpu.wait_dma2 semaphore(%run_scoped3A_54 : memref<!tpu.dma_semaphore, #tpu.memory_space<semaphore_mem>>) src(%dma_wait3A_61 : memref<128x128xf32, #tpu.memory_space<vmem_shared>>) dst(%arg10 : memref<128x128xf32, #tpu.memory_space<vmem>>)
      tpu.yield
    }) : () -> ()
    %add3A_52 = arith.constant 512 : i32
    %add3A_53 = arith.addi %mul3A_8, %add3A_52 : i32
    "tpu.region"() ({
      %run_scoped3A_54 = tpu.sem_alloc : memref<!tpu.dma_semaphore, #tpu.memory_space<semaphore_mem>>
      %dma_start3A_55 = arith.constant 0 : i32
      %dma_start3A_56 = tpu.memref_slice %arg5[%arg0, %add3A_53, %dma_start3A_55] : memref<2x10240x128xf32, #tpu.memory_space<hbm>> -> memref<1x128x128xf32, #tpu.memory_space<hbm>>
      %dma_start3A_57 = tpu.memref_squeeze %dma_start3A_56 : memref<1x128x128xf32, #tpu.memory_space<hbm>> -> memref<128x128xf32, #tpu.memory_space<hbm>>
      %dma_start3A_58 = arith.constant 0 : i32
      %dma_start3A_59 = tpu.memref_slice %arg5[%arg0, %add3A_53, %dma_start3A_58] : memref<2x10240x128xf32, #tpu.memory_space<hbm>> -> memref<1x128x128xf32, #tpu.memory_space<hbm>>
      %dma_start3A_60 = tpu.memref_squeeze %dma_start3A_59 : memref<1x128x128xf32, #tpu.memory_space<hbm>> -> memref<128x128xf32, #tpu.memory_space<hbm>>
      tpu.enqueue_dma source(%arg10 : memref<128x128xf32, #tpu.memory_space<vmem>>) target(%dma_start3A_60 : memref<128x128xf32, #tpu.memory_space<hbm>>) target_semaphore(%run_scoped3A_54 : memref<!tpu.dma_semaphore, #tpu.memory_space<semaphore_mem>>)
      %dma_wait3A = arith.constant 0 : i32
      %dma_wait3A_61 = tpu.memref_slice %arg5[%arg0, %add3A_53, %dma_wait3A] : memref<2x10240x128xf32, #tpu.memory_space<hbm>> -> memref<1x128x128xf32, #tpu.memory_space<hbm>>
      %dma_wait3A_62 = tpu.memref_squeeze %dma_wait3A_61 : memref<1x128x128xf32, #tpu.memory_space<hbm>> -> memref<128x128xf32, #tpu.memory_space<hbm>>
      %dma_wait3A_63 = arith.constant 0 : i32
      %dma_wait3A_64 = tpu.memref_slice %arg5[%arg0, %add3A_53, %dma_wait3A_63] : memref<2x10240x128xf32, #tpu.memory_space<hbm>> -> memref<1x128x128xf32, #tpu.memory_space<hbm>>
      %dma_wait3A_65 = tpu.memref_squeeze %dma_wait3A_64 : memref<1x128x128xf32, #tpu.memory_space<hbm>> -> memref<128x128xf32, #tpu.memory_space<hbm>>
      tpu.wait_dma2 semaphore(%run_scoped3A_54 : memref<!tpu.dma_semaphore, #tpu.memory_space<semaphore_mem>>) src(%arg10 : memref<128x128xf32, #tpu.memory_space<vmem>>) dst(%dma_wait3A_65 : memref<128x128xf32, #tpu.memory_space<hbm>>)
      tpu.yield
    }) : () -> ()
    return
  }
}

module attributes {stable_mosaic.version = 14 : i64} {
  func.func @_tc2_body(%arg0: i32, %arg1: memref<2x512x128xf32, #tpu.memory_space<vmem>>, %arg2: memref<512x16xf32, #tpu.memory_space<vmem>>, %arg3: memref<512x128xf32, #tpu.memory_space<vmem>>, %arg4: memref<128x128xf32, #tpu.memory_space<vmem>>, %arg5: memref<1x128xf32, #tpu.memory_space<vmem>>, %arg6: memref<128x128xf32, #tpu.memory_space<vmem>>, %arg7: memref<512x128xf32, #tpu.memory_space<vmem>>) attributes {dimension_semantics = [#tpu.dimension_semantics<arbitrary>], iteration_bounds = array<i64: 20>, scalar_prefetch = 0 : i64, scratch_operands = 0 : i64, tpu.core_type = #tpu.core_type<tc>, window_params = [{transform_indices = @transform_0, window_bounds = array<i64: 2, 512, 128>}, {transform_indices = @transform_1, window_bounds = array<i64: 512, 16>}, {transform_indices = @transform_2, window_bounds = array<i64: 512, 128>}, {pipeline_mode = #tpu.pipeline_mode<synchronous>, transform_indices = @transform_3, window_bounds = array<i64: 128, 128>}, {pipeline_mode = #tpu.pipeline_mode<synchronous>, transform_indices = @transform_4, window_bounds = array<i64: 1, 128>}, {pipeline_mode = #tpu.pipeline_mode<synchronous>, transform_indices = @transform_5, window_bounds = array<i64: 128, 128>}, {transform_indices = @transform_6, window_bounds = array<i64: 512, 128>}]} {
    %get3A = arith.constant 0 : index
    %get3A_0 = arith.constant 0 : index
    %get3A_1 = vector.load %arg2[%get3A, %get3A_0] : memref<512x16xf32, #tpu.memory_space<vmem>>, vector<512x1xf32>
    %get3A_2 = arith.constant 0 : index
    %get3A_3 = arith.constant 0 : index
    %get3A_4 = arith.constant 0 : index
    %get3A_5 = vector.load %arg1[%get3A_2, %get3A_3, %get3A_4] : memref<2x512x128xf32, #tpu.memory_space<vmem>>, vector<1x512x128xf32>
    %get3A_6 = vector.shape_cast %get3A_5 : vector<1x512x128xf32> to vector<512x128xf32>
    %get3A_7 = arith.constant 1 : index
    %get3A_8 = arith.constant 0 : index
    %get3A_9 = arith.constant 0 : index
    %get3A_10 = vector.load %arg1[%get3A_7, %get3A_8, %get3A_9] : memref<2x512x128xf32, #tpu.memory_space<vmem>>, vector<1x512x128xf32>
    %get3A_11 = vector.shape_cast %get3A_10 : vector<1x512x128xf32> to vector<512x128xf32>
    %add3A = arith.addf %get3A_6, %get3A_11 : vector<512x128xf32>
    %mul3A = vector.broadcast %get3A_1 : vector<512x1xf32> to vector<512x128xf32>
    %mul3A_12 = arith.mulf %add3A, %mul3A : vector<512x128xf32>
    %get3A_13 = arith.constant 0 : index
    %get3A_14 = arith.constant 0 : index
    %get3A_15 = vector.load %arg4[%get3A_13, %get3A_14] : memref<128x128xf32, #tpu.memory_space<vmem>>, vector<128x128xf32>
    %dot_general3A = arith.constant dense<0.000000e+00> : vector<512x128xf32>
    %dot_general3A_16 = tpu.matmul %mul3A_12, %get3A_15, %dot_general3A {dimension_numbers = #tpu.dot_dimension_numbers<[1], [1], [0], [0], [0, 0, 1, 0], [], []>, transpose_lhs_hint = false} : vector<512x128xf32>, vector<128x128xf32>, vector<512x128xf32> -> vector<512x128xf32>
    %get3A_17 = arith.constant 0 : index
    %get3A_18 = arith.constant 0 : index
    %get3A_19 = vector.load %arg3[%get3A_17, %get3A_18] : memref<512x128xf32, #tpu.memory_space<vmem>>, vector<512x128xf32>
    %get3A_20 = arith.constant 0 : index
    %get3A_21 = arith.constant 0 : index
    %get3A_22 = vector.load %arg6[%get3A_20, %get3A_21] : memref<128x128xf32, #tpu.memory_space<vmem>>, vector<128x128xf32>
    %dot_general3A_23 = arith.constant dense<0.000000e+00> : vector<512x128xf32>
    %dot_general3A_24 = tpu.matmul %get3A_19, %get3A_22, %dot_general3A_23 {dimension_numbers = #tpu.dot_dimension_numbers<[1], [1], [0], [0], [0, 0, 1, 0], [], []>, transpose_lhs_hint = false} : vector<512x128xf32>, vector<128x128xf32>, vector<512x128xf32> -> vector<512x128xf32>
    %add3A_25 = arith.addf %dot_general3A_16, %dot_general3A_24 : vector<512x128xf32>
    %get3A_26 = arith.constant 0 : index
    %get3A_27 = arith.constant 0 : index
    %get3A_28 = vector.load %arg5[%get3A_26, %get3A_27] : memref<1x128xf32, #tpu.memory_space<vmem>>, vector<1x128xf32>
    %add3A_29 = vector.broadcast %get3A_28 : vector<1x128xf32> to vector<512x128xf32>
    %add3A_30 = arith.addf %add3A_25, %add3A_29 : vector<512x128xf32>
    %swap3A = arith.constant 0 : index
    %swap3A_31 = arith.constant 0 : index
    %swap3A_32 = vector.load %arg7[%swap3A, %swap3A_31] : memref<512x128xf32, #tpu.memory_space<vmem>>, vector<512x128xf32>
    tpu.vector_store %arg7[%swap3A, %swap3A_31], %add3A_30 {strides = array<i32>} : memref<512x128xf32, #tpu.memory_space<vmem>>, vector<512x128xf32>,
    return
  }
  func.func @transform_0(%arg0: i32) -> (i32, i32, i32) {
    %c0_i32 = arith.constant 0 : i32
    %c0_i32_0 = arith.constant 0 : i32
    %c0_i32_1 = arith.constant 0 : i32
    return %c0_i32, %arg0, %c0_i32_0 : i32, i32, i32
  }
  func.func @transform_1(%arg0: i32) -> (i32, i32) {
    %c0_i32 = arith.constant 0 : i32
    %c0_i32_0 = arith.constant 0 : i32
    return %arg0, %c0_i32 : i32, i32
  }
  func.func @transform_2(%arg0: i32) -> (i32, i32) {
    %c0_i32 = arith.constant 0 : i32
    %c0_i32_0 = arith.constant 0 : i32
    return %arg0, %c0_i32 : i32, i32
  }
  func.func @transform_3(%arg0: i32) -> (i32, i32) {
    %c0_i32 = arith.constant 0 : i32
    %c0_i32_0 = arith.constant 0 : i32
    %c0_i32_1 = arith.constant 0 : i32
    return %c0_i32, %c0_i32_0 : i32, i32
  }
  func.func @transform_4(%arg0: i32) -> (i32, i32) {
    %c0_i32 = arith.constant 0 : i32
    %c0_i32_0 = arith.constant 0 : i32
    %c0_i32_1 = arith.constant 0 : i32
    return %c0_i32, %c0_i32_0 : i32, i32
  }
  func.func @transform_5(%arg0: i32) -> (i32, i32) {
    %c0_i32 = arith.constant 0 : i32
    %c0_i32_0 = arith.constant 0 : i32
    %c0_i32_1 = arith.constant 0 : i32
    return %c0_i32, %c0_i32_0 : i32, i32
  }
  func.func @transform_6(%arg0: i32) -> (i32, i32) {
    %c0_i32 = arith.constant 0 : i32
    %c0_i32_0 = arith.constant 0 : i32
    return %arg0, %c0_i32 : i32, i32
  }
}

module attributes {stable_mosaic.version = 14 : i64} {
  func.func @_tc1_body(%arg0: i32, %arg1: memref<2x512x128xf32, #tpu.memory_space<vmem>>, %arg2: memref<2x512xf32, #tpu.memory_space<vmem>>, %arg3: memref<512x128xf32, #tpu.memory_space<vmem>>, %arg4: memref<128x128xf32, #tpu.memory_space<vmem>>, %arg5: memref<1x128xf32, #tpu.memory_space<vmem>>, %arg6: memref<128x128xf32, #tpu.memory_space<vmem>>, %arg7: memref<512x128xf32, #tpu.memory_space<vmem>>, %arg8: memref<512x16xf32, #tpu.memory_space<vmem>>) attributes {dimension_semantics = [#tpu.dimension_semantics<arbitrary>], iteration_bounds = array<i64: 20>, scalar_prefetch = 0 : i64, scratch_operands = 0 : i64, tpu.core_type = #tpu.core_type<tc>, window_params = [{transform_indices = @transform_0, window_bounds = array<i64: 2, 512, 128>}, {transform_indices = @transform_1, window_bounds = array<i64: 2, 512>}, {transform_indices = @transform_2, window_bounds = array<i64: 512, 128>}, {pipeline_mode = #tpu.pipeline_mode<synchronous>, transform_indices = @transform_3, window_bounds = array<i64: 128, 128>}, {pipeline_mode = #tpu.pipeline_mode<synchronous>, transform_indices = @transform_4, window_bounds = array<i64: 1, 128>}, {pipeline_mode = #tpu.pipeline_mode<synchronous>, transform_indices = @transform_5, window_bounds = array<i64: 128, 128>}, {transform_indices = @transform_6, window_bounds = array<i64: 512, 128>}, {transform_indices = @transform_7, window_bounds = array<i64: 512, 16>}]} {
    %broadcast_in_dim3A = arith.constant 1.000000e+00 : f32
    %broadcast_in_dim3A_0 = vector.broadcast %broadcast_in_dim3A : f32 to vector<2x1xf32>
    %get3A = arith.constant 0 : index
    %get3A_1 = arith.constant 0 : index
    %get3A_2 = vector.load %arg2[%get3A, %get3A_1] : memref<2x512xf32, #tpu.memory_space<vmem>>, vector<2x512xf32>
    %dot_general3A = arith.constant dense<0.000000e+00> : vector<512x1xf32>
    %dot_general3A_3 = tpu.matmul %get3A_2, %broadcast_in_dim3A_0, %dot_general3A {dimension_numbers = #tpu.dot_dimension_numbers<[0], [0], [1], [1], [0, 1, 1, 1], [], []>, transpose_lhs_hint = false} : vector<2x512xf32>, vector<2x1xf32>, vector<512x1xf32> -> vector<512x1xf32>
    %max3A = arith.constant 1.000000e+00 : f32
    %max3A_4 = vector.broadcast %max3A : f32 to vector<512x1xf32>
    %max3A_5 = arith.maximumf %dot_general3A_3, %max3A_4 : vector<512x1xf32>
    %div3A = arith.constant 1.000000e+00 : f32
    %div3A_6 = vector.broadcast %div3A : f32 to vector<512x1xf32>
    %div3A_7 = arith.divf %div3A_6, %max3A_5 : vector<512x1xf32>
    %get3A_8 = arith.constant 0 : index
    %get3A_9 = arith.constant 0 : index
    %get3A_10 = arith.constant 0 : index
    %get3A_11 = vector.load %arg1[%get3A_8, %get3A_9, %get3A_10] : memref<2x512x128xf32, #tpu.memory_space<vmem>>, vector<1x512x128xf32>
    %get3A_12 = vector.shape_cast %get3A_11 : vector<1x512x128xf32> to vector<512x128xf32>
    %get3A_13 = arith.constant 1 : index
    %get3A_14 = arith.constant 0 : index
    %get3A_15 = arith.constant 0 : index
    %get3A_16 = vector.load %arg1[%get3A_13, %get3A_14, %get3A_15] : memref<2x512x128xf32, #tpu.memory_space<vmem>>, vector<1x512x128xf32>
    %get3A_17 = vector.shape_cast %get3A_16 : vector<1x512x128xf32> to vector<512x128xf32>
    %add3A = arith.addf %get3A_12, %get3A_17 : vector<512x128xf32>
    %mul3A = vector.broadcast %div3A_7 : vector<512x1xf32> to vector<512x128xf32>
    %mul3A_18 = arith.mulf %add3A, %mul3A : vector<512x128xf32>
    %get3A_19 = arith.constant 0 : index
    %get3A_20 = arith.constant 0 : index
    %get3A_21 = vector.load %arg4[%get3A_19, %get3A_20] : memref<128x128xf32, #tpu.memory_space<vmem>>, vector<128x128xf32>
    %dot_general3A_22 = arith.constant dense<0.000000e+00> : vector<512x128xf32>
    %dot_general3A_23 = tpu.matmul %mul3A_18, %get3A_21, %dot_general3A_22 {dimension_numbers = #tpu.dot_dimension_numbers<[1], [1], [0], [0], [0, 0, 1, 0], [], []>, transpose_lhs_hint = false} : vector<512x128xf32>, vector<128x128xf32>, vector<512x128xf32> -> vector<512x128xf32>
    %get3A_24 = arith.constant 0 : index
    %get3A_25 = arith.constant 0 : index
    %get3A_26 = vector.load %arg3[%get3A_24, %get3A_25] : memref<512x128xf32, #tpu.memory_space<vmem>>, vector<512x128xf32>
    %get3A_27 = arith.constant 0 : index
    %get3A_28 = arith.constant 0 : index
    %get3A_29 = vector.load %arg6[%get3A_27, %get3A_28] : memref<128x128xf32, #tpu.memory_space<vmem>>, vector<128x128xf32>
    %dot_general3A_30 = arith.constant dense<0.000000e+00> : vector<512x128xf32>
    %dot_general3A_31 = tpu.matmul %get3A_26, %get3A_29, %dot_general3A_30 {dimension_numbers = #tpu.dot_dimension_numbers<[1], [1], [0], [0], [0, 0, 1, 0], [], []>, transpose_lhs_hint = false} : vector<512x128xf32>, vector<128x128xf32>, vector<512x128xf32> -> vector<512x128xf32>
    %add3A_32 = arith.addf %dot_general3A_23, %dot_general3A_31 : vector<512x128xf32>
    %get3A_33 = arith.constant 0 : index
    %get3A_34 = arith.constant 0 : index
    %get3A_35 = vector.load %arg5[%get3A_33, %get3A_34] : memref<1x128xf32, #tpu.memory_space<vmem>>, vector<1x128xf32>
    %add3A_36 = vector.broadcast %get3A_35 : vector<1x128xf32> to vector<512x128xf32>
    %add3A_37 = arith.addf %add3A_32, %add3A_36 : vector<512x128xf32>
    %max3A_38 = arith.constant 0.000000e+00 : f32
    %max3A_39 = vector.broadcast %max3A_38 : f32 to vector<512x128xf32>
    %max3A_40 = arith.maximumf %add3A_37, %max3A_39 : vector<512x128xf32>
    %swap3A = arith.constant 0 : index
    %swap3A_41 = arith.constant 0 : index
    %swap3A_42 = vector.load %arg7[%swap3A, %swap3A_41] : memref<512x128xf32, #tpu.memory_space<vmem>>, vector<512x128xf32>
    tpu.vector_store %arg7[%swap3A, %swap3A_41], %max3A_40 {strides = array<i32>} : memref<512x128xf32, #tpu.memory_space<vmem>>, vector<512x128xf32>,
    %broadcast_in_dim3A_43 = vector.shape_cast %div3A_7 : vector<512x1xf32> to vector<512x1xf32>
    %broadcast_in_dim3A_44 = vector.broadcast %broadcast_in_dim3A_43 : vector<512x1xf32> to vector<512x16xf32>
    %swap3A_45 = arith.constant 0 : index
    %swap3A_46 = arith.constant 0 : index
    %swap3A_47 = vector.load %arg8[%swap3A_45, %swap3A_46] : memref<512x16xf32, #tpu.memory_space<vmem>>, vector<512x16xf32>
    tpu.vector_store %arg8[%swap3A_45, %swap3A_46], %broadcast_in_dim3A_44 {strides = array<i32>} : memref<512x16xf32, #tpu.memory_space<vmem>>, vector<512x16xf32>,
    return
  }
  func.func @transform_0(%arg0: i32) -> (i32, i32, i32) {
    %c0_i32 = arith.constant 0 : i32
    %c0_i32_0 = arith.constant 0 : i32
    %c0_i32_1 = arith.constant 0 : i32
    return %c0_i32, %arg0, %c0_i32_0 : i32, i32, i32
  }
  func.func @transform_1(%arg0: i32) -> (i32, i32) {
    %c0_i32 = arith.constant 0 : i32
    %c0_i32_0 = arith.constant 0 : i32
    return %c0_i32, %arg0 : i32, i32
  }
  func.func @transform_2(%arg0: i32) -> (i32, i32) {
    %c0_i32 = arith.constant 0 : i32
    %c0_i32_0 = arith.constant 0 : i32
    return %arg0, %c0_i32 : i32, i32
  }
  func.func @transform_3(%arg0: i32) -> (i32, i32) {
    %c0_i32 = arith.constant 0 : i32
    %c0_i32_0 = arith.constant 0 : i32
    %c0_i32_1 = arith.constant 0 : i32
    return %c0_i32, %c0_i32_0 : i32, i32
  }
  func.func @transform_4(%arg0: i32) -> (i32, i32) {
    %c0_i32 = arith.constant 0 : i32
    %c0_i32_0 = arith.constant 0 : i32
    %c0_i32_1 = arith.constant 0 : i32
    return %c0_i32, %c0_i32_0 : i32, i32
  }
  func.func @transform_5(%arg0: i32) -> (i32, i32) {
    %c0_i32 = arith.constant 0 : i32
    %c0_i32_0 = arith.constant 0 : i32
    %c0_i32_1 = arith.constant 0 : i32
    return %c0_i32, %c0_i32_0 : i32, i32
  }
  func.func @transform_6(%arg0: i32) -> (i32, i32) {
    %c0_i32 = arith.constant 0 : i32
    %c0_i32_0 = arith.constant 0 : i32
    return %arg0, %c0_i32 : i32, i32
  }
  func.func @transform_7(%arg0: i32) -> (i32, i32) {
    %c0_i32 = arith.constant 0 : i32
    %c0_i32_0 = arith.constant 0 : i32
    return %arg0, %c0_i32 : i32, i32
  }
}

</mosaic_0001>

<sc_bundles>
// kernel: kernel.6.cloned.1.call-start
scs
__scs_entry_jumppad:
0x0: {  	(pc) =	sbr.rel $0x88, $3  }
0x1: {  	(tag) =	ssettag $0x0;
	lr =	simm.s32 $0x1  }
0x2: {  	[smem:$0x3F99] =	sst lr;
	_ =	strace $0xD0000000  }
0x3: {  	_ = 	snop  }
0x4: {  	_ = 	snop  }
0x5: {  	_ = 	snop  }
0x6: {  	_ = 	snop  }
0x7: {  	_ = 	snop  }
__scs_overlays_trampoline_lowered:
0x8: {  	[smem:$0x3FA8] =	sst s0  }
0x9: {  	[smem:$0x3FA9] =	sst s1  }
0xa: {  	[smem:$0x3FAA] =	sst s2  }
0xb: {  	[smem:$0x3FAB] =	sst s3  }
0xc: {  	[smem:$0x3FAC] =	sst s4  }
0xd: {  	[smem:$0x3FAD] =	sst s5  }
0xe: {  	[smem:$0x3FAE] =	sst s6  }
0xf: {  	[smem:$0x3FAF] =	sst s7  }
0x10: {  	[smem:$0x3FB0] =	sst s8  }
0x11: {  	[smem:$0x3FB1] =	sst s9;
	s0 =	simm.s32 @!p0 $0x0  }
0x12: {  	s1 =	sld [smem:$0x3F97];
	s0 =	simm.s32 @p0 $0x1  }
0x13: {  	[smem:$0x3FB2] =	sst s0;
	s0 =	simm.s32 @!p1 $0x0  }
0x14: {  	s2 =	sld [smem:$0x3F96];
	s0 =	simm.s32 @p1 $0x1  }
0x15: {  	[smem:$0x3FB3] =	sst s0;
	s0 =	simm.s32 @!p2 $0x0  }
0x16: {  	s3 =	sld [smem:$0x3FDB];
	s0 =	simm.s32 @p2 $0x1  }
0x17: {  	s4 =	simm.s32 $0x1BF5;
	[smem:$0x3FB5] =	sst s0  }
0x18: {  	s0 =	sld [smem:$0x3F98];
	_ =	swait.ge [sflag:s4], $0x0  }
0x19: {  	s7 =	sld [smem:$0x3F99]  }
0x1a: {  	s8 =	sadd.s32 $0xFFFFE003, lr  }
0x1b: {  	s9 =	sadd.s32 $0xFFFFFEF7, lr;
	s5 =	simm.s32 $0xFFFFFFFF;
	p2 =	slt.u32 s8, $0xFFFFF086  }
0x1c: {  	p1 =	slt.u32 s9, $0xF7A;
	s5 =	simm.s32 @!p2 $0x0  }
0x1d: {  	s5 =	simm.s32 @p1 $0x1;
	p0 =	seq.s32 s7, s2  }
0x1e: {  	s7 =	smul.u32 @!p0 $0xF7A, s2;
	p2 =	seq.s32 @!p0 s5, $0x0  }
0x1f: {  	s9 =	smul.u32 $0xF7A, s1;
	s8 =	simm.s32 @!p0 $0x1BF5;
	p2 =	por !p2, p0  }
0x20: {  	[sflag:s8] =	ssyncset.s32 @!p0 $0xFFFFF086;
	s6 =	sadd.s32 @!p0 s3, s7;
	s7 =	simm.s32 @!p0 $0x108  }
0x21: {  	s3 =	sadd.s32 s3, s9;
	s6 =	sadd.s32 @!p0 $0x88, s6;
	s7 =	simm.s32 @p2 $0x1082  }
0x22: {  	[simem:s7], [sflag:s8] =	dma.local @!p0 [hbm:s6], $0xF7A  }
0x23: {  	s9 =	sor.u32 $0xD0000000, s2;
	s6 =	simm.s32 $0x108;
	_ =	swait.ge @!p0 [sflag:s8], $0x0  }
0x24: {  	s3 =	sadd.s32 $0x88, s3;
	s6 =	simm.s32 @!p1 $0x1082;
	[sflag:s4] =	ssyncset.s32 $0xFFFFF086  }
0x25: {  	[simem:s6], [sflag:s4] =	dma.local [hbm:s3], $0xF7A  }
0x26: {  	[smem:$0x3F99] =	sst s1;
	(tag) =	ssettag s2;
	_ =	strace s9  }
0x27: {  	s1 =	sld [smem:$0x3FA9]  }
0x28: {  	s2 =	sld [smem:$0x3FAA]  }
0x29: {  	s4 =	sld [smem:$0x3FAC]  }
0x2a: {  	p0 =	seq.s32 s5, $0x0;
	s5 =	sld [smem:$0x3FAD]  }
0x2b: {  	s6 =	sld [smem:$0x3FAE]  }
0x2c: {  	s7 =	sld [smem:$0x3FAF]  }
0x2d: {  	s3 =	simm.s32 $0x108;
	s8 =	sld [smem:$0x3FB0]  }
0x2e: {  	s3 =	simm.s32 @!p0 $0x1082;
	s9 =	sld [smem:$0x3FB1]  }
0x2f: {  	lr =	sadd.s32 s0, s3;
	s0 =	sld [smem:$0x3FA8]  }
0x30: {  	s3 =	sld [smem:$0x3FAB]  }
0x31: {  	[smem:$0x3FB4] =	sst s10  }
0x32: {  	s10 =	sld [smem:$0x3FB2];
	_ =	sdelay $0x3  }
0x33: {  	p0 =	seq.s32 s10, $0x1;
	s10 =	sld [smem:$0x3FB4];
	_ =	sdelay $0x3  }
0x34: {  	[smem:$0x3FB4] =	sst s10  }
0x35: {  	s10 =	sld [smem:$0x3FB3];
	_ =	sdelay $0x3  }
0x36: {  	p1 =	seq.s32 s10, $0x1;
	s10 =	sld [smem:$0x3FB4];
	_ =	sdelay $0x3  }
0x37: {  	[smem:$0x3FB4] =	sst s10  }
0x38: {  	s10 =	sld [smem:$0x3FB5]  }
0x39: {  	_ = 	snop;
	(pc) =	sbr.ind lr, $3  }
0x3a: {  	_ = 	snop  }
0x3b: {  	_ = 	snop  }
0x3c: {  	p2 =	seq.s32 s10, $0x1;
	s10 =	sld [smem:$0x3FB4]  }
0x3d: {  	_ =	shalt  }
0x3e: {  	_ =	shalt  }
0x3f: {  	_ =	shalt  }
0x40: {  	_ =	shalt  }
0x41: {  	_ =	shalt  }
0x42: {  	_ =	shalt  }
0x43: {  	_ =	shalt  }
0x44: {  	_ =	shalt  }
0x45: {  	_ =	shalt  }
0x46: {  	_ =	shalt  }
0x47: {  	_ =	shalt  }
0x48: {  	_ =	shalt  }
0x49: {  	_ =	shalt  }
0x4a: {  	_ =	shalt  }
0x4b: {  	_ =	shalt  }
0x4c: {  	_ =	shalt  }
0x4d: {  	_ =	shalt  }
0x4e: {  	_ =	shalt  }
0x4f: {  	_ =	shalt  }
0x50: {  	_ =	shalt  }
0x51: {  	_ =	shalt  }
0x52: {  	_ =	shalt  }
0x53: {  	_ =	shalt  }
0x54: {  	_ =	shalt  }
0x55: {  	_ =	shalt  }
0x56: {  	_ =	shalt  }
0x57: {  	_ =	shalt  }
0x58: {  	_ =	shalt  }
0x59: {  	_ =	shalt  }
0x5a: {  	_ =	shalt  }
0x5b: {  	_ =	shalt  }
0x5c: {  	_ =	shalt  }
0x5d: {  	_ =	shalt  }
0x5e: {  	_ =	shalt  }
0x5f: {  	_ =	shalt  }
0x60: {  	_ =	shalt  }
0x61: {  	_ =	shalt  }
0x62: {  	_ =	shalt  }
0x63: {  	_ =	shalt  }
0x64: {  	_ =	shalt  }
0x65: {  	_ =	shalt  }
0x66: {  	_ =	shalt  }
0x67: {  	_ =	shalt  }
0x68: {  	_ =	shalt  }
0x69: {  	_ =	shalt  }
0x6a: {  	_ =	shalt  }
0x6b: {  	_ =	shalt  }
0x6c: {  	_ =	shalt  }
0x6d: {  	_ =	shalt  }
0x6e: {  	_ =	shalt  }
0x6f: {  	_ =	shalt  }
0x70: {  	_ =	shalt  }
0x71: {  	_ =	shalt  }
0x72: {  	_ =	shalt  }
0x73: {  	_ =	shalt  }
0x74: {  	_ =	shalt  }
0x75: {  	_ =	shalt  }
0x76: {  	_ =	shalt  }
0x77: {  	_ =	shalt  }
0x78: {  	_ =	shalt  }
0x79: {  	_ =	shalt  }
0x7a: {  	_ =	shalt  }
0x7b: {  	_ =	shalt  }
0x7c: {  	_ =	shalt  }
0x7d: {  	_ =	shalt  }
0x7e: {  	_ =	shalt  }
0x7f: {  	_ =	shalt  }
0x80: {  	_ =	shalt  }
0x81: {  	_ =	shalt  }
0x82: {  	_ =	shalt  }
0x83: {  	_ =	shalt  }
0x84: {  	_ =	shalt  }
0x85: {  	_ =	shalt  }
0x86: {  	_ =	shalt  }
0x87: {  	_ =	shalt  }
.Lfunc_end0:
.L_simem_size_0:
called_computation_lowered:
.L_overlay_start_0:
0x88: {  	s2 =	sld [smem:$0x3FD9]  }
0x89: {  	s3 =	sld [smem:$0x3FFE];
	_ =	sdelay $0x1  }
0x8a: {  	s1 =	srdreg.scid  }
0x8b: {  	s0 =	sand.u32 $0x1, s1  }
0x8c: {  	s17 =	sshll.u32 s0, $0xA;
	s2 =	sadd.s32 s3, s2  }
0x8d: {  	s2 =	sadd.s32 s2, s17  }
0x8e: {  	[smem:$0x3FC0] =	sst s2  }
0x8f: {  	_ = 	snop  }
0x90: {  	s2 =	sld [smem:$0x3FD0];
	(tm) =	ssettm $0x1  }
0x91: {  	s18 =	sld [smem:$0x3FFB];
	_ =	sdelay $0x3  }
0x92: {  	_ =	strace s18  }
0x93: {  	s3 =	sld [smem:$0x3FFC];
	_ =	sdelay $0x3  }
0x94: {  	_ =	strace s3  }
0x95: {  	s3 =	sld [smem:$0x3FFD];
	_ =	sdelay $0x3  }
0x96: {  	_ =	strace s3  }
0x97: {  	_ =	strace $0x8FFFFFFF  }
0x98: {  	s19 =	sld [smem:$0x3FDB];
	_ =	sdelay $0x1  }
0x99: {  	s4 =	simm.s32 $_scs_section_size  }
0x9a: {  	s5 =	simm.s32 $_size__tile_overlayer_lowered;
	s6 =	simm.s32 $_tile_overlayer_lowered  }
0x9b: {  	s22 =	simm.s32 $0x1BFF;
	s21 =	sshll.u32 s6, $0x1;
	s3 =	sadd.s32 s4, s19  }
0x9c: {  	s7 =	simm.s32 $0x0;
	s20 =	sshll.u32 s5, $0x1;
	s5 =	sadd.s32 s21, s3  }
0x9d: {  	[timem:s7], [sflag:s22] =	dma.local [hbm:s5], s20  }
0x9e: {  	_ =	swait.ge [sflag:s22], s20  }
0x9f: {  	s4 =	ssub.s32 $0x0, s20;
	[sflag:s22] =	ssyncset.done $0x0  }
0xa0: {  	[sflag:s22] =	ssyncadd.s32 s4;
	_ =	sdelay $0x1  }
0xa1: {  	s23 =	simm.s32 $0x1B8B  }
0xa2: {  	_ =	swait.ge [sflag:s23], $0x1  }
0xa3: {  	[sflag:s23] =	ssyncset.done $0x0  }
0xa4: {  	s25 =	simm.s32 $0x1B8E;
	s24 =	sld [smem:$0x3FFE];
	[sflag:s23] =	ssyncadd.s32 $0xFFFFFFFF  }
0xa5: {  	s26 =	simm.s32 $execute0_lowered;
	[smem:$0x3FD2] =	sst s25  }
0xa6: {  	s5 =	sshll.u32 s26, $0x1;
	_ =	strace $0x80000046;
	[dreg:$0x1] =	wrdreg $0xFFFFFFFF  }
0xa7: {  	s28 =	simm.s32 $_size_execute0_lowered;
	s3 =	sadd.s32 s3, s5;
	[dreg:$0x0] =	wrdreg $0x0  }
0xa8: {  	s5 =	sshll.u32 s28, $0x1;
	[dreg:$0x2] =	wrdreg s3  }
0xa9: {  	[dreg:$0x3] =	wrdreg s5  }
0xaa: {  	[dreg:$0x4] =	wrdreg $0xC0  }
0xab: {  	_ =	task [dreg:s7], $0x5FFFF  }
0xac: {  	[dreg:$0x1] =	wrdreg $0xFFFFFFFF  }
0xad: {  	[dreg:$0x0] =	wrdreg $0x60  }
0xae: {  	[dreg:$0x2] =	wrdreg s24  }
0xaf: {  	[dreg:$0x3] =	wrdreg s2  }
0xb0: {  	[dreg:$0x4] =	wrdreg $0x82000  }
0xb1: {  	[dreg:$0x5] =	wrdreg $0x1C5000  }
0xb2: {  	[dreg:$0x6] =	wrdreg $0x9  }
0xb3: {  	_ =	task.clear_ibuf [dreg:s7], $0x7FFFF;
	_ =	strace $0x90000046  }
0xb4: {  	s29 =	simm.s32 $0x9;
	_ =	strace $0x80000048  }
0xb5: {  	_ =	swait.ge [sflag:s29], $0x1  }
0xb6: {  	[sflag:s29] =	ssyncadd.s32 $0xFFFFFFFF  }
0xb7: {  	_ =	strace $0x90000048  }
0xb8: {  	_ =	sfence  }
0xb9: {  	s30 =	sld [smem:$0x0];
	_ =	sdelay $0x2  }
0xba: {  	s31 =	sshll.u32 s1, $0xD;
	s1 =	sshrl.u32 s1, $0x2  }
0xbb: {  	s3 =	sand.u32 $0x4000, s31;
	s1 =	sadd.s32 s1, s30  }
0xbc: {  	s0 =	sor.u32 s3, s0;
	s1 =	sshll.u32 s1, $0x11  }
0xbd: {  	s0 =	sor.u32 s1, s0  }
0xbe: {  	s0 =	sadd.s32 $0x8F2B, s0  }
0xbf: {  	[sflag:s0] =	ssyncadd.remote.s32 $0x1  }
0xc0: {  	_ =	sfence.sel $0xFFFF  }
0xc1: {  	[dreg:$0x0] =	wrdreg $0xFFFFFFFF;
	(pc) =	sbr.abs _section_cstart, $3  }
0xc2: {  	[dreg:$0x1] =	wrdreg $0xFFFFFFFF  }
0xc3: {  	_ =	task.clear_ibuf [dreg:s7], $0x2FFFF;
	_ =	strace $0x9FFFFFFF  }
0xc4: {  	(tm) =	ssettm $0x7FFFFFFF  }
0xc5: {  	_ =	shalt  }
tec
execute0_lowered:
.L_overlay_start_1:
0x0: {  	(tag) =	ssettag $0x1  }
0x1: {  	s2 =	rddreg [dreg:$0x0]  }
0x2: {  	s4 =	rddreg [dreg:$0x1]  }
0x3: {  	s0 =	rddreg [dreg:$0x2]  }
0x4: {  	s1 =	rddreg [dreg:$0x3];
	s3 =	simm.s32 $0x0;
	s6 =	srdreg.scid  }
0x5: {  	s17 =	stileid.u32;
	s28 =	simm.s32 $0x200;
	s29 =	simm.s32 $0x3  }
0x6: {  	s30 =	simm.s32 $0x1C200;
	s31 =	simm.s32 $0x80;
	s7 =	smul.u32 $0x280, s17  }
0x7: {  	[smem:$0x7FF] =	sst s3;
	s5 =	sadd.s32 $0x2600, s2;
	s13 =	smul.u32 $0x14000, s17  }
0x8: {  	s6 =	sand.u32 $0x1, s6;
	s8 =	sshll.u32 s17, $0x1;
	s25 =	smul.u32 $0x5000, s17  }
0x9: {  	s11 =	sadd.s32 $0x35000, s2;
	s9 =	smul.u32 $0x2800, s6;
	s10 =	ssub.s32 $0x2, s6  }
0xa: {  	s8 =	sor.u32 s6, s8;
	s6 =	smul.u32 $0x140000, s6;
	s12 =	sshrl.u32 s10, $0x1  }
0xb: {  	s8 =	smul.u32 $0x2800, s8;
	s26 =	sshll.u32 s7, $0x7;
	s10 =	ssub.s32 s10, s12  }
0xc: {  	s14 =	sadd.s32 $0x4000, s26;
	s21 =	sadd.s32 $0x8000, s26;
	s22 =	sadd.s32 $0xC000, s26  }
0xd: {  	s23 =	sadd.s32 $0x10000, s26;
	s16 =	sadd.s32 s13, s6;
	s8 =	sshrl.u32 s8, $0x3  }
0xe: {  	s18 =	sadd.s32 s6, s14;
	s12 =	sshrl.u32 s16, $0x3;
	s20 =	sadd.s32 s6, s21  }
0xf: {  	s24 =	sadd.s32 s6, s22;
	s6 =	sadd.s32 s6, s23;
	s21 =	sadd.s32 s21, s0  }
0x10: {  	s22 =	sadd.s32 s22, s0;
	s23 =	sadd.s32 s23, s0;
	s15 =	sadd.s32 s4, s8  }
0x11: {  	s13 =	sshrl.u32 s18, $0x3;
	s12 =	sadd.s32 s11, s12;
	s26 =	sshrl.u32 s24, $0x3  }
0x12: {  	s6 =	sshrl.u32 s6, $0x3;
	s24 =	smul.u32 $0x50000, s17;
	[dreg:$0x5] =	wrdreg s15  }
0x13: {  	s15 =	sadd.s32 s5, s8;
	[dreg:$0x7] =	wrdreg s12;
	s19 =	sadd.s32 s11, s13  }
0x14: {  	s12 =	sshrl.u32 s20, $0x3;
	s13 =	sadd.s32 s9, s25;
	[dreg:$0x6] =	wrdreg s15  }
0x15: {  	s6 =	sadd.s32 s11, s6;
	s25 =	sadd.s32 s7, s9;
	[dreg:$0x8] =	wrdreg s19  }
0x16: {  	s12 =	sadd.s32 s11, s12;
	[dreg:$0xb] =	wrdreg s6;
	s15 =	sadd.s32 $0x4F0, s8  }
0x17: {  	s16 =	sor.u32 $0x100, s13;
	[dreg:$0x9] =	wrdreg s12;
	s12 =	sadd.s32 s11, s26  }
0x18: {  	s19 =	sor.u32 $0x80, s13;
	s18 =	sadd.s32 s4, s15;
	[dreg:$0xa] =	wrdreg s12  }
0x19: {  	s8 =	sshrl.u32 s16, $0x3;
	s6 =	sadd.s32 s5, s15;
	[dreg:$0xc] =	wrdreg s18  }
0x1a: {  	s20 =	sshrl.u32 s19, $0x3;
	[dreg:$0xd] =	wrdreg s6;
	s13 =	sadd.s32 s8, s5  }
0x1b: {  	s15 =	sadd.s32 s8, s4;
	s16 =	sadd.s32 s20, s5;
	s17 =	sadd.s32 s20, s4  }
0x1c: {  	s4 =	sshrl.u32 s25, $0x3;
	s5 =	sshrl.u32 s24, $0x2;
	s18 =	sadd.s32 $0xC600, s2  }
0x1d: {  	s20 =	sadd.s32 s14, s0;
	s24 =	sadd.s32 s7, s1;
	s14 =	simm.s32 $0x100  }
0x1e: {  	s6 =	simm.s32 $0x1C480;
	s7 =	simm.s32 $0x2;
	s8 =	simm.s32 $0x0  }
0x1f: {  	_ =	strace $0x80000047;
	s4 =	sadd.s32 s4, s2;
	s19 =	sadd.s32 s5, s0  }
0x20: {  	s2 =	simm.s32 $0x180;
	s5 =	simm.s32 $0x1;
	s26 =	sadd.s32 $0x34600, s4  }
0x21: {  	v0 =	vimm.f32 $0.0e+00;
	v1 =	vimm.f32 $1.000000000e+00;
	s4 =	simm.s32 $0x4200;
	[dreg:$0xe] =	wrdreg s26;
	s26 =	smax.u32 s10, $0x1  }
.LBB2_1:
0x22: {  	s9 =	sand.u32 $0xFE00, s3  }
0x23: {  	s10 =	sand.u32 $0x70, s3;
	s11 =	sshrl.u32 s9, $0x2  }
0x24: {  	s9 =	simm.s32 $0x40;
	s11 =	sor.u32 s10, s11;
	s10 =	simm.s32 $0x0  }
.LBB2_2:
0x25: {  	p0 =	sne.s32 s9, $0xFFC0  }
0x26: {  	[tilespmem:s11+$0x200] =	vst v0;
	s10 =	sadd.s32 $0x10, s10;
	s11 =	smov.u32 s9;
	s9 =	sadd.s32 $0x40, s9  }
.Ltmp0:
0x27: {  	(pc) =	sbr.rel @p0 .LBB2_2-.Ltmp0, $4  }
0x28: {  	_ = 	snop  }
0x29: {  	s11 =	sand.u32 $0xFE00, s11  }
0x2a: {  	s12 =	sand.u32 $0x70, s10;
	s11 =	sshrl.u32 s11, $0x2  }
0x2b: {  	s11 =	sor.u32 s12, s11  }
0x2c: {  	[tilespmem:s11+$0x200] =	vst v0  }
0x2d: {  	[spmem:s19] =	stream.linear.scatter [tilespmem:s28], [sflag:$0x3], $0x4000, $0x38;
	[tilespmem:$0x1C780] =	vst v63  }
0x2e: {  	_ =	swait.ge [sflag:s29], $0x4000  }
0x2f: {  	[sflag:s29] =	ssyncset.done $0x0  }
0x30: {  	[sflag:s29] =	ssyncadd.s32 $0xFFFFC000  }
0x31: {  	[spmem:s20] =	stream.linear.scatter [tilespmem:s28], [sflag:$0x3], $0x4000, $0x38;
	[tilespmem:$0x1C780] =	vst v63  }
0x32: {  	_ =	swait.ge [sflag:s29], $0x4000  }
0x33: {  	[sflag:s29] =	ssyncset.done $0x0  }
0x34: {  	[sflag:s29] =	ssyncadd.s32 $0xFFFFC000  }
0x35: {  	[spmem:s21] =	stream.linear.scatter [tilespmem:s28], [sflag:$0x3], $0x4000, $0x38;
	[tilespmem:$0x1C780] =	vst v63  }
0x36: {  	_ =	swait.ge [sflag:s29], $0x4000  }
0x37: {  	[sflag:s29] =	ssyncset.done $0x0  }
0x38: {  	[sflag:s29] =	ssyncadd.s32 $0xFFFFC000  }
0x39: {  	[spmem:s22] =	stream.linear.scatter [tilespmem:s28], [sflag:$0x3], $0x4000, $0x38;
	[tilespmem:$0x1C780] =	vst v63  }
0x3a: {  	_ =	swait.ge [sflag:s29], $0x4000  }
0x3b: {  	[sflag:s29] =	ssyncset.done $0x0  }
0x3c: {  	[sflag:s29] =	ssyncadd.s32 $0xFFFFC000  }
0x3d: {  	[spmem:s23] =	stream.linear.scatter [tilespmem:s28], [sflag:$0x3], $0x4000, $0x38;
	[tilespmem:$0x1C780] =	vst v63  }
0x3e: {  	_ =	swait.ge [sflag:s29], $0x4000  }
0x3f: {  	[sflag:s29] =	ssyncset.done $0x0  }
0x40: {  	[sflag:s29] =	ssyncadd.s32 $0xFFFFC000  }
0x41: {  	[tilespmem:$0x1C200] =	vst v0  }
0x42: {  	[tilespmem:$0x1C210] =	vst v0  }
0x43: {  	[tilespmem:$0x1C220] =	vst v0  }
0x44: {  	[tilespmem:$0x1C230] =	vst v0  }
0x45: {  	[tilespmem:$0x1C240] =	vst v0  }
0x46: {  	[tilespmem:$0x1C250] =	vst v0  }
0x47: {  	[tilespmem:$0x1C260] =	vst v0  }
0x48: {  	[tilespmem:$0x1C270] =	vst v0  }
0x49: {  	[tilespmem:$0x1C280] =	vst v0  }
0x4a: {  	[tilespmem:$0x1C290] =	vst v0  }
0x4b: {  	[tilespmem:$0x1C2A0] =	vst v0  }
0x4c: {  	[tilespmem:$0x1C2B0] =	vst v0  }
0x4d: {  	[tilespmem:$0x1C2C0] =	vst v0  }
0x4e: {  	[tilespmem:$0x1C2D0] =	vst v0  }
0x4f: {  	[tilespmem:$0x1C2E0] =	vst v0  }
0x50: {  	[tilespmem:$0x1C2F0] =	vst v0  }
0x51: {  	[tilespmem:$0x1C300] =	vst v0  }
0x52: {  	[tilespmem:$0x1C310] =	vst v0  }
0x53: {  	[tilespmem:$0x1C320] =	vst v0  }
0x54: {  	[tilespmem:$0x1C330] =	vst v0  }
0x55: {  	[tilespmem:$0x1C340] =	vst v0  }
0x56: {  	[tilespmem:$0x1C350] =	vst v0  }
0x57: {  	[tilespmem:$0x1C360] =	vst v0  }
0x58: {  	[tilespmem:$0x1C370] =	vst v0  }
0x59: {  	[tilespmem:$0x1C380] =	vst v0  }
0x5a: {  	[tilespmem:$0x1C390] =	vst v0  }
0x5b: {  	[tilespmem:$0x1C3A0] =	vst v0  }
0x5c: {  	[tilespmem:$0x1C3B0] =	vst v0  }
0x5d: {  	[tilespmem:$0x1C3C0] =	vst v0  }
0x5e: {  	[tilespmem:$0x1C3D0] =	vst v0  }
0x5f: {  	[tilespmem:$0x1C3E0] =	vst v0  }
0x60: {  	[tilespmem:$0x1C3F0] =	vst v0  }
0x61: {  	[tilespmem:$0x1C400] =	vst v0  }
0x62: {  	[tilespmem:$0x1C410] =	vst v0  }
0x63: {  	[tilespmem:$0x1C420] =	vst v0  }
0x64: {  	[tilespmem:$0x1C430] =	vst v0  }
0x65: {  	[tilespmem:$0x1C440] =	vst v0  }
0x66: {  	[tilespmem:$0x1C450] =	vst v0  }
0x67: {  	[tilespmem:$0x1C460] =	vst v0  }
0x68: {  	[tilespmem:$0x1C470] =	vst v0  }
0x69: {  	[spmem:s24] =	stream.linear.scatter [tilespmem:s30], [sflag:$0x3], $0x280, $0x38;
	[tilespmem:$0x1C780] =	vst v63  }
0x6a: {  	_ =	swait.ge [sflag:s29], $0x280  }
0x6b: {  	[sflag:s29] =	ssyncset.done $0x0  }
0x6c: {  	[sflag:s29] =	ssyncadd.s32 $0xFFFFFD80  }
0x6d: {  	[tilespmem:$0x1C480] =	vst v1  }
0x6e: {  	[tilespmem:$0x1C490] =	vst v1  }
0x6f: {  	[tilespmem:$0x1C4A0] =	vst v1  }
0x70: {  	[tilespmem:$0x1C4B0] =	vst v1  }
0x71: {  	[tilespmem:$0x1C4C0] =	vst v1  }
0x72: {  	[tilespmem:$0x1C4D0] =	vst v1  }
0x73: {  	[tilespmem:$0x1C4E0] =	vst v1  }
0x74: {  	s9 =	simm.s32 $0x0;
	s10 =	rddreg [dreg:$0x5];
	[tilespmem:$0x1C4F0] =	vst v1  }
0x75: {  	[tilespmem:s9], [sflag:$0x3] =	stream.linear.gather [hbm4b:s10+s9], $0x80, $0x38;
	[tilespmem:$0x1C780] =	vst v63  }
0x76: {  	_ =	swait.ge [sflag:s29], $0x80  }
0x77: {  	[sflag:s29] =	ssyncset.done $0x0  }
0x78: {  	s25 =	rddreg [dreg:$0x6];
	[sflag:s29] =	ssyncadd.s32 $0xFFFFFF80  }
0x79: {  	[tilespmem:s31], [sflag:$0x3] =	stream.linear.gather [hbm4b:s25+s9], $0x80, $0x38;
	[tilespmem:$0x1C780] =	vst v63  }
0x7a: {  	_ =	swait.ge [sflag:s29], $0x80  }
0x7b: {  	[sflag:s29] =	ssyncset.done $0x0  }
0x7c: {  	[sflag:s29] =	ssyncadd.s32 $0xFFFFFF80  }
0x7d: {  	[tilespmem:s28], [sflag:$0x1] =	stream.indirect.gather [hbm4b:s18+s31], $0x80, s9, s31, $0xb8;
	[tilespmem:$0x1C780] =	vst v63  }
0x7e: {  	s10 =	sadd.s32 $0x0, s17;
	[bflag:$0x0] =	sbarrier.arrive $0xFFFF  }
0x7f: {  	[tilespmem:s14], [sflag:$0x3] =	stream.linear.gather [hbm4b:s10+s3], $0x80, $0x38;
	[tilespmem:$0x1C780] =	vst v63  }
0x80: {  	_ =	swait.ge [sflag:s29], $0x80  }
0x81: {  	[sflag:s29] =	ssyncset.done $0x0  }
0x82: {  	s11 =	sadd.s32 $0x0, s16;
	[sflag:s29] =	ssyncadd.s32 $0xFFFFFF80  }
0x83: {  	[tilespmem:s2], [sflag:$0x3] =	stream.linear.gather [hbm4b:s11+s3], $0x80, $0x38;
	[tilespmem:$0x1C780] =	vst v63  }
0x84: {  	_ =	swait.ge [sflag:s29], $0x80  }
0x85: {  	[sflag:s29] =	ssyncset.done $0x0  }
0x86: {  	[sflag:s29] =	ssyncadd.s32 $0xFFFFFF80  }
0x87: {  	[tilespmem:s4], [sflag:$0x2] =	stream.indirect.gather [hbm4b:s18+s31], $0x80, s14, s31, $0xb8;
	[tilespmem:$0x1C780] =	vst v63  }
0x88: {  	_ =	swait.ge [sflag:s5], $0x4000  }
0x89: {  	[sflag:s5] =	ssyncset.done $0x0  }
0x8a: {  	[sflag:s5] =	ssyncadd.s32 $0xFFFFC000  }
0x8b: {  	[spmem:s0] =	stream.indirect.scatter.add.f32 [tilespmem:s28], [sflag:$0x3], $0x80, s31, s31, $0xb8;
	[tilespmem:$0x1C780] =	vst v63  }
0x8c: {  	_ =	swait.ge [sflag:s29], $0x4000  }
0x8d: {  	[sflag:s29] =	ssyncset.done $0x0  }
0x8e: {  	[sflag:s29] =	ssyncadd.s32 $0xFFFFC000  }
0x8f: {  	[spmem:s1] =	stream.indirect.scatter.add.f32 [tilespmem:s6], [sflag:$0x3], $0x1, s31, s31, $0xb8;
	[tilespmem:$0x1C780] =	vst v63  }
0x90: {  	_ =	swait.ge [sflag:s29], $0x80  }
0x91: {  	[sflag:s29] =	ssyncset.done $0x0  }
0x92: {  	s12 =	sadd.s32 $0x0, s15;
	[sflag:s29] =	ssyncadd.s32 $0xFFFFFF80  }
0x93: {  	[tilespmem:s3], [sflag:$0x3] =	stream.linear.gather [hbm4b:s12+s3], $0x80, $0x38;
	[tilespmem:$0x1C780] =	vst v63  }
0x94: {  	_ =	swait.ge [sflag:s29], $0x80  }
0x95: {  	[sflag:s29] =	ssyncset.done $0x0  }
0x96: {  	s25 =	sadd.s32 $0x0, s13;
	[sflag:s29] =	ssyncadd.s32 $0xFFFFFF80  }
0x97: {  	[tilespmem:s31], [sflag:$0x3] =	stream.linear.gather [hbm4b:s25+s3], $0x80, $0x38;
	[tilespmem:$0x1C780] =	vst v63  }
0x98: {  	_ =	swait.ge [sflag:s29], $0x80  }
0x99: {  	[sflag:s29] =	ssyncset.done $0x0  }
0x9a: {  	[sflag:s29] =	ssyncadd.s32 $0xFFFFFF80  }
0x9b: {  	[tilespmem:s28], [sflag:$0x1] =	stream.indirect.gather [hbm4b:s18+s31], $0x80, s3, s31, $0xb8;
	[tilespmem:$0x1C780] =	vst v63  }
0x9c: {  	_ =	swait.ge [sflag:s7], $0x4000  }
0x9d: {  	[sflag:s7] =	ssyncset.done $0x0  }
0x9e: {  	[sflag:s7] =	ssyncadd.s32 $0xFFFFC000  }
0x9f: {  	[spmem:s0] =	stream.indirect.scatter.add.f32 [tilespmem:s4], [sflag:$0x3], $0x80, s2, s31, $0xb8;
	[tilespmem:$0x1C780] =	vst v63  }
0xa0: {  	_ =	swait.ge [sflag:s29], $0x4000  }
0xa1: {  	[sflag:s29] =	ssyncset.done $0x0  }
0xa2: {  	[sflag:s29] =	ssyncadd.s32 $0xFFFFC000  }
0xa3: {  	[spmem:s1] =	stream.indirect.scatter.add.f32 [tilespmem:s6], [sflag:$0x3], $0x1, s2, s31, $0xb8;
	[tilespmem:$0x1C780] =	vst v63  }
0xa4: {  	_ =	swait.ge [sflag:s29], $0x80  }
0xa5: {  	s9 =	simm.s32 $0x20;
	s10 =	simm.s32 $0x40;
	[sflag:s29] =	ssyncset.done $0x0  }
.LBB2_4:
0xa6: {  	s12 =	sadd.s32 s9, s17  }
0xa7: {  	[sflag:s29] =	ssyncadd.s32 $0xFFFFFF80;
	s25 =	smov.u32 s10;
	s11 =	sadd.s32 $0x20, s10  }
0xa8: {  	[tilespmem:s14], [sflag:$0x3] =	stream.linear.gather [hbm4b:s12+s3], $0x80, $0x38;
	[tilespmem:$0x1C780] =	vst v63  }
0xa9: {  	p0 =	sne.s32 s10, $0x4C0;
	_ =	swait.ge [sflag:s29], $0x80  }
0xaa: {  	[sflag:s29] =	ssyncset.done $0x0  }
0xab: {  	s10 =	sadd.s32 s9, s16;
	[sflag:s29] =	ssyncadd.s32 $0xFFFFFF80  }
0xac: {  	[tilespmem:s2], [sflag:$0x3] =	stream.linear.gather [hbm4b:s10+s3], $0x80, $0x38;
	[tilespmem:$0x1C780] =	vst v63  }
0xad: {  	_ =	swait.ge [sflag:s29], $0x80  }
0xae: {  	[sflag:s29] =	ssyncset.done $0x0  }
0xaf: {  	[sflag:s29] =	ssyncadd.s32 $0xFFFFFF80  }
0xb0: {  	[tilespmem:s4], [sflag:$0x2] =	stream.indirect.gather [hbm4b:s18+s31], $0x80, s14, s31, $0xb8;
	[tilespmem:$0x1C780] =	vst v63  }
0xb1: {  	_ =	swait.ge [sflag:s5], $0x4000  }
0xb2: {  	[sflag:s5] =	ssyncset.done $0x0  }
0xb3: {  	[sflag:s5] =	ssyncadd.s32 $0xFFFFC000  }
0xb4: {  	[spmem:s0] =	stream.indirect.scatter.add.f32 [tilespmem:s28], [sflag:$0x3], $0x80, s31, s31, $0xb8;
	[tilespmem:$0x1C780] =	vst v63  }
0xb5: {  	_ =	swait.ge [sflag:s29], $0x4000  }
0xb6: {  	[sflag:s29] =	ssyncset.done $0x0  }
0xb7: {  	[sflag:s29] =	ssyncadd.s32 $0xFFFFC000  }
0xb8: {  	[spmem:s1] =	stream.indirect.scatter.add.f32 [tilespmem:s6], [sflag:$0x3], $0x1, s31, s31, $0xb8;
	[tilespmem:$0x1C780] =	vst v63  }
0xb9: {  	_ =	swait.ge [sflag:s29], $0x80  }
0xba: {  	[sflag:s29] =	ssyncset.done $0x0  }
0xbb: {  	s10 =	sadd.s32 s9, s15;
	[sflag:s29] =	ssyncadd.s32 $0xFFFFFF80  }
0xbc: {  	[tilespmem:s3], [sflag:$0x3] =	stream.linear.gather [hbm4b:s10+s3], $0x80, $0x38;
	[tilespmem:$0x1C780] =	vst v63  }
0xbd: {  	_ =	swait.ge [sflag:s29], $0x80  }
0xbe: {  	[sflag:s29] =	ssyncset.done $0x0  }
0xbf: {  	s10 =	sadd.s32 s9, s13;
	s9 =	smov.u32 s25;
	[sflag:s29] =	ssyncadd.s32 $0xFFFFFF80  }
0xc0: {  	[tilespmem:s31], [sflag:$0x3] =	stream.linear.gather [hbm4b:s10+s3], $0x80, $0x38;
	[tilespmem:$0x1C780] =	vst v63  }
0xc1: {  	_ =	swait.ge [sflag:s29], $0x80  }
0xc2: {  	[sflag:s29] =	ssyncset.done $0x0  }
0xc3: {  	[sflag:s29] =	ssyncadd.s32 $0xFFFFFF80  }
0xc4: {  	[tilespmem:s28], [sflag:$0x1] =	stream.indirect.gather [hbm4b:s18+s31], $0x80, s3, s31, $0xb8;
	[tilespmem:$0x1C780] =	vst v63  }
0xc5: {  	_ =	swait.ge [sflag:s7], $0x4000  }
0xc6: {  	[sflag:s7] =	ssyncset.done $0x0  }
0xc7: {  	[sflag:s7] =	ssyncadd.s32 $0xFFFFC000  }
0xc8: {  	[spmem:s0] =	stream.indirect.scatter.add.f32 [tilespmem:s4], [sflag:$0x3], $0x80, s2, s31, $0xb8;
	[tilespmem:$0x1C780] =	vst v63  }
0xc9: {  	_ =	swait.ge [sflag:s29], $0x4000  }
.Ltmp1:
0xca: {  	[sflag:s29] =	ssyncset.done $0x0;
	(pc) =	sbr.rel @p0 .LBB2_4-.Ltmp1, $4  }
0xcb: {  	[sflag:s29] =	ssyncadd.s32 $0xFFFFC000  }
0xcc: {  	[spmem:s1] =	stream.indirect.scatter.add.f32 [tilespmem:s6], [sflag:$0x3], $0x1, s2, s31, $0xb8;
	[tilespmem:$0x1C780] =	vst v63  }
0xcd: {  	_ =	swait.ge [sflag:s29], $0x80  }
0xce: {  	s10 =	smov.u32 s11;
	[sflag:s29] =	ssyncset.done $0x0  }
0xcf: {  	s10 =	sadd.s32 s9, s17;
	[sflag:s29] =	ssyncadd.s32 $0xFFFFFF80  }
0xd0: {  	[tilespmem:s14], [sflag:$0x3] =	stream.linear.gather [hbm4b:s10+s3], $0x80, $0x38;
	[tilespmem:$0x1C780] =	vst v63  }
0xd1: {  	_ =	swait.ge [sflag:s29], $0x80  }
0xd2: {  	[sflag:s29] =	ssyncset.done $0x0  }
0xd3: {  	s11 =	sadd.s32 s9, s16;
	[sflag:s29] =	ssyncadd.s32 $0xFFFFFF80  }
0xd4: {  	[tilespmem:s2], [sflag:$0x3] =	stream.linear.gather [hbm4b:s11+s3], $0x80, $0x38;
	[tilespmem:$0x1C780] =	vst v63  }
0xd5: {  	_ =	swait.ge [sflag:s29], $0x80  }
0xd6: {  	[sflag:s29] =	ssyncset.done $0x0  }
0xd7: {  	[sflag:s29] =	ssyncadd.s32 $0xFFFFFF80  }
0xd8: {  	[tilespmem:s4], [sflag:$0x2] =	stream.indirect.gather [hbm4b:s18+s31], $0x80, s14, s31, $0xb8;
	[tilespmem:$0x1C780] =	vst v63  }
0xd9: {  	_ =	swait.ge [sflag:s5], $0x4000  }
0xda: {  	[sflag:s5] =	ssyncset.done $0x0  }
0xdb: {  	[sflag:s5] =	ssyncadd.s32 $0xFFFFC000  }
0xdc: {  	[spmem:s0] =	stream.indirect.scatter.add.f32 [tilespmem:s28], [sflag:$0x3], $0x80, s31, s31, $0xb8;
	[tilespmem:$0x1C780] =	vst v63  }
0xdd: {  	_ =	swait.ge [sflag:s29], $0x4000  }
0xde: {  	[sflag:s29] =	ssyncset.done $0x0  }
0xdf: {  	[sflag:s29] =	ssyncadd.s32 $0xFFFFC000  }
0xe0: {  	[spmem:s1] =	stream.indirect.scatter.add.f32 [tilespmem:s6], [sflag:$0x3], $0x1, s31, s31, $0xb8;
	[tilespmem:$0x1C780] =	vst v63  }
0xe1: {  	_ =	swait.ge [sflag:s29], $0x80  }
0xe2: {  	[sflag:s29] =	ssyncset.done $0x0  }
0xe3: {  	s12 =	sadd.s32 s9, s15;
	[sflag:s29] =	ssyncadd.s32 $0xFFFFFF80  }
0xe4: {  	[tilespmem:s3], [sflag:$0x3] =	stream.linear.gather [hbm4b:s12+s3], $0x80, $0x38;
	[tilespmem:$0x1C780] =	vst v63  }
0xe5: {  	_ =	swait.ge [sflag:s29], $0x80  }
0xe6: {  	[sflag:s29] =	ssyncset.done $0x0  }
0xe7: {  	s25 =	sadd.s32 s9, s13;
	[sflag:s29] =	ssyncadd.s32 $0xFFFFFF80  }
0xe8: {  	[tilespmem:s31], [sflag:$0x3] =	stream.linear.gather [hbm4b:s25+s3], $0x80, $0x38;
	[tilespmem:$0x1C780] =	vst v63  }
0xe9: {  	_ =	swait.ge [sflag:s29], $0x80  }
0xea: {  	[sflag:s29] =	ssyncset.done $0x0  }
0xeb: {  	[sflag:s29] =	ssyncadd.s32 $0xFFFFFF80  }
0xec: {  	[tilespmem:s28], [sflag:$0x1] =	stream.indirect.gather [hbm4b:s18+s31], $0x80, s3, s31, $0xb8;
	[tilespmem:$0x1C780] =	vst v63  }
0xed: {  	_ =	swait.ge [sflag:s7], $0x4000  }
0xee: {  	[sflag:s7] =	ssyncset.done $0x0  }
0xef: {  	[sflag:s7] =	ssyncadd.s32 $0xFFFFC000  }
0xf0: {  	[spmem:s0] =	stream.indirect.scatter.add.f32 [tilespmem:s4], [sflag:$0x3], $0x80, s2, s31, $0xb8;
	[tilespmem:$0x1C780] =	vst v63  }
0xf1: {  	_ =	swait.ge [sflag:s29], $0x4000  }
0xf2: {  	[sflag:s29] =	ssyncset.done $0x0  }
0xf3: {  	[sflag:s29] =	ssyncadd.s32 $0xFFFFC000  }
0xf4: {  	[spmem:s1] =	stream.indirect.scatter.add.f32 [tilespmem:s6], [sflag:$0x3], $0x1, s2, s31, $0xb8;
	[tilespmem:$0x1C780] =	vst v63  }
0xf5: {  	_ =	swait.ge [sflag:s29], $0x80  }
0xf6: {  	[sflag:s29] =	ssyncset.done $0x0  }
0xf7: {  	s10 =	rddreg [dreg:$0xc];
	[sflag:s29] =	ssyncadd.s32 $0xFFFFFF80  }
0xf8: {  	[tilespmem:s14], [sflag:$0x3] =	stream.linear.gather [hbm4b:s10+s3], $0x80, $0x38;
	[tilespmem:$0x1C780] =	vst v63  }
0xf9: {  	_ =	swait.ge [sflag:s29], $0x80  }
0xfa: {  	[sflag:s29] =	ssyncset.done $0x0  }
0xfb: {  	s11 =	rddreg [dreg:$0xd];
	[sflag:s29] =	ssyncadd.s32 $0xFFFFFF80  }
0xfc: {  	[tilespmem:s2], [sflag:$0x3] =	stream.linear.gather [hbm4b:s11+s3], $0x80, $0x38;
	[tilespmem:$0x1C780] =	vst v63  }
0xfd: {  	_ =	swait.ge [sflag:s29], $0x80  }
0xfe: {  	[sflag:s29] =	ssyncset.done $0x0  }
0xff: {  	[sflag:s29] =	ssyncadd.s32 $0xFFFFFF80  }
0x100: {  	[tilespmem:s4], [sflag:$0x2] =	stream.indirect.gather [hbm4b:s18+s31], $0x80, s14, s31, $0xb8;
	[tilespmem:$0x1C780] =	vst v63  }
0x101: {  	_ =	swait.ge [sflag:s5], $0x4000  }
0x102: {  	[sflag:s5] =	ssyncset.done $0x0  }
0x103: {  	[sflag:s5] =	ssyncadd.s32 $0xFFFFC000  }
0x104: {  	[spmem:s0] =	stream.indirect.scatter.add.f32 [tilespmem:s28], [sflag:$0x3], $0x80, s31, s31, $0xb8;
	[tilespmem:$0x1C780] =	vst v63  }
0x105: {  	_ =	swait.ge [sflag:s29], $0x4000  }
0x106: {  	[sflag:s29] =	ssyncset.done $0x0  }
0x107: {  	[sflag:s29] =	ssyncadd.s32 $0xFFFFC000  }
0x108: {  	[spmem:s1] =	stream.indirect.scatter.add.f32 [tilespmem:s6], [sflag:$0x3], $0x1, s31, s31, $0xb8;
	[tilespmem:$0x1C780] =	vst v63  }
0x109: {  	_ =	swait.ge [sflag:s29], $0x80  }
0x10a: {  	[sflag:s29] =	ssyncset.done $0x0  }
0x10b: {  	[sflag:s29] =	ssyncadd.s32 $0xFFFFFF80  }
0x10c: {  	_ =	swait.ge [sflag:s7], $0x4000  }
0x10d: {  	[sflag:s7] =	ssyncset.done $0x0  }
0x10e: {  	[sflag:s7] =	ssyncadd.s32 $0xFFFFC000  }
0x10f: {  	[spmem:s0] =	stream.indirect.scatter.add.f32 [tilespmem:s4], [sflag:$0x3], $0x80, s2, s31, $0xb8;
	[tilespmem:$0x1C780] =	vst v63  }
0x110: {  	_ =	swait.ge [sflag:s29], $0x4000  }
0x111: {  	[sflag:s29] =	ssyncset.done $0x0  }
0x112: {  	[sflag:s29] =	ssyncadd.s32 $0xFFFFC000  }
0x113: {  	[spmem:s1] =	stream.indirect.scatter.add.f32 [tilespmem:s6], [sflag:$0x3], $0x1, s2, s31, $0xb8;
	[tilespmem:$0x1C780] =	vst v63  }
0x114: {  	_ =	swait.ge [sflag:s29], $0x80  }
0x115: {  	[sflag:s29] =	ssyncset.done $0x0  }
0x116: {  	[sflag:s29] =	ssyncadd.s32 $0xFFFFFF80  }
0x117: {  	[bflag:$0x0] =	sbarrier.arrive $0xFFFF  }
0x118: {  	[tilespmem:s30], [sflag:$0x3] =	stream.linear.gather [spmem:s24], $0x280, $0x38;
	[tilespmem:$0x1C780] =	vst v63  }
0x119: {  	_ =	swait.ge [sflag:s29], $0x280  }
0x11a: {  	[sflag:s29] =	ssyncset.done $0x0  }
0x11b: {  	s12 =	rddreg [dreg:$0xe];
	[sflag:s29] =	ssyncadd.s32 $0xFFFFFD80  }
0x11c: {  	[hbm4b:s12+s3] =	stream.linear.scatter [tilespmem:s30], [sflag:$0x3], $0x280, $0x38;
	[tilespmem:$0x1C780] =	vst v63  }
0x11d: {  	_ =	swait.ge [sflag:s29], $0x280  }
0x11e: {  	[sflag:s29] =	ssyncset.done $0x0  }
0x11f: {  	[sflag:s29] =	ssyncadd.s32 $0xFFFFFD80  }
0x120: {  	[tilespmem:s28], [sflag:$0x3] =	stream.linear.gather [spmem:s19], $0x4000, $0x38;
	[tilespmem:$0x1C780] =	vst v63  }
0x121: {  	_ =	swait.ge [sflag:s29], $0x4000  }
0x122: {  	[sflag:s29] =	ssyncset.done $0x0  }
0x123: {  	s25 =	rddreg [dreg:$0x7];
	[sflag:s29] =	ssyncadd.s32 $0xFFFFC000  }
0x124: {  	[hbm4b:s25+s3] =	stream.linear.scatter [tilespmem:s28], [sflag:$0x3], $0x4000, $0x38;
	[tilespmem:$0x1C780] =	vst v63  }
0x125: {  	_ =	swait.ge [sflag:s29], $0x4000  }
0x126: {  	[sflag:s29] =	ssyncset.done $0x0  }
0x127: {  	[sflag:s29] =	ssyncadd.s32 $0xFFFFC000  }
0x128: {  	[tilespmem:s28], [sflag:$0x3] =	stream.linear.gather [spmem:s20], $0x4000, $0x38;
	[tilespmem:$0x1C780] =	vst v63  }
0x129: {  	_ =	swait.ge [sflag:s29], $0x4000  }
0x12a: {  	[sflag:s29] =	ssyncset.done $0x0  }
0x12b: {  	s10 =	rddreg [dreg:$0x8];
	[sflag:s29] =	ssyncadd.s32 $0xFFFFC000  }
0x12c: {  	[hbm4b:s10+s3] =	stream.linear.scatter [tilespmem:s28], [sflag:$0x3], $0x4000, $0x38;
	[tilespmem:$0x1C780] =	vst v63  }
0x12d: {  	_ =	swait.ge [sflag:s29], $0x4000  }
0x12e: {  	[sflag:s29] =	ssyncset.done $0x0  }
0x12f: {  	[sflag:s29] =	ssyncadd.s32 $0xFFFFC000  }
0x130: {  	[tilespmem:s28], [sflag:$0x3] =	stream.linear.gather [spmem:s21], $0x4000, $0x38;
	[tilespmem:$0x1C780] =	vst v63  }
0x131: {  	_ =	swait.ge [sflag:s29], $0x4000  }
0x132: {  	[sflag:s29] =	ssyncset.done $0x0  }
0x133: {  	s11 =	rddreg [dreg:$0x9];
	[sflag:s29] =	ssyncadd.s32 $0xFFFFC000  }
0x134: {  	[hbm4b:s11+s3] =	stream.linear.scatter [tilespmem:s28], [sflag:$0x3], $0x4000, $0x38;
	[tilespmem:$0x1C780] =	vst v63  }
0x135: {  	_ =	swait.ge [sflag:s29], $0x4000  }
0x136: {  	[sflag:s29] =	ssyncset.done $0x0  }
0x137: {  	[sflag:s29] =	ssyncadd.s32 $0xFFFFC000  }
0x138: {  	[tilespmem:s28], [sflag:$0x3] =	stream.linear.gather [spmem:s22], $0x4000, $0x38;
	[tilespmem:$0x1C780] =	vst v63  }
0x139: {  	_ =	swait.ge [sflag:s29], $0x4000  }
0x13a: {  	[sflag:s29] =	ssyncset.done $0x0  }
0x13b: {  	s12 =	rddreg [dreg:$0xa];
	[sflag:s29] =	ssyncadd.s32 $0xFFFFC000  }
0x13c: {  	[hbm4b:s12+s3] =	stream.linear.scatter [tilespmem:s28], [sflag:$0x3], $0x4000, $0x38;
	[tilespmem:$0x1C780] =	vst v63  }
0x13d: {  	_ =	swait.ge [sflag:s29], $0x4000  }
0x13e: {  	[sflag:s29] =	ssyncset.done $0x0  }
0x13f: {  	[sflag:s29] =	ssyncadd.s32 $0xFFFFC000  }
0x140: {  	[tilespmem:s28], [sflag:$0x3] =	stream.linear.gather [spmem:s23], $0x4000, $0x38;
	[tilespmem:$0x1C780] =	vst v63  }
0x141: {  	s8 =	sadd.s32 $0x1, s8;
	_ =	swait.ge [sflag:s29], $0x4000  }
0x142: {  	p0 =	sne.s32 s8, s26;
	[sflag:s29] =	ssyncset.done $0x0  }
.Ltmp2:
0x143: {  	s25 =	rddreg [dreg:$0xb];
	[sflag:s29] =	ssyncadd.s32 $0xFFFFC000;
	(pc) =	sbr.rel @p0 .LBB2_1-.Ltmp2, $4  }
0x144: {  	[hbm4b:s25+s3] =	stream.linear.scatter [tilespmem:s28], [sflag:$0x3], $0x4000, $0x38;
	[tilespmem:$0x1C780] =	vst v63  }
0x145: {  	_ =	swait.ge [sflag:s29], $0x4000  }
0x146: {  	[sflag:s29] =	ssyncset.done $0x0  }
0x147: {  	[sflag:s29] =	ssyncadd.s32 $0xFFFFC000  }
0x148: {  	_ =	sfence.sel $0x180000  }
0x149: {  	[bflag:$0x0] =	sbarrier.arrive $0xFFFF  }
0x14a: {  	_ =	strace $0x90000047  }
0x14b: {  	s0 =	stileid.u32;
	[bflag:$0x2] =	sbarrier.arrive $0xFFFF  }
0x14c: {  	p0 =	sne.s32 s0, $0x0;
	s0 =	rddreg [dreg:$0x4]  }
0x14d: {  	s0 =	sadd.s32 @!p0 $0x100000, s0  }
0x14e: {  	[sflag:s0] =	ssyncadd.tile.s32 @!p0 $0x1;
	_ =	shalt  }
.Lfunc_end2:
_tile_overlayer_lowered:
.L_overlay_start_2:
0x14f: {  	(tag) =	ssettag $0x2  }
0x150: {  	s0 =	rddreg [dreg:$0x0];
	s2 =	stileid.u32  }
0x151: {  	s1 =	rddreg [dreg:$0x1];
	p0 =	sne.s32 s2, $0x0  }
0x152: {  	s3 =	rddreg [dreg:$0x2];
	[bflag:$0x3] =	sbarrier.arrive $0xFFFF;
	s2 =	simm.s32 @!p0 $0x1C03  }
0x153: {  	[timem:s3], [sflag:s2] =	dma.local @!p0 [hbm:s0], s1  }
0x154: {  	s0 =	simm.s32 @!p0 $0x3  }
0x155: {  	_ =	swait.ge @!p0 [sflag:s0], s1  }
0x156: {  	s1 =	ssub.s32 @!p0 $0x0, s1;
	[sflag:s0] =	ssyncset.done @!p0 $0x0  }
0x157: {  	[sflag:s0] =	ssyncadd.s32 @!p0 s1  }
0x158: {  	[bflag:$0x3] =	sbarrier.arrive $0xFFFF  }
0x159: {  	_ =	shalt  }

// kernel: kernel.9.cloned.1.call-start
scs
__scs_entry_jumppad:
0x0: {  	(pc) =	sbr.rel $0x88, $3  }
0x1: {  	(tag) =	ssettag $0x0;
	lr =	simm.s32 $0x1  }
0x2: {  	[smem:$0x3F99] =	sst lr;
	_ =	strace $0xD0000000  }
0x3: {  	_ = 	snop  }
0x4: {  	_ = 	snop  }
0x5: {  	_ = 	snop  }
0x6: {  	_ = 	snop  }
0x7: {  	_ = 	snop  }
__scs_overlays_trampoline_lowered:
0x8: {  	[smem:$0x3FA8] =	sst s0  }
0x9: {  	[smem:$0x3FA9] =	sst s1  }
0xa: {  	[smem:$0x3FAA] =	sst s2  }
0xb: {  	[smem:$0x3FAB] =	sst s3  }
0xc: {  	[smem:$0x3FAC] =	sst s4  }
0xd: {  	[smem:$0x3FAD] =	sst s5  }
0xe: {  	[smem:$0x3FAE] =	sst s6  }
0xf: {  	[smem:$0x3FAF] =	sst s7  }
0x10: {  	[smem:$0x3FB0] =	sst s8  }
0x11: {  	[smem:$0x3FB1] =	sst s9;
	s0 =	simm.s32 @!p0 $0x0  }
0x12: {  	s1 =	sld [smem:$0x3F97];
	s0 =	simm.s32 @p0 $0x1  }
0x13: {  	[smem:$0x3FB2] =	sst s0;
	s0 =	simm.s32 @!p1 $0x0  }
0x14: {  	s2 =	sld [smem:$0x3F96];
	s0 =	simm.s32 @p1 $0x1  }
0x15: {  	[smem:$0x3FB3] =	sst s0;
	s0 =	simm.s32 @!p2 $0x0  }
0x16: {  	s3 =	sld [smem:$0x3FDB];
	s0 =	simm.s32 @p2 $0x1  }
0x17: {  	s4 =	simm.s32 $0x1BF5;
	[smem:$0x3FB5] =	sst s0  }
0x18: {  	s0 =	sld [smem:$0x3F98];
	_ =	swait.ge [sflag:s4], $0x0  }
0x19: {  	s7 =	sld [smem:$0x3F99]  }
0x1a: {  	s8 =	sadd.s32 $0xFFFFE003, lr  }
0x1b: {  	s9 =	sadd.s32 $0xFFFFFEF7, lr;
	s5 =	simm.s32 $0xFFFFFFFF;
	p2 =	slt.u32 s8, $0xFFFFF086  }
0x1c: {  	p1 =	slt.u32 s9, $0xF7A;
	s5 =	simm.s32 @!p2 $0x0  }
0x1d: {  	s5 =	simm.s32 @p1 $0x1;
	p0 =	seq.s32 s7, s2  }
0x1e: {  	s7 =	smul.u32 @!p0 $0xF7A, s2;
	p2 =	seq.s32 @!p0 s5, $0x0  }
0x1f: {  	s9 =	smul.u32 $0xF7A, s1;
	s8 =	simm.s32 @!p0 $0x1BF5;
	p2 =	por !p2, p0  }
0x20: {  	[sflag:s8] =	ssyncset.s32 @!p0 $0xFFFFF086;
	s6 =	sadd.s32 @!p0 s3, s7;
	s7 =	simm.s32 @!p0 $0x108  }
0x21: {  	s3 =	sadd.s32 s3, s9;
	s6 =	sadd.s32 @!p0 $0x88, s6;
	s7 =	simm.s32 @p2 $0x1082  }
0x22: {  	[simem:s7], [sflag:s8] =	dma.local @!p0 [hbm:s6], $0xF7A  }
0x23: {  	s9 =	sor.u32 $0xD0000000, s2;
	s6 =	simm.s32 $0x108;
	_ =	swait.ge @!p0 [sflag:s8], $0x0  }
0x24: {  	s3 =	sadd.s32 $0x88, s3;
	s6 =	simm.s32 @!p1 $0x1082;
	[sflag:s4] =	ssyncset.s32 $0xFFFFF086  }
0x25: {  	[simem:s6], [sflag:s4] =	dma.local [hbm:s3], $0xF7A  }
0x26: {  	[smem:$0x3F99] =	sst s1;
	(tag) =	ssettag s2;
	_ =	strace s9  }
0x27: {  	s1 =	sld [smem:$0x3FA9]  }
0x28: {  	s2 =	sld [smem:$0x3FAA]  }
0x29: {  	s4 =	sld [smem:$0x3FAC]  }
0x2a: {  	p0 =	seq.s32 s5, $0x0;
	s5 =	sld [smem:$0x3FAD]  }
0x2b: {  	s6 =	sld [smem:$0x3FAE]  }
0x2c: {  	s7 =	sld [smem:$0x3FAF]  }
0x2d: {  	s3 =	simm.s32 $0x108;
	s8 =	sld [smem:$0x3FB0]  }
0x2e: {  	s3 =	simm.s32 @!p0 $0x1082;
	s9 =	sld [smem:$0x3FB1]  }
0x2f: {  	lr =	sadd.s32 s0, s3;
	s0 =	sld [smem:$0x3FA8]  }
0x30: {  	s3 =	sld [smem:$0x3FAB]  }
0x31: {  	[smem:$0x3FB4] =	sst s10  }
0x32: {  	s10 =	sld [smem:$0x3FB2];
	_ =	sdelay $0x3  }
0x33: {  	p0 =	seq.s32 s10, $0x1;
	s10 =	sld [smem:$0x3FB4];
	_ =	sdelay $0x3  }
0x34: {  	[smem:$0x3FB4] =	sst s10  }
0x35: {  	s10 =	sld [smem:$0x3FB3];
	_ =	sdelay $0x3  }
0x36: {  	p1 =	seq.s32 s10, $0x1;
	s10 =	sld [smem:$0x3FB4];
	_ =	sdelay $0x3  }
0x37: {  	[smem:$0x3FB4] =	sst s10  }
0x38: {  	s10 =	sld [smem:$0x3FB5]  }
0x39: {  	_ = 	snop;
	(pc) =	sbr.ind lr, $3  }
0x3a: {  	_ = 	snop  }
0x3b: {  	_ = 	snop  }
0x3c: {  	p2 =	seq.s32 s10, $0x1;
	s10 =	sld [smem:$0x3FB4]  }
0x3d: {  	_ =	shalt  }
0x3e: {  	_ =	shalt  }
0x3f: {  	_ =	shalt  }
0x40: {  	_ =	shalt  }
0x41: {  	_ =	shalt  }
0x42: {  	_ =	shalt  }
0x43: {  	_ =	shalt  }
0x44: {  	_ =	shalt  }
0x45: {  	_ =	shalt  }
0x46: {  	_ =	shalt  }
0x47: {  	_ =	shalt  }
0x48: {  	_ =	shalt  }
0x49: {  	_ =	shalt  }
0x4a: {  	_ =	shalt  }
0x4b: {  	_ =	shalt  }
0x4c: {  	_ =	shalt  }
0x4d: {  	_ =	shalt  }
0x4e: {  	_ =	shalt  }
0x4f: {  	_ =	shalt  }
0x50: {  	_ =	shalt  }
0x51: {  	_ =	shalt  }
0x52: {  	_ =	shalt  }
0x53: {  	_ =	shalt  }
0x54: {  	_ =	shalt  }
0x55: {  	_ =	shalt  }
0x56: {  	_ =	shalt  }
0x57: {  	_ =	shalt  }
0x58: {  	_ =	shalt  }
0x59: {  	_ =	shalt  }
0x5a: {  	_ =	shalt  }
0x5b: {  	_ =	shalt  }
0x5c: {  	_ =	shalt  }
0x5d: {  	_ =	shalt  }
0x5e: {  	_ =	shalt  }
0x5f: {  	_ =	shalt  }
0x60: {  	_ =	shalt  }
0x61: {  	_ =	shalt  }
0x62: {  	_ =	shalt  }
0x63: {  	_ =	shalt  }
0x64: {  	_ =	shalt  }
0x65: {  	_ =	shalt  }
0x66: {  	_ =	shalt  }
0x67: {  	_ =	shalt  }
0x68: {  	_ =	shalt  }
0x69: {  	_ =	shalt  }
0x6a: {  	_ =	shalt  }
0x6b: {  	_ =	shalt  }
0x6c: {  	_ =	shalt  }
0x6d: {  	_ =	shalt  }
0x6e: {  	_ =	shalt  }
0x6f: {  	_ =	shalt  }
0x70: {  	_ =	shalt  }
0x71: {  	_ =	shalt  }
0x72: {  	_ =	shalt  }
0x73: {  	_ =	shalt  }
0x74: {  	_ =	shalt  }
0x75: {  	_ =	shalt  }
0x76: {  	_ =	shalt  }
0x77: {  	_ =	shalt  }
0x78: {  	_ =	shalt  }
0x79: {  	_ =	shalt  }
0x7a: {  	_ =	shalt  }
0x7b: {  	_ =	shalt  }
0x7c: {  	_ =	shalt  }
0x7d: {  	_ =	shalt  }
0x7e: {  	_ =	shalt  }
0x7f: {  	_ =	shalt  }
0x80: {  	_ =	shalt  }
0x81: {  	_ =	shalt  }
0x82: {  	_ =	shalt  }
0x83: {  	_ =	shalt  }
0x84: {  	_ =	shalt  }
0x85: {  	_ =	shalt  }
0x86: {  	_ =	shalt  }
0x87: {  	_ =	shalt  }
.Lfunc_end0:
.L_simem_size_0:
called_computation.1_lowered:
.L_overlay_start_0:
0x88: {  	s2 =	sld [smem:$0x3FD9]  }
0x89: {  	s3 =	sld [smem:$0x3FFE];
	_ =	sdelay $0x1  }
0x8a: {  	s1 =	srdreg.scid  }
0x8b: {  	s0 =	sand.u32 $0x1, s1  }
0x8c: {  	s17 =	sshll.u32 s0, $0xA;
	s2 =	sadd.s32 s3, s2  }
0x8d: {  	s2 =	sadd.s32 s2, s17  }
0x8e: {  	[smem:$0x3FC0] =	sst s2  }
0x8f: {  	_ = 	snop  }
0x90: {  	s2 =	sld [smem:$0x3FD0];
	(tm) =	ssettm $0x1  }
0x91: {  	s18 =	sld [smem:$0x3FFB];
	_ =	sdelay $0x3  }
0x92: {  	_ =	strace s18  }
0x93: {  	s3 =	sld [smem:$0x3FFC];
	_ =	sdelay $0x3  }
0x94: {  	_ =	strace s3  }
0x95: {  	s3 =	sld [smem:$0x3FFD];
	_ =	sdelay $0x3  }
0x96: {  	_ =	strace s3  }
0x97: {  	_ =	strace $0x8FFFFFFF  }
0x98: {  	s19 =	sld [smem:$0x3FDB];
	_ =	sdelay $0x1  }
0x99: {  	s4 =	simm.s32 $_scs_section_size  }
0x9a: {  	s5 =	simm.s32 $_size__tile_overlayer_lowered;
	s6 =	simm.s32 $_tile_overlayer_lowered  }
0x9b: {  	s22 =	simm.s32 $0x1BFF;
	s21 =	sshll.u32 s6, $0x1;
	s3 =	sadd.s32 s4, s19  }
0x9c: {  	s7 =	simm.s32 $0x0;
	s20 =	sshll.u32 s5, $0x1;
	s5 =	sadd.s32 s21, s3  }
0x9d: {  	[timem:s7], [sflag:s22] =	dma.local [hbm:s5], s20  }
0x9e: {  	_ =	swait.ge [sflag:s22], s20  }
0x9f: {  	s4 =	ssub.s32 $0x0, s20;
	[sflag:s22] =	ssyncset.done $0x0  }
0xa0: {  	[sflag:s22] =	ssyncadd.s32 s4;
	_ =	sdelay $0x1  }
0xa1: {  	s23 =	simm.s32 $0x1B8B  }
0xa2: {  	_ =	swait.ge [sflag:s23], $0x1  }
0xa3: {  	[sflag:s23] =	ssyncset.done $0x0  }
0xa4: {  	s25 =	simm.s32 $0x1B8E;
	s24 =	sld [smem:$0x3FFE];
	[sflag:s23] =	ssyncadd.s32 $0xFFFFFFFF  }
0xa5: {  	s26 =	simm.s32 $execute0_lowered;
	[smem:$0x3FD2] =	sst s25  }
0xa6: {  	s5 =	sshll.u32 s26, $0x1;
	_ =	strace $0x80000049;
	[dreg:$0x1] =	wrdreg $0xFFFFFFFF  }
0xa7: {  	s28 =	simm.s32 $_size_execute0_lowered;
	s3 =	sadd.s32 s3, s5;
	[dreg:$0x0] =	wrdreg $0x0  }
0xa8: {  	s5 =	sshll.u32 s28, $0x1;
	[dreg:$0x2] =	wrdreg s3  }
0xa9: {  	[dreg:$0x3] =	wrdreg s5  }
0xaa: {  	[dreg:$0x4] =	wrdreg $0xC0  }
0xab: {  	_ =	task [dreg:s7], $0x5FFFF  }
0xac: {  	[dreg:$0x1] =	wrdreg $0xFFFFFFFF  }
0xad: {  	[dreg:$0x0] =	wrdreg $0x60  }
0xae: {  	[dreg:$0x2] =	wrdreg s24  }
0xaf: {  	[dreg:$0x3] =	wrdreg s2  }
0xb0: {  	[dreg:$0x4] =	wrdreg $0x82000  }
0xb1: {  	[dreg:$0x5] =	wrdreg $0x9  }
0xb2: {  	_ =	task.clear_ibuf [dreg:s7], $0x6FFFF;
	_ =	strace $0x90000049  }
0xb3: {  	s29 =	simm.s32 $0x9;
	_ =	strace $0x8000004B  }
0xb4: {  	_ =	swait.ge [sflag:s29], $0x1  }
0xb5: {  	[sflag:s29] =	ssyncadd.s32 $0xFFFFFFFF  }
0xb6: {  	_ =	strace $0x9000004B  }
0xb7: {  	_ =	sfence  }
0xb8: {  	s30 =	sld [smem:$0x0];
	_ =	sdelay $0x2  }
0xb9: {  	s31 =	sshll.u32 s1, $0xD;
	s1 =	sshrl.u32 s1, $0x2  }
0xba: {  	s3 =	sand.u32 $0x4000, s31;
	s1 =	sadd.s32 s1, s30  }
0xbb: {  	s0 =	sor.u32 s3, s0;
	s1 =	sshll.u32 s1, $0x11  }
0xbc: {  	s0 =	sor.u32 s1, s0  }
0xbd: {  	s0 =	sadd.s32 $0x8F2B, s0  }
0xbe: {  	[sflag:s0] =	ssyncadd.remote.s32 $0x1  }
0xbf: {  	_ =	sfence.sel $0xFFFF  }
0xc0: {  	[dreg:$0x0] =	wrdreg $0xFFFFFFFF;
	(pc) =	sbr.abs _section_cstart, $3  }
0xc1: {  	[dreg:$0x1] =	wrdreg $0xFFFFFFFF  }
0xc2: {  	_ =	task.clear_ibuf [dreg:s7], $0x2FFFF;
	_ =	strace $0x9FFFFFFF  }
0xc3: {  	(tm) =	ssettm $0x7FFFFFFF  }
tec
execute0_lowered:
.L_overlay_start_1:
0x0: {  	(tag) =	ssettag $0x1  }
0x1: {  	s3 =	rddreg [dreg:$0x0]  }
0x2: {  	s0 =	rddreg [dreg:$0x1]  }
0x3: {  	s1 =	rddreg [dreg:$0x2]  }
0x4: {  	s2 =	simm.s32 $0x0;
	s5 =	srdreg.scid;
	s20 =	stileid.u32  }
0x5: {  	s28 =	simm.s32 $0x100;
	s29 =	simm.s32 $0x180;
	s30 =	simm.s32 $0x4200  }
0x6: {  	s31 =	simm.s32 $0x1;
	[smem:$0x7FF] =	sst s2;
	s6 =	smul.u32 $0x50000, s20  }
0x7: {  	s4 =	sadd.s32 $0xC600, s3;
	s10 =	sand.u32 $0x1, s5;
	s12 =	smul.u32 $0x14000, s20  }
0x8: {  	s11 =	sadd.s32 $0x2600, s3;
	s24 =	sshll.u32 s20, $0x1;
	s20 =	smul.u32 $0x5000, s20  }
0x9: {  	s3 =	sadd.s32 $0x34600, s3;
	_ =	strace $0x8000004A;
	s16 =	smul.u32 $0x140000, s10  }
0xa: {  	s5 =	ssub.s32 $0x2, s10;
	s25 =	sor.u32 s10, s24;
	s10 =	smul.u32 $0x2800, s10  }
0xb: {  	s7 =	sshrl.u32 s5, $0x1;
	s6 =	sshrl.u32 s6, $0x2;
	s13 =	sadd.s32 $0x4000, s12  }
0xc: {  	s14 =	sadd.s32 $0x8000, s12;
	s9 =	smul.u32 $0x2800, s25;
	s15 =	sadd.s32 $0xC000, s12  }
0xd: {  	s18 =	sadd.s32 $0x10000, s12;
	s17 =	ssub.s32 s5, s7;
	s5 =	sadd.s32 s6, s1  }
0xe: {  	s6 =	sadd.s32 s13, s1;
	s7 =	sadd.s32 s14, s1;
	s8 =	sadd.s32 s15, s1  }
0xf: {  	s12 =	sadd.s32 s12, s16;
	s13 =	sadd.s32 s16, s13;
	s14 =	sadd.s32 s16, s14  }
0x10: {  	s15 =	sadd.s32 s16, s15;
	s16 =	sadd.s32 s16, s18;
	s24 =	sadd.s32 s10, s20  }
0x11: {  	s19 =	sshrl.u32 s9, $0x3;
	s9 =	sadd.s32 s18, s1;
	s12 =	sshrl.u32 s12, $0x3  }
0x12: {  	s22 =	sshrl.u32 s14, $0x3;
	s23 =	sshrl.u32 s15, $0x3;
	s16 =	sshrl.u32 s16, $0x3  }
0x13: {  	s17 =	smax.u32 s17, $0x1;
	s21 =	sadd.s32 s0, s19;
	s26 =	sadd.s32 s11, s19  }
0x14: {  	s12 =	sadd.s32 s3, s12;
	s15 =	sadd.s32 s3, s23;
	[dreg:$0x4] =	wrdreg s21  }
0x15: {  	s16 =	sadd.s32 s3, s16;
	s25 =	sadd.s32 $0x4F0, s19;
	[dreg:$0x5] =	wrdreg s26  }
0x16: {  	[dreg:$0x6] =	wrdreg s12;
	s21 =	sshrl.u32 s13, $0x3;
	s26 =	sor.u32 $0x100, s24  }
0x17: {  	s18 =	sadd.s32 s0, s25;
	s19 =	sadd.s32 s11, s25;
	s12 =	sadd.s32 s3, s21  }
0x18: {  	s25 =	simm.s32 $0x3;
	[dreg:$0x7] =	wrdreg s12;
	s12 =	sadd.s32 s3, s22  }
0x19: {  	s3 =	sor.u32 $0x80, s24;
	s24 =	simm.s32 $0x200;
	[dreg:$0x8] =	wrdreg s12  }
0x1a: {  	s12 =	sshrl.u32 s26, $0x3;
	s3 =	sshrl.u32 s3, $0x3;
	s26 =	simm.s32 $0x80  }
0x1b: {  	s20 =	sadd.s32 s12, s11;
	s21 =	sadd.s32 s12, s0;
	s22 =	sadd.s32 s3, s11  }
0x1c: {  	v0 =	vimm.f32 $0.0e+00;
	s23 =	sadd.s32 s3, s0;
	s0 =	simm.s32 $0x2;
	s3 =	simm.s32 $0x0  }
.LBB2_1:
0x1d: {  	s10 =	sand.u32 $0xFE00, s2  }
0x1e: {  	s11 =	sand.u32 $0x70, s2;
	s12 =	sshrl.u32 s10, $0x2  }
0x1f: {  	s10 =	simm.s32 $0x40;
	s12 =	sor.u32 s11, s12;
	s11 =	simm.s32 $0x0  }
.LBB2_2:
0x20: {  	p0 =	sne.s32 s10, $0xFFC0  }
0x21: {  	[tilespmem:s12+$0x200] =	vst v0;
	s11 =	sadd.s32 $0x10, s11;
	s12 =	smov.u32 s10;
	s10 =	sadd.s32 $0x40, s10  }
.Ltmp0:
0x22: {  	(pc) =	sbr.rel @p0 .LBB2_2-.Ltmp0, $4  }
0x23: {  	_ = 	snop  }
0x24: {  	s12 =	sand.u32 $0xFE00, s12  }
0x25: {  	s13 =	sand.u32 $0x70, s11;
	s12 =	sshrl.u32 s12, $0x2  }
0x26: {  	s12 =	sor.u32 s13, s12  }
0x27: {  	[tilespmem:s12+$0x200] =	vst v0  }
0x28: {  	[spmem:s5] =	stream.linear.scatter [tilespmem:s24], [sflag:$0x3], $0x4000, $0x38;
	[tilespmem:$0x1C200] =	vst v63  }
0x29: {  	_ =	swait.ge [sflag:s25], $0x4000  }
0x2a: {  	[sflag:s25] =	ssyncset.done $0x0  }
0x2b: {  	[sflag:s25] =	ssyncadd.s32 $0xFFFFC000  }
0x2c: {  	[spmem:s6] =	stream.linear.scatter [tilespmem:s24], [sflag:$0x3], $0x4000, $0x38;
	[tilespmem:$0x1C200] =	vst v63  }
0x2d: {  	_ =	swait.ge [sflag:s25], $0x4000  }
0x2e: {  	[sflag:s25] =	ssyncset.done $0x0  }
0x2f: {  	[sflag:s25] =	ssyncadd.s32 $0xFFFFC000  }
0x30: {  	[spmem:s7] =	stream.linear.scatter [tilespmem:s24], [sflag:$0x3], $0x4000, $0x38;
	[tilespmem:$0x1C200] =	vst v63  }
0x31: {  	_ =	swait.ge [sflag:s25], $0x4000  }
0x32: {  	[sflag:s25] =	ssyncset.done $0x0  }
0x33: {  	[sflag:s25] =	ssyncadd.s32 $0xFFFFC000  }
0x34: {  	[spmem:s8] =	stream.linear.scatter [tilespmem:s24], [sflag:$0x3], $0x4000, $0x38;
	[tilespmem:$0x1C200] =	vst v63  }
0x35: {  	_ =	swait.ge [sflag:s25], $0x4000  }
0x36: {  	[sflag:s25] =	ssyncset.done $0x0  }
0x37: {  	[sflag:s25] =	ssyncadd.s32 $0xFFFFC000  }
0x38: {  	[spmem:s9] =	stream.linear.scatter [tilespmem:s24], [sflag:$0x3], $0x4000, $0x38;
	[tilespmem:$0x1C200] =	vst v63  }
0x39: {  	_ =	swait.ge [sflag:s25], $0x4000  }
0x3a: {  	[sflag:s25] =	ssyncset.done $0x0  }
0x3b: {  	s10 =	simm.s32 $0x0;
	s11 =	rddreg [dreg:$0x4];
	[sflag:s25] =	ssyncadd.s32 $0xFFFFC000  }
0x3c: {  	[tilespmem:s10], [sflag:$0x3] =	stream.linear.gather [hbm4b:s11+s10], $0x80, $0x38;
	[tilespmem:$0x1C200] =	vst v63  }
0x3d: {  	_ =	swait.ge [sflag:s25], $0x80  }
0x3e: {  	[sflag:s25] =	ssyncset.done $0x0  }
0x3f: {  	s14 =	rddreg [dreg:$0x5];
	[sflag:s25] =	ssyncadd.s32 $0xFFFFFF80  }
0x40: {  	[tilespmem:s26], [sflag:$0x3] =	stream.linear.gather [hbm4b:s14+s10], $0x80, $0x38;
	[tilespmem:$0x1C200] =	vst v63  }
0x41: {  	_ =	swait.ge [sflag:s25], $0x80  }
0x42: {  	[sflag:s25] =	ssyncset.done $0x0  }
0x43: {  	[sflag:s25] =	ssyncadd.s32 $0xFFFFFF80  }
0x44: {  	[tilespmem:s24], [sflag:$0x1] =	stream.indirect.gather [hbm4b:s4+s26], $0x80, s10, s26, $0xb8;
	[tilespmem:$0x1C200] =	vst v63  }
0x45: {  	s11 =	sadd.s32 $0x0, s23;
	[bflag:$0x0] =	sbarrier.arrive $0xFFFF  }
0x46: {  	[tilespmem:s28], [sflag:$0x3] =	stream.linear.gather [hbm4b:s11+s2], $0x80, $0x38;
	[tilespmem:$0x1C200] =	vst v63  }
0x47: {  	_ =	swait.ge [sflag:s25], $0x80  }
0x48: {  	[sflag:s25] =	ssyncset.done $0x0  }
0x49: {  	s12 =	sadd.s32 $0x0, s22;
	[sflag:s25] =	ssyncadd.s32 $0xFFFFFF80  }
0x4a: {  	[tilespmem:s29], [sflag:$0x3] =	stream.linear.gather [hbm4b:s12+s2], $0x80, $0x38;
	[tilespmem:$0x1C200] =	vst v63  }
0x4b: {  	_ =	swait.ge [sflag:s25], $0x80  }
0x4c: {  	[sflag:s25] =	ssyncset.done $0x0  }
0x4d: {  	[sflag:s25] =	ssyncadd.s32 $0xFFFFFF80  }
0x4e: {  	[tilespmem:s30], [sflag:$0x2] =	stream.indirect.gather [hbm4b:s4+s26], $0x80, s28, s26, $0xb8;
	[tilespmem:$0x1C200] =	vst v63  }
0x4f: {  	_ =	swait.ge [sflag:s31], $0x4000  }
0x50: {  	[sflag:s31] =	ssyncset.done $0x0  }
0x51: {  	[sflag:s31] =	ssyncadd.s32 $0xFFFFC000  }
0x52: {  	[spmem:s1] =	stream.indirect.scatter.add.f32 [tilespmem:s24], [sflag:$0x3], $0x80, s26, s26, $0xb8;
	[tilespmem:$0x1C200] =	vst v63  }
0x53: {  	_ =	swait.ge [sflag:s25], $0x4000  }
0x54: {  	[sflag:s25] =	ssyncset.done $0x0  }
0x55: {  	s13 =	sadd.s32 $0x0, s21;
	[sflag:s25] =	ssyncadd.s32 $0xFFFFC000  }
0x56: {  	[tilespmem:s2], [sflag:$0x3] =	stream.linear.gather [hbm4b:s13+s2], $0x80, $0x38;
	[tilespmem:$0x1C200] =	vst v63  }
0x57: {  	_ =	swait.ge [sflag:s25], $0x80  }
0x58: {  	[sflag:s25] =	ssyncset.done $0x0  }
0x59: {  	s14 =	sadd.s32 $0x0, s20;
	[sflag:s25] =	ssyncadd.s32 $0xFFFFFF80  }
0x5a: {  	[tilespmem:s26], [sflag:$0x3] =	stream.linear.gather [hbm4b:s14+s2], $0x80, $0x38;
	[tilespmem:$0x1C200] =	vst v63  }
0x5b: {  	_ =	swait.ge [sflag:s25], $0x80  }
0x5c: {  	[sflag:s25] =	ssyncset.done $0x0  }
0x5d: {  	[sflag:s25] =	ssyncadd.s32 $0xFFFFFF80  }
0x5e: {  	[tilespmem:s24], [sflag:$0x1] =	stream.indirect.gather [hbm4b:s4+s26], $0x80, s2, s26, $0xb8;
	[tilespmem:$0x1C200] =	vst v63  }
0x5f: {  	_ =	swait.ge [sflag:s0], $0x4000  }
0x60: {  	[sflag:s0] =	ssyncset.done $0x0  }
0x61: {  	[sflag:s0] =	ssyncadd.s32 $0xFFFFC000  }
0x62: {  	[spmem:s1] =	stream.indirect.scatter.add.f32 [tilespmem:s30], [sflag:$0x3], $0x80, s29, s26, $0xb8;
	[tilespmem:$0x1C200] =	vst v63  }
0x63: {  	_ =	swait.ge [sflag:s25], $0x4000  }
0x64: {  	s10 =	simm.s32 $0x20;
	s11 =	simm.s32 $0x40;
	[sflag:s25] =	ssyncset.done $0x0  }
.LBB2_4:
0x65: {  	s13 =	sadd.s32 s10, s23  }
0x66: {  	[sflag:s25] =	ssyncadd.s32 $0xFFFFC000;
	s14 =	smov.u32 s11;
	s12 =	sadd.s32 $0x20, s11  }
0x67: {  	[tilespmem:s28], [sflag:$0x3] =	stream.linear.gather [hbm4b:s13+s2], $0x80, $0x38;
	[tilespmem:$0x1C200] =	vst v63  }
0x68: {  	p0 =	sne.s32 s11, $0x4C0;
	_ =	swait.ge [sflag:s25], $0x80  }
0x69: {  	[sflag:s25] =	ssyncset.done $0x0  }
0x6a: {  	s11 =	sadd.s32 s10, s22;
	[sflag:s25] =	ssyncadd.s32 $0xFFFFFF80  }
0x6b: {  	[tilespmem:s29], [sflag:$0x3] =	stream.linear.gather [hbm4b:s11+s2], $0x80, $0x38;
	[tilespmem:$0x1C200] =	vst v63  }
0x6c: {  	_ =	swait.ge [sflag:s25], $0x80  }
0x6d: {  	[sflag:s25] =	ssyncset.done $0x0  }
0x6e: {  	[sflag:s25] =	ssyncadd.s32 $0xFFFFFF80  }
0x6f: {  	[tilespmem:s30], [sflag:$0x2] =	stream.indirect.gather [hbm4b:s4+s26], $0x80, s28, s26, $0xb8;
	[tilespmem:$0x1C200] =	vst v63  }
0x70: {  	_ =	swait.ge [sflag:s31], $0x4000  }
0x71: {  	[sflag:s31] =	ssyncset.done $0x0  }
0x72: {  	[sflag:s31] =	ssyncadd.s32 $0xFFFFC000  }
0x73: {  	[spmem:s1] =	stream.indirect.scatter.add.f32 [tilespmem:s24], [sflag:$0x3], $0x80, s26, s26, $0xb8;
	[tilespmem:$0x1C200] =	vst v63  }
0x74: {  	_ =	swait.ge [sflag:s25], $0x4000  }
0x75: {  	[sflag:s25] =	ssyncset.done $0x0  }
0x76: {  	s11 =	sadd.s32 s10, s21;
	[sflag:s25] =	ssyncadd.s32 $0xFFFFC000  }
0x77: {  	[tilespmem:s2], [sflag:$0x3] =	stream.linear.gather [hbm4b:s11+s2], $0x80, $0x38;
	[tilespmem:$0x1C200] =	vst v63  }
0x78: {  	_ =	swait.ge [sflag:s25], $0x80  }
0x79: {  	[sflag:s25] =	ssyncset.done $0x0  }
0x7a: {  	s11 =	sadd.s32 s10, s20;
	s10 =	smov.u32 s14;
	[sflag:s25] =	ssyncadd.s32 $0xFFFFFF80  }
0x7b: {  	[tilespmem:s26], [sflag:$0x3] =	stream.linear.gather [hbm4b:s11+s2], $0x80, $0x38;
	[tilespmem:$0x1C200] =	vst v63  }
0x7c: {  	_ =	swait.ge [sflag:s25], $0x80  }
0x7d: {  	[sflag:s25] =	ssyncset.done $0x0  }
0x7e: {  	[sflag:s25] =	ssyncadd.s32 $0xFFFFFF80  }
0x7f: {  	[tilespmem:s24], [sflag:$0x1] =	stream.indirect.gather [hbm4b:s4+s26], $0x80, s2, s26, $0xb8;
	[tilespmem:$0x1C200] =	vst v63  }
0x80: {  	_ =	swait.ge [sflag:s0], $0x4000  }
.Ltmp1:
0x81: {  	[sflag:s0] =	ssyncset.done $0x0;
	(pc) =	sbr.rel @p0 .LBB2_4-.Ltmp1, $4  }
0x82: {  	[sflag:s0] =	ssyncadd.s32 $0xFFFFC000  }
0x83: {  	[spmem:s1] =	stream.indirect.scatter.add.f32 [tilespmem:s30], [sflag:$0x3], $0x80, s29, s26, $0xb8;
	[tilespmem:$0x1C200] =	vst v63  }
0x84: {  	_ =	swait.ge [sflag:s25], $0x4000  }
0x85: {  	s11 =	smov.u32 s12;
	[sflag:s25] =	ssyncset.done $0x0  }
0x86: {  	s11 =	sadd.s32 s10, s23;
	[sflag:s25] =	ssyncadd.s32 $0xFFFFC000  }
0x87: {  	[tilespmem:s28], [sflag:$0x3] =	stream.linear.gather [hbm4b:s11+s2], $0x80, $0x38;
	[tilespmem:$0x1C200] =	vst v63  }
0x88: {  	_ =	swait.ge [sflag:s25], $0x80  }
0x89: {  	[sflag:s25] =	ssyncset.done $0x0  }
0x8a: {  	s13 =	sadd.s32 s10, s22;
	[sflag:s25] =	ssyncadd.s32 $0xFFFFFF80  }
0x8b: {  	[tilespmem:s29], [sflag:$0x3] =	stream.linear.gather [hbm4b:s13+s2], $0x80, $0x38;
	[tilespmem:$0x1C200] =	vst v63  }
0x8c: {  	_ =	swait.ge [sflag:s25], $0x80  }
0x8d: {  	[sflag:s25] =	ssyncset.done $0x0  }
0x8e: {  	[sflag:s25] =	ssyncadd.s32 $0xFFFFFF80  }
0x8f: {  	[tilespmem:s30], [sflag:$0x2] =	stream.indirect.gather [hbm4b:s4+s26], $0x80, s28, s26, $0xb8;
	[tilespmem:$0x1C200] =	vst v63  }
0x90: {  	_ =	swait.ge [sflag:s31], $0x4000  }
0x91: {  	[sflag:s31] =	ssyncset.done $0x0  }
0x92: {  	[sflag:s31] =	ssyncadd.s32 $0xFFFFC000  }
0x93: {  	[spmem:s1] =	stream.indirect.scatter.add.f32 [tilespmem:s24], [sflag:$0x3], $0x80, s26, s26, $0xb8;
	[tilespmem:$0x1C200] =	vst v63  }
0x94: {  	_ =	swait.ge [sflag:s25], $0x4000  }
0x95: {  	[sflag:s25] =	ssyncset.done $0x0  }
0x96: {  	s14 =	sadd.s32 s10, s21;
	[sflag:s25] =	ssyncadd.s32 $0xFFFFC000  }
0x97: {  	[tilespmem:s2], [sflag:$0x3] =	stream.linear.gather [hbm4b:s14+s2], $0x80, $0x38;
	[tilespmem:$0x1C200] =	vst v63  }
0x98: {  	_ =	swait.ge [sflag:s25], $0x80  }
0x99: {  	[sflag:s25] =	ssyncset.done $0x0  }
0x9a: {  	s11 =	sadd.s32 s10, s20;
	[sflag:s25] =	ssyncadd.s32 $0xFFFFFF80  }
0x9b: {  	[tilespmem:s26], [sflag:$0x3] =	stream.linear.gather [hbm4b:s11+s2], $0x80, $0x38;
	[tilespmem:$0x1C200] =	vst v63  }
0x9c: {  	_ =	swait.ge [sflag:s25], $0x80  }
0x9d: {  	[sflag:s25] =	ssyncset.done $0x0  }
0x9e: {  	[sflag:s25] =	ssyncadd.s32 $0xFFFFFF80  }
0x9f: {  	[tilespmem:s24], [sflag:$0x1] =	stream.indirect.gather [hbm4b:s4+s26], $0x80, s2, s26, $0xb8;
	[tilespmem:$0x1C200] =	vst v63  }
0xa0: {  	_ =	swait.ge [sflag:s0], $0x4000  }
0xa1: {  	[sflag:s0] =	ssyncset.done $0x0  }
0xa2: {  	[sflag:s0] =	ssyncadd.s32 $0xFFFFC000  }
0xa3: {  	[spmem:s1] =	stream.indirect.scatter.add.f32 [tilespmem:s30], [sflag:$0x3], $0x80, s29, s26, $0xb8;
	[tilespmem:$0x1C200] =	vst v63  }
0xa4: {  	_ =	swait.ge [sflag:s25], $0x4000  }
0xa5: {  	[sflag:s25] =	ssyncset.done $0x0  }
0xa6: {  	[sflag:s25] =	ssyncadd.s32 $0xFFFFC000  }
0xa7: {  	[tilespmem:s28], [sflag:$0x3] =	stream.linear.gather [hbm4b:s18+s2], $0x80, $0x38;
	[tilespmem:$0x1C200] =	vst v63  }
0xa8: {  	_ =	swait.ge [sflag:s25], $0x80  }
0xa9: {  	[sflag:s25] =	ssyncset.done $0x0  }
0xaa: {  	[sflag:s25] =	ssyncadd.s32 $0xFFFFFF80  }
0xab: {  	[tilespmem:s29], [sflag:$0x3] =	stream.linear.gather [hbm4b:s19+s2], $0x80, $0x38;
	[tilespmem:$0x1C200] =	vst v63  }
0xac: {  	_ =	swait.ge [sflag:s25], $0x80  }
0xad: {  	[sflag:s25] =	ssyncset.done $0x0  }
0xae: {  	[sflag:s25] =	ssyncadd.s32 $0xFFFFFF80  }
0xaf: {  	[tilespmem:s30], [sflag:$0x2] =	stream.indirect.gather [hbm4b:s4+s26], $0x80, s28, s26, $0xb8;
	[tilespmem:$0x1C200] =	vst v63  }
0xb0: {  	_ =	swait.ge [sflag:s31], $0x4000  }
0xb1: {  	[sflag:s31] =	ssyncset.done $0x0  }
0xb2: {  	[sflag:s31] =	ssyncadd.s32 $0xFFFFC000  }
0xb3: {  	[spmem:s1] =	stream.indirect.scatter.add.f32 [tilespmem:s24], [sflag:$0x3], $0x80, s26, s26, $0xb8;
	[tilespmem:$0x1C200] =	vst v63  }
0xb4: {  	_ =	swait.ge [sflag:s25], $0x4000  }
0xb5: {  	[sflag:s25] =	ssyncset.done $0x0  }
0xb6: {  	[sflag:s25] =	ssyncadd.s32 $0xFFFFC000  }
0xb7: {  	_ =	swait.ge [sflag:s0], $0x4000  }
0xb8: {  	[sflag:s0] =	ssyncset.done $0x0  }
0xb9: {  	[sflag:s0] =	ssyncadd.s32 $0xFFFFC000  }
0xba: {  	[spmem:s1] =	stream.indirect.scatter.add.f32 [tilespmem:s30], [sflag:$0x3], $0x80, s29, s26, $0xb8;
	[tilespmem:$0x1C200] =	vst v63  }
0xbb: {  	_ =	swait.ge [sflag:s25], $0x4000  }
0xbc: {  	[sflag:s25] =	ssyncset.done $0x0  }
0xbd: {  	[sflag:s25] =	ssyncadd.s32 $0xFFFFC000  }
0xbe: {  	[bflag:$0x0] =	sbarrier.arrive $0xFFFF  }
0xbf: {  	[tilespmem:s24], [sflag:$0x3] =	stream.linear.gather [spmem:s5], $0x4000, $0x38;
	[tilespmem:$0x1C200] =	vst v63  }
0xc0: {  	_ =	swait.ge [sflag:s25], $0x4000  }
0xc1: {  	[sflag:s25] =	ssyncset.done $0x0  }
0xc2: {  	s12 =	rddreg [dreg:$0x6];
	[sflag:s25] =	ssyncadd.s32 $0xFFFFC000  }
0xc3: {  	[hbm4b:s12+s2] =	stream.linear.scatter [tilespmem:s24], [sflag:$0x3], $0x4000, $0x38;
	[tilespmem:$0x1C200] =	vst v63  }
0xc4: {  	_ =	swait.ge [sflag:s25], $0x4000  }
0xc5: {  	[sflag:s25] =	ssyncset.done $0x0  }
0xc6: {  	[sflag:s25] =	ssyncadd.s32 $0xFFFFC000  }
0xc7: {  	[tilespmem:s24], [sflag:$0x3] =	stream.linear.gather [spmem:s6], $0x4000, $0x38;
	[tilespmem:$0x1C200] =	vst v63  }
0xc8: {  	_ =	swait.ge [sflag:s25], $0x4000  }
0xc9: {  	[sflag:s25] =	ssyncset.done $0x0  }
0xca: {  	s13 =	rddreg [dreg:$0x7];
	[sflag:s25] =	ssyncadd.s32 $0xFFFFC000  }
0xcb: {  	[hbm4b:s13+s2] =	stream.linear.scatter [tilespmem:s24], [sflag:$0x3], $0x4000, $0x38;
	[tilespmem:$0x1C200] =	vst v63  }
0xcc: {  	_ =	swait.ge [sflag:s25], $0x4000  }
0xcd: {  	[sflag:s25] =	ssyncset.done $0x0  }
0xce: {  	[sflag:s25] =	ssyncadd.s32 $0xFFFFC000  }
0xcf: {  	[tilespmem:s24], [sflag:$0x3] =	stream.linear.gather [spmem:s7], $0x4000, $0x38;
	[tilespmem:$0x1C200] =	vst v63  }
0xd0: {  	_ =	swait.ge [sflag:s25], $0x4000  }
0xd1: {  	[sflag:s25] =	ssyncset.done $0x0  }
0xd2: {  	s14 =	rddreg [dreg:$0x8];
	[sflag:s25] =	ssyncadd.s32 $0xFFFFC000  }
0xd3: {  	[hbm4b:s14+s2] =	stream.linear.scatter [tilespmem:s24], [sflag:$0x3], $0x4000, $0x38;
	[tilespmem:$0x1C200] =	vst v63  }
0xd4: {  	_ =	swait.ge [sflag:s25], $0x4000  }
0xd5: {  	[sflag:s25] =	ssyncset.done $0x0  }
0xd6: {  	[sflag:s25] =	ssyncadd.s32 $0xFFFFC000  }
0xd7: {  	[tilespmem:s24], [sflag:$0x3] =	stream.linear.gather [spmem:s8], $0x4000, $0x38;
	[tilespmem:$0x1C200] =	vst v63  }
0xd8: {  	_ =	swait.ge [sflag:s25], $0x4000  }
0xd9: {  	[sflag:s25] =	ssyncset.done $0x0  }
0xda: {  	[sflag:s25] =	ssyncadd.s32 $0xFFFFC000  }
0xdb: {  	[hbm4b:s15+s2] =	stream.linear.scatter [tilespmem:s24], [sflag:$0x3], $0x4000, $0x38;
	[tilespmem:$0x1C200] =	vst v63  }
0xdc: {  	_ =	swait.ge [sflag:s25], $0x4000  }
0xdd: {  	[sflag:s25] =	ssyncset.done $0x0  }
0xde: {  	[sflag:s25] =	ssyncadd.s32 $0xFFFFC000  }
0xdf: {  	[tilespmem:s24], [sflag:$0x3] =	stream.linear.gather [spmem:s9], $0x4000, $0x38;
	[tilespmem:$0x1C200] =	vst v63  }
0xe0: {  	s3 =	sadd.s32 $0x1, s3;
	_ =	swait.ge [sflag:s25], $0x4000  }
0xe1: {  	p0 =	sne.s32 s3, s17;
	[sflag:s25] =	ssyncset.done $0x0  }
.Ltmp2:
0xe2: {  	[sflag:s25] =	ssyncadd.s32 $0xFFFFC000;
	(pc) =	sbr.rel @p0 .LBB2_1-.Ltmp2, $4  }
0xe3: {  	[hbm4b:s16+s2] =	stream.linear.scatter [tilespmem:s24], [sflag:$0x3], $0x4000, $0x38;
	[tilespmem:$0x1C200] =	vst v63  }
0xe4: {  	_ =	swait.ge [sflag:s25], $0x4000  }
0xe5: {  	[sflag:s25] =	ssyncset.done $0x0  }
0xe6: {  	[sflag:s25] =	ssyncadd.s32 $0xFFFFC000  }
0xe7: {  	_ =	sfence.sel $0x180000  }
0xe8: {  	[bflag:$0x0] =	sbarrier.arrive $0xFFFF  }
0xe9: {  	_ =	strace $0x9000004A  }
0xea: {  	s0 =	stileid.u32;
	[bflag:$0x2] =	sbarrier.arrive $0xFFFF  }
0xeb: {  	p0 =	sne.s32 s0, $0x0;
	s0 =	rddreg [dreg:$0x3]  }
0xec: {  	s0 =	sadd.s32 @!p0 $0x100000, s0  }
0xed: {  	[sflag:s0] =	ssyncadd.tile.s32 @!p0 $0x1;
	_ =	shalt  }
.Lfunc_end2:
_tile_overlayer_lowered:
.L_overlay_start_2:
0xee: {  	(tag) =	ssettag $0x2  }
0xef: {  	s0 =	rddreg [dreg:$0x0];
	s2 =	stileid.u32  }
0xf0: {  	s1 =	rddreg [dreg:$0x1];
	p0 =	sne.s32 s2, $0x0  }
0xf1: {  	s3 =	rddreg [dreg:$0x2];
	[bflag:$0x3] =	sbarrier.arrive $0xFFFF;
	s2 =	simm.s32 @!p0 $0x1C03  }
0xf2: {  	[timem:s3], [sflag:s2] =	dma.local @!p0 [hbm:s0], s1  }
0xf3: {  	s0 =	simm.s32 @!p0 $0x3  }
0xf4: {  	_ =	swait.ge @!p0 [sflag:s0], s1  }
0xf5: {  	s1 =	ssub.s32 @!p0 $0x0, s1;
	[sflag:s0] =	ssyncset.done @!p0 $0x0  }
0xf6: {  	[sflag:s0] =	ssyncadd.s32 @!p0 s1  }
0xf7: {  	[bflag:$0x3] =	sbarrier.arrive $0xFFFF  }
0xf8: {  	_ =	shalt  }

</sc_bundles>
